<compile_context>
chip_gen: v7x
topology: tpu7x:2x2x1
jax: 0.10.2.dev20260603
libtpu: 0.0.44.dev20260713+nightly
codegen_flags: <defaults>
</compile_context>

<pallas_src>
import functools

import jax
import jax.numpy as jnp
from jax import lax
from jax.experimental import pallas as pl
from jax.experimental.pallas import tpu as pltpu
from jax.experimental.pallas import tpu_sc as plsc

_VOCAB = 1000000
_D = 64
_B = 16384
_L = 50
_COEFF = 0.5
_N = _B * _L


_HALF = 524288
_CB = 8192
_NMB = _HALF // _CB


def _merge_body(t0lo_ref, t1lo_ref, t0hi_ref, t1hi_ref, w_ref, out_ref):
    alo = jnp.concatenate([t0lo_ref[...], t1lo_ref[...]], axis=0)
    ahi = jnp.concatenate([t0hi_ref[...], t1hi_ref[...]], axis=0)
    dn = (((0,), (0,)), ((), ()))
    out_ref[:, : _D] = lax.dot_general(
        alo, w_ref[...], dn, preferred_element_type=jnp.float32)
    out_ref[:, _D :] = lax.dot_general(
        ahi, w_ref[...], dn, preferred_element_type=jnp.float32)


def _merge_tables(t0t, t1t, w):
    last = pl.cdiv(_VOCAB, _CB) - 1
    lo = lambda i: (0, i)
    hi = lambda i: (0, jnp.minimum(i + _NMB, last))
    return pl.pallas_call(
        _merge_body,
        grid=(_NMB,),
        in_specs=[
            pl.BlockSpec((_D, _CB), lo),
            pl.BlockSpec((_D, _CB), lo),
            pl.BlockSpec((_D, _CB), hi),
            pl.BlockSpec((_D, _CB), hi),
            pl.BlockSpec((2 * _D, _D), lambda i: (0, 0)),
        ],
        out_specs=pl.BlockSpec((_CB, 2 * _D), lambda i: (i, 0)),
        out_shape=jax.ShapeDtypeStruct((_HALF, 2 * _D), jnp.float32),
    )(t0t, t1t, t0t, t1t, w)



_NW = 32
_BW = _B // _NW
_G = 128
_NG = _BW // _G


def _gather_merged(merged2, idx3, l0, nl):
    mesh = plsc.VectorSubcoreMesh(core_axis_name="c", subcore_axis_name="s")

    @functools.partial(
        pl.kernel,
        mesh=mesh,
        out_type=jax.ShapeDtypeStruct((nl * _B, _D), jnp.float32),
        scratch_types=[
            pltpu.VMEM((_NG, _G), jnp.int32),
            pltpu.VMEM((_BW, _D), jnp.float32),
            pltpu.SemaphoreType.DMA,
        ],
        compiler_params=pltpu.CompilerParams(use_tc_tiling_on_sc=False),
    )
    def _gather_kernel(m_hbm, idx_hbm, out_hbm, idx_v, rows_v, sem):
        wid = lax.axis_index("s") * 2 + lax.axis_index("c")
        b0 = wid * _BW

        def body(l, carry):
            pltpu.sync_copy(idx_hbm.at[l0 + l, pl.ds(wid * _NG, _NG)], idx_v)
            copies = []
            for j in range(_NG):
                copies.append(
                    pltpu.async_copy(
                        m_hbm.at[idx_v.at[j]],
                        rows_v.at[pl.ds(j * _G, _G)],
                        sem,
                    )
                )
            for c in copies:
                c.wait()
            pltpu.sync_copy(rows_v, out_hbm.at[pl.ds(l * _B + b0, _BW)])
            return carry

        lax.fori_loop(0, nl, body, 0)

    return _gather_kernel(merged2, idx3)



_HB = _BW // 2
_FC = 16


def _format_body(g_ref, out_ref):
    for c in range(_FC):
        t = g_ref[0, c].T
        out_ref[0, :, c * _BW : c * _BW + _HB] = t[: _D]
        out_ref[0, :, c * _BW + _HB : (c + 1) * _BW] = t[_D:]


def _format_body_alias(g_ref, prev_ref, out_ref):
    del prev_ref
    _format_body(g_ref, out_ref)


def _format_out(g4, l0, nl, prev=None):
    grid = (nl, _B // (_BW * _FC))
    in_specs = [pl.BlockSpec((1, _FC, _HB, 2 * _D), lambda l, c: (l, c, 0, 0))]
    args = (g4,)
    kwargs = {}
    body = _format_body
    if prev is not None:
        in_specs.append(pl.BlockSpec(memory_space=pl.ANY))
        args = (g4, prev)
        kwargs = dict(input_output_aliases={1: 0})
        body = _format_body_alias
    return pl.pallas_call(
        body,
        grid=grid,
        in_specs=in_specs,
        out_specs=pl.BlockSpec((1, _D, _BW * _FC), lambda l, c: (l0 + l, 0, c)),
        out_shape=jax.ShapeDtypeStruct((_L, _D, _B), jnp.float32),
        **kwargs,
    )(*args)


def kernel(x, table0, table1, P):
    w = jnp.concatenate(
        [(1.0 - _COEFF) * jnp.eye(_D, dtype=jnp.float32), _COEFF * P], axis=0
    )
    merged = _merge_tables(table0.T, table1.T, w)
    xt = x.T.astype(jnp.int32)
    idx = jnp.where(xt < _HALF, 2 * xt, 2 * (xt - _HALF) + 1)
    idx_perm = idx.reshape(_L, _B // _BW, 2, _HB).transpose(0, 1, 3, 2)
    idx3 = idx_perm.reshape(_L, _B // _G, _G)
    m2 = merged.reshape(2 * _HALF, _D)
    slices = (13, 13, 12, 12)
    gs = []
    l0 = 0
    for nl in slices:
        gs.append((l0, nl, _gather_merged(m2, idx3, l0, nl)))
        l0 += nl
    out = None
    for l0, nl, g in gs:
        out = _format_out(
            g.reshape(nl, _B // _BW, _HB, 2 * _D), l0, nl, prev=out
        )
    return jnp.transpose(out, (2, 0, 1))

# --- scband reference (transcript-rebuilt; emitter-appended) ---
"""Pipeline reference for scband-embedding-merger-85787676770734 (READ-ONLY COPY).

The authoritative reference and input builder live on the scoring server;
editing this copy changes nothing except your own understanding.
"""

import jax, jax.numpy as jnp
import numpy as np

VOCAB = 1000000
EMBED_DIM = 64
BATCH = 16384
HIST = 50
COEFF = 0.5  # module's set_coeff value; constant w.r.t. forward


def setup_inputs(seed: int = 0) -> dict:
    key = jax.random.key(seed)
    k1, k2, k3, k4 = jax.random.split(key, 4)
    x = jax.random.randint(k1, (BATCH, HIST), 0, VOCAB, dtype=jnp.int64 if jax.config.jax_enable_x64 else jnp.int32)
    table0 = jax.random.normal(k2, (VOCAB, EMBED_DIM), dtype=jnp.float32) * 0.02
    table1 = jax.random.normal(k3, (VOCAB, EMBED_DIM), dtype=jnp.float32) * 0.02
    # P: permutation-like alignment matrix mapping embedding_1 space into embedding_0 space
    P = jax.random.normal(k4, (EMBED_DIM, EMBED_DIM), dtype=jnp.float32) / jnp.sqrt(EMBED_DIM)
    return {"x": x, "table0": table0, "table1": table1, "P": P}


def reference(x, table0, table1, P):
    # embedding_0(x): gather from frozen table 0
    e0 = jnp.take(table0, x, axis=0)            # [B, L, D]
    # embedding_1(x) @ P: gather from frozen table 1, then align via P
    e1 = jnp.take(table1, x, axis=0) @ P        # [B, L, D]
    # interpolate(a, b, coeff) = (1 - coeff) * a + coeff * b
    out = (1.0 - COEFF) * e0 + COEFF * e1
    return out

if __name__ == "__main__":
    import jax
    _d = setup_inputs()
    print(jax.jit(kernel)(*tuple(_d.values())))

</pallas_src>

<mosaic_0001>
#map = affine_map<(d0, d1) -> (0, 0)>
#map1 = affine_map<(d0, d1) -> (0, 0, 0)>
module attributes {stable_mosaic.version = 14 : i64} {
  func.func @_gather_kernel(%arg0: i32, %arg1: i32, %arg2: memref<1048576x64xf32, #tpu.memory_space<hbm>>, %arg3: memref<50x128x128xi32, #tpu.memory_space<hbm>>, %arg4: memref<212992x64xf32, #tpu.memory_space<hbm>>, %arg5: memref<4x128xi32, #tpu.memory_space<vmem>>, %arg6: memref<512x64xf32, #tpu.memory_space<vmem>>, %arg7: memref<!tpu.dma_semaphore, #tpu.memory_space<semaphore_mem>>) attributes {dimension_semantics = [#tpu.dimension_semantics<core_parallel>, #tpu.dimension_semantics<subcore_parallel>], iteration_bounds = array<i64: 2, 16>, scalar_prefetch = 0 : i64, scratch_operands = 3 : i64, tpu.core_type = #tpu.core_type<sc_vector_subcore>, window_params = [{transform_indices = #map}, {transform_indices = #map1}, {transform_indices = #map}]} {
    %mul3A = arith.constant 2 : i32
    %mul3A_0 = arith.muli %arg1, %mul3A : i32
    %add3A = arith.addi %mul3A_0, %arg0 : i32
    %mul3A_1 = arith.constant 512 : i32
    %mul3A_2 = arith.muli %add3A, %mul3A_1 : i32
    %scan3A = arith.constant 0 : i32
    %scan3A_3 = arith.constant 0 : i32
    %scan3A_4 = arith.constant 13 : i32
    %scan3A_5 = arith.addi %scan3A_3, %scan3A_4 : i32
    %scan3A_6 = arith.constant 1 : i32
    scf.for %scan3A_8 = %scan3A_3 to %scan3A_5 step %scan3A_6  : i32 {
      %add3A_9 = arith.constant 0 : i32
      %add3A_10 = arith.addi %add3A_9, %scan3A_8 : i32
      %mul3A_11 = arith.constant 4 : i32
      %mul3A_12 = arith.muli %add3A, %mul3A_11 : i32
      "tpu.region"() ({
        %run_scoped3A = tpu.sem_alloc : memref<!tpu.dma_semaphore, #tpu.memory_space<semaphore_mem>>
        %dma_start3A_94 = arith.constant 0 : i32
        %dma_start3A_95 = tpu.memref_slice %arg3[%add3A_10, %mul3A_12, %dma_start3A_94] : memref<50x128x128xi32, #tpu.memory_space<hbm>> -> memref<1x4x128xi32, #tpu.memory_space<hbm>>
        %dma_start3A_96 = tpu.memref_squeeze %dma_start3A_95 : memref<1x4x128xi32, #tpu.memory_space<hbm>> -> memref<4x128xi32, #tpu.memory_space<hbm>>
        %dma_start3A_97 = arith.constant 0 : i32
        %dma_start3A_98 = tpu.memref_slice %arg3[%add3A_10, %mul3A_12, %dma_start3A_97] : memref<50x128x128xi32, #tpu.memory_space<hbm>> -> memref<1x4x128xi32, #tpu.memory_space<hbm>>
        %dma_start3A_99 = tpu.memref_squeeze %dma_start3A_98 : memref<1x4x128xi32, #tpu.memory_space<hbm>> -> memref<4x128xi32, #tpu.memory_space<hbm>>
        tpu.enqueue_dma source(%dma_start3A_99 : memref<4x128xi32, #tpu.memory_space<hbm>>) target(%arg5 : memref<4x128xi32, #tpu.memory_space<vmem>>) target_semaphore(%run_scoped3A : memref<!tpu.dma_semaphore, #tpu.memory_space<semaphore_mem>>)
        %dma_wait3A_100 = arith.constant 0 : i32
        %dma_wait3A_101 = tpu.memref_slice %arg3[%add3A_10, %mul3A_12, %dma_wait3A_100] : memref<50x128x128xi32, #tpu.memory_space<hbm>> -> memref<1x4x128xi32, #tpu.memory_space<hbm>>
        %dma_wait3A_102 = tpu.memref_squeeze %dma_wait3A_101 : memref<1x4x128xi32, #tpu.memory_space<hbm>> -> memref<4x128xi32, #tpu.memory_space<hbm>>
        %dma_wait3A_103 = arith.constant 0 : i32
        %dma_wait3A_104 = tpu.memref_slice %arg3[%add3A_10, %mul3A_12, %dma_wait3A_103] : memref<50x128x128xi32, #tpu.memory_space<hbm>> -> memref<1x4x128xi32, #tpu.memory_space<hbm>>
        %dma_wait3A_105 = tpu.memref_squeeze %dma_wait3A_104 : memref<1x4x128xi32, #tpu.memory_space<hbm>> -> memref<4x128xi32, #tpu.memory_space<hbm>>
        tpu.wait_dma2 semaphore(%run_scoped3A : memref<!tpu.dma_semaphore, #tpu.memory_space<semaphore_mem>>) src(%dma_wait3A_105 : memref<4x128xi32, #tpu.memory_space<hbm>>) dst(%arg5 : memref<4x128xi32, #tpu.memory_space<vmem>>)
        tpu.yield
      }) : () -> ()
      %dma_start3A = arith.constant 0 : i32
      %dma_start3A_13 = arith.constant 0 : i32
      %dma_start3A_14 = arith.constant 0 : i32
      %dma_start3A_15 = tpu.memref_slice %arg6[%dma_start3A_13, %dma_start3A_14] : memref<512x64xf32, #tpu.memory_space<vmem>> -> memref<128x64xf32, #tpu.memory_space<vmem>>
      %dma_start3A_16 = arith.constant 0 : i32
      %dma_start3A_17 = tpu.memref_slice %arg5[%dma_start3A, %dma_start3A_16] : memref<4x128xi32, #tpu.memory_space<vmem>> -> memref<1x128xi32, #tpu.memory_space<vmem>>
      %dma_start3A_18 = tpu.memref_squeeze %dma_start3A_17 : memref<1x128xi32, #tpu.memory_space<vmem>> -> memref<128xi32, #tpu.memory_space<vmem>>
      %dma_start3A_19 = arith.constant 0 : i32
      %dma_start3A_20 = arith.constant 0 : i32
      %dma_start3A_21 = tpu.memref_slice %arg2[%dma_start3A_19, %dma_start3A_20] : memref<1048576x64xf32, #tpu.memory_space<hbm>> -> memref<1048576x64xf32, #tpu.memory_space<hbm>>
      tpu.enqueue_indirect_dma source(%dma_start3A_21 : memref<1048576x64xf32, #tpu.memory_space<hbm>>) target(%dma_start3A_15 : memref<128x64xf32, #tpu.memory_space<vmem>>) offsets(%dma_start3A_18 : memref<128xi32, #tpu.memory_space<vmem>>) semaphore(%arg7 : memref<!tpu.dma_semaphore, #tpu.memory_space<semaphore_mem>>)
      %dma_start3A_22 = arith.constant 1 : i32
      %dma_start3A_23 = arith.constant 128 : i32
      %dma_start3A_24 = arith.constant 0 : i32
      %dma_start3A_25 = tpu.memref_slice %arg6[%dma_start3A_23, %dma_start3A_24] : memref<512x64xf32, #tpu.memory_space<vmem>> -> memref<128x64xf32, #tpu.memory_space<vmem>>
      %dma_start3A_26 = arith.constant 0 : i32
      %dma_start3A_27 = tpu.memref_slice %arg5[%dma_start3A_22, %dma_start3A_26] : memref<4x128xi32, #tpu.memory_space<vmem>> -> memref<1x128xi32, #tpu.memory_space<vmem>>
      %dma_start3A_28 = tpu.memref_squeeze %dma_start3A_27 : memref<1x128xi32, #tpu.memory_space<vmem>> -> memref<128xi32, #tpu.memory_space<vmem>>
      %dma_start3A_29 = arith.constant 0 : i32
      %dma_start3A_30 = arith.constant 0 : i32
      %dma_start3A_31 = tpu.memref_slice %arg2[%dma_start3A_29, %dma_start3A_30] : memref<1048576x64xf32, #tpu.memory_space<hbm>> -> memref<1048576x64xf32, #tpu.memory_space<hbm>>
      tpu.enqueue_indirect_dma source(%dma_start3A_31 : memref<1048576x64xf32, #tpu.memory_space<hbm>>) target(%dma_start3A_25 : memref<128x64xf32, #tpu.memory_space<vmem>>) offsets(%dma_start3A_28 : memref<128xi32, #tpu.memory_space<vmem>>) semaphore(%arg7 : memref<!tpu.dma_semaphore, #tpu.memory_space<semaphore_mem>>)
      %dma_start3A_32 = arith.constant 2 : i32
      %dma_start3A_33 = arith.constant 256 : i32
      %dma_start3A_34 = arith.constant 0 : i32
      %dma_start3A_35 = tpu.memref_slice %arg6[%dma_start3A_33, %dma_start3A_34] : memref<512x64xf32, #tpu.memory_space<vmem>> -> memref<128x64xf32, #tpu.memory_space<vmem>>
      %dma_start3A_36 = arith.constant 0 : i32
      %dma_start3A_37 = tpu.memref_slice %arg5[%dma_start3A_32, %dma_start3A_36] : memref<4x128xi32, #tpu.memory_space<vmem>> -> memref<1x128xi32, #tpu.memory_space<vmem>>
      %dma_start3A_38 = tpu.memref_squeeze %dma_start3A_37 : memref<1x128xi32, #tpu.memory_space<vmem>> -> memref<128xi32, #tpu.memory_space<vmem>>
      %dma_start3A_39 = arith.constant 0 : i32
      %dma_start3A_40 = arith.constant 0 : i32
      %dma_start3A_41 = tpu.memref_slice %arg2[%dma_start3A_39, %dma_start3A_40] : memref<1048576x64xf32, #tpu.memory_space<hbm>> -> memref<1048576x64xf32, #tpu.memory_space<hbm>>
      tpu.enqueue_indirect_dma source(%dma_start3A_41 : memref<1048576x64xf32, #tpu.memory_space<hbm>>) target(%dma_start3A_35 : memref<128x64xf32, #tpu.memory_space<vmem>>) offsets(%dma_start3A_38 : memref<128xi32, #tpu.memory_space<vmem>>) semaphore(%arg7 : memref<!tpu.dma_semaphore, #tpu.memory_space<semaphore_mem>>)
      %dma_start3A_42 = arith.constant 3 : i32
      %dma_start3A_43 = arith.constant 384 : i32
      %dma_start3A_44 = arith.constant 0 : i32
      %dma_start3A_45 = tpu.memref_slice %arg6[%dma_start3A_43, %dma_start3A_44] : memref<512x64xf32, #tpu.memory_space<vmem>> -> memref<128x64xf32, #tpu.memory_space<vmem>>
      %dma_start3A_46 = arith.constant 0 : i32
      %dma_start3A_47 = tpu.memref_slice %arg5[%dma_start3A_42, %dma_start3A_46] : memref<4x128xi32, #tpu.memory_space<vmem>> -> memref<1x128xi32, #tpu.memory_space<vmem>>
      %dma_start3A_48 = tpu.memref_squeeze %dma_start3A_47 : memref<1x128xi32, #tpu.memory_space<vmem>> -> memref<128xi32, #tpu.memory_space<vmem>>
      %dma_start3A_49 = arith.constant 0 : i32
      %dma_start3A_50 = arith.constant 0 : i32
      %dma_start3A_51 = tpu.memref_slice %arg2[%dma_start3A_49, %dma_start3A_50] : memref<1048576x64xf32, #tpu.memory_space<hbm>> -> memref<1048576x64xf32, #tpu.memory_space<hbm>>
      tpu.enqueue_indirect_dma source(%dma_start3A_51 : memref<1048576x64xf32, #tpu.memory_space<hbm>>) target(%dma_start3A_45 : memref<128x64xf32, #tpu.memory_space<vmem>>) offsets(%dma_start3A_48 : memref<128xi32, #tpu.memory_space<vmem>>) semaphore(%arg7 : memref<!tpu.dma_semaphore, #tpu.memory_space<semaphore_mem>>)
      %dma_wait3A = arith.constant 0 : i32
      %dma_wait3A_52 = arith.constant 0 : i32
      %dma_wait3A_53 = arith.constant 0 : i32
      %dma_wait3A_54 = tpu.memref_slice %arg6[%dma_wait3A_52, %dma_wait3A_53] : memref<512x64xf32, #tpu.memory_space<vmem>> -> memref<128x64xf32, #tpu.memory_space<vmem>>
      %dma_wait3A_55 = arith.constant 0 : i32
      %dma_wait3A_56 = tpu.memref_slice %arg5[%dma_wait3A, %dma_wait3A_55] : memref<4x128xi32, #tpu.memory_space<vmem>> -> memref<1x128xi32, #tpu.memory_space<vmem>>
      %dma_wait3A_57 = tpu.memref_squeeze %dma_wait3A_56 : memref<1x128xi32, #tpu.memory_space<vmem>> -> memref<128xi32, #tpu.memory_space<vmem>>
      %dma_wait3A_58 = arith.constant 0 : i32
      %dma_wait3A_59 = arith.constant 0 : i32
      %dma_wait3A_60 = tpu.memref_slice %arg2[%dma_wait3A_58, %dma_wait3A_59] : memref<1048576x64xf32, #tpu.memory_space<hbm>> -> memref<1048576x64xf32, #tpu.memory_space<hbm>>
      tpu.wait_indirect_dma semaphore(%arg7 : memref<!tpu.dma_semaphore, #tpu.memory_space<semaphore_mem>>) src(%dma_wait3A_60 : memref<1048576x64xf32, #tpu.memory_space<hbm>>) dst(%dma_wait3A_54 : memref<128x64xf32, #tpu.memory_space<vmem>>)
      %dma_wait3A_61 = arith.constant 1 : i32
      %dma_wait3A_62 = arith.constant 128 : i32
      %dma_wait3A_63 = arith.constant 0 : i32
      %dma_wait3A_64 = tpu.memref_slice %arg6[%dma_wait3A_62, %dma_wait3A_63] : memref<512x64xf32, #tpu.memory_space<vmem>> -> memref<128x64xf32, #tpu.memory_space<vmem>>
      %dma_wait3A_65 = arith.constant 0 : i32
      %dma_wait3A_66 = tpu.memref_slice %arg5[%dma_wait3A_61, %dma_wait3A_65] : memref<4x128xi32, #tpu.memory_space<vmem>> -> memref<1x128xi32, #tpu.memory_space<vmem>>
      %dma_wait3A_67 = tpu.memref_squeeze %dma_wait3A_66 : memref<1x128xi32, #tpu.memory_space<vmem>> -> memref<128xi32, #tpu.memory_space<vmem>>
      %dma_wait3A_68 = arith.constant 0 : i32
      %dma_wait3A_69 = arith.constant 0 : i32
      %dma_wait3A_70 = tpu.memref_slice %arg2[%dma_wait3A_68, %dma_wait3A_69] : memref<1048576x64xf32, #tpu.memory_space<hbm>> -> memref<1048576x64xf32, #tpu.memory_space<hbm>>
      tpu.wait_indirect_dma semaphore(%arg7 : memref<!tpu.dma_semaphore, #tpu.memory_space<semaphore_mem>>) src(%dma_wait3A_70 : memref<1048576x64xf32, #tpu.memory_space<hbm>>) dst(%dma_wait3A_64 : memref<128x64xf32, #tpu.memory_space<vmem>>)
      %dma_wait3A_71 = arith.constant 2 : i32
      %dma_wait3A_72 = arith.constant 256 : i32
      %dma_wait3A_73 = arith.constant 0 : i32
      %dma_wait3A_74 = tpu.memref_slice %arg6[%dma_wait3A_72, %dma_wait3A_73] : memref<512x64xf32, #tpu.memory_space<vmem>> -> memref<128x64xf32, #tpu.memory_space<vmem>>
      %dma_wait3A_75 = arith.constant 0 : i32
      %dma_wait3A_76 = tpu.memref_slice %arg5[%dma_wait3A_71, %dma_wait3A_75] : memref<4x128xi32, #tpu.memory_space<vmem>> -> memref<1x128xi32, #tpu.memory_space<vmem>>
      %dma_wait3A_77 = tpu.memref_squeeze %dma_wait3A_76 : memref<1x128xi32, #tpu.memory_space<vmem>> -> memref<128xi32, #tpu.memory_space<vmem>>
      %dma_wait3A_78 = arith.constant 0 : i32
      %dma_wait3A_79 = arith.constant 0 : i32
      %dma_wait3A_80 = tpu.memref_slice %arg2[%dma_wait3A_78, %dma_wait3A_79] : memref<1048576x64xf32, #tpu.memory_space<hbm>> -> memref<1048576x64xf32, #tpu.memory_space<hbm>>
      tpu.wait_indirect_dma semaphore(%arg7 : memref<!tpu.dma_semaphore, #tpu.memory_space<semaphore_mem>>) src(%dma_wait3A_80 : memref<1048576x64xf32, #tpu.memory_space<hbm>>) dst(%dma_wait3A_74 : memref<128x64xf32, #tpu.memory_space<vmem>>)
      %dma_wait3A_81 = arith.constant 3 : i32
      %dma_wait3A_82 = arith.constant 384 : i32
      %dma_wait3A_83 = arith.constant 0 : i32
      %dma_wait3A_84 = tpu.memref_slice %arg6[%dma_wait3A_82, %dma_wait3A_83] : memref<512x64xf32, #tpu.memory_space<vmem>> -> memref<128x64xf32, #tpu.memory_space<vmem>>
      %dma_wait3A_85 = arith.constant 0 : i32
      %dma_wait3A_86 = tpu.memref_slice %arg5[%dma_wait3A_81, %dma_wait3A_85] : memref<4x128xi32, #tpu.memory_space<vmem>> -> memref<1x128xi32, #tpu.memory_space<vmem>>
      %dma_wait3A_87 = tpu.memref_squeeze %dma_wait3A_86 : memref<1x128xi32, #tpu.memory_space<vmem>> -> memref<128xi32, #tpu.memory_space<vmem>>
      %dma_wait3A_88 = arith.constant 0 : i32
      %dma_wait3A_89 = arith.constant 0 : i32
      %dma_wait3A_90 = tpu.memref_slice %arg2[%dma_wait3A_88, %dma_wait3A_89] : memref<1048576x64xf32, #tpu.memory_space<hbm>> -> memref<1048576x64xf32, #tpu.memory_space<hbm>>
      tpu.wait_indirect_dma semaphore(%arg7 : memref<!tpu.dma_semaphore, #tpu.memory_space<semaphore_mem>>) src(%dma_wait3A_90 : memref<1048576x64xf32, #tpu.memory_space<hbm>>) dst(%dma_wait3A_84 : memref<128x64xf32, #tpu.memory_space<vmem>>)
      %mul3A_91 = arith.constant 16384 : i32
      %mul3A_92 = arith.muli %scan3A_8, %mul3A_91 : i32
      %add3A_93 = arith.addi %mul3A_92, %mul3A_2 : i32
      "tpu.region"() ({
        %run_scoped3A = tpu.sem_alloc : memref<!tpu.dma_semaphore, #tpu.memory_space<semaphore_mem>>
        %dma_start3A_94 = arith.constant 0 : i32
        %dma_start3A_95 = tpu.memref_slice %arg4[%add3A_93, %dma_start3A_94] : memref<212992x64xf32, #tpu.memory_space<hbm>> -> memref<512x64xf32, #tpu.memory_space<hbm>>
        %dma_start3A_96 = arith.constant 0 : i32
        %dma_start3A_97 = tpu.memref_slice %arg4[%add3A_93, %dma_start3A_96] : memref<212992x64xf32, #tpu.memory_space<hbm>> -> memref<512x64xf32, #tpu.memory_space<hbm>>
        tpu.enqueue_dma source(%arg6 : memref<512x64xf32, #tpu.memory_space<vmem>>) target(%dma_start3A_97 : memref<512x64xf32, #tpu.memory_space<hbm>>) target_semaphore(%run_scoped3A : memref<!tpu.dma_semaphore, #tpu.memory_space<semaphore_mem>>)
        %dma_wait3A_98 = arith.constant 0 : i32
        %dma_wait3A_99 = tpu.memref_slice %arg4[%add3A_93, %dma_wait3A_98] : memref<212992x64xf32, #tpu.memory_space<hbm>> -> memref<512x64xf32, #tpu.memory_space<hbm>>
        %dma_wait3A_100 = arith.constant 0 : i32
        %dma_wait3A_101 = tpu.memref_slice %arg4[%add3A_93, %dma_wait3A_100] : memref<212992x64xf32, #tpu.memory_space<hbm>> -> memref<512x64xf32, #tpu.memory_space<hbm>>
        tpu.wait_dma2 semaphore(%run_scoped3A : memref<!tpu.dma_semaphore, #tpu.memory_space<semaphore_mem>>) src(%arg6 : memref<512x64xf32, #tpu.memory_space<vmem>>) dst(%dma_wait3A_101 : memref<512x64xf32, #tpu.memory_space<hbm>>)
        tpu.yield
      }) : () -> ()
    }
    %scan3A_7 = arith.constant 13 : i32
    return
  }
}

#map = affine_map<(d0, d1) -> (0, 0)>
#map1 = affine_map<(d0, d1) -> (0, 0, 0)>
module attributes {stable_mosaic.version = 14 : i64} {
  func.func @_gather_kernel(%arg0: i32, %arg1: i32, %arg2: memref<1048576x64xf32, #tpu.memory_space<hbm>>, %arg3: memref<50x128x128xi32, #tpu.memory_space<hbm>>, %arg4: memref<212992x64xf32, #tpu.memory_space<hbm>>, %arg5: memref<4x128xi32, #tpu.memory_space<vmem>>, %arg6: memref<512x64xf32, #tpu.memory_space<vmem>>, %arg7: memref<!tpu.dma_semaphore, #tpu.memory_space<semaphore_mem>>) attributes {dimension_semantics = [#tpu.dimension_semantics<core_parallel>, #tpu.dimension_semantics<subcore_parallel>], iteration_bounds = array<i64: 2, 16>, scalar_prefetch = 0 : i64, scratch_operands = 3 : i64, tpu.core_type = #tpu.core_type<sc_vector_subcore>, window_params = [{transform_indices = #map}, {transform_indices = #map1}, {transform_indices = #map}]} {
    %mul3A = arith.constant 2 : i32
    %mul3A_0 = arith.muli %arg1, %mul3A : i32
    %add3A = arith.addi %mul3A_0, %arg0 : i32
    %mul3A_1 = arith.constant 512 : i32
    %mul3A_2 = arith.muli %add3A, %mul3A_1 : i32
    %scan3A = arith.constant 0 : i32
    %scan3A_3 = arith.constant 0 : i32
    %scan3A_4 = arith.constant 13 : i32
    %scan3A_5 = arith.addi %scan3A_3, %scan3A_4 : i32
    %scan3A_6 = arith.constant 1 : i32
    scf.for %scan3A_8 = %scan3A_3 to %scan3A_5 step %scan3A_6  : i32 {
      %add3A_9 = arith.constant 13 : i32
      %add3A_10 = arith.addi %add3A_9, %scan3A_8 : i32
      %mul3A_11 = arith.constant 4 : i32
      %mul3A_12 = arith.muli %add3A, %mul3A_11 : i32
      "tpu.region"() ({
        %run_scoped3A = tpu.sem_alloc : memref<!tpu.dma_semaphore, #tpu.memory_space<semaphore_mem>>
        %dma_start3A_94 = arith.constant 0 : i32
        %dma_start3A_95 = tpu.memref_slice %arg3[%add3A_10, %mul3A_12, %dma_start3A_94] : memref<50x128x128xi32, #tpu.memory_space<hbm>> -> memref<1x4x128xi32, #tpu.memory_space<hbm>>
        %dma_start3A_96 = tpu.memref_squeeze %dma_start3A_95 : memref<1x4x128xi32, #tpu.memory_space<hbm>> -> memref<4x128xi32, #tpu.memory_space<hbm>>
        %dma_start3A_97 = arith.constant 0 : i32
        %dma_start3A_98 = tpu.memref_slice %arg3[%add3A_10, %mul3A_12, %dma_start3A_97] : memref<50x128x128xi32, #tpu.memory_space<hbm>> -> memref<1x4x128xi32, #tpu.memory_space<hbm>>
        %dma_start3A_99 = tpu.memref_squeeze %dma_start3A_98 : memref<1x4x128xi32, #tpu.memory_space<hbm>> -> memref<4x128xi32, #tpu.memory_space<hbm>>
        tpu.enqueue_dma source(%dma_start3A_99 : memref<4x128xi32, #tpu.memory_space<hbm>>) target(%arg5 : memref<4x128xi32, #tpu.memory_space<vmem>>) target_semaphore(%run_scoped3A : memref<!tpu.dma_semaphore, #tpu.memory_space<semaphore_mem>>)
        %dma_wait3A_100 = arith.constant 0 : i32
        %dma_wait3A_101 = tpu.memref_slice %arg3[%add3A_10, %mul3A_12, %dma_wait3A_100] : memref<50x128x128xi32, #tpu.memory_space<hbm>> -> memref<1x4x128xi32, #tpu.memory_space<hbm>>
        %dma_wait3A_102 = tpu.memref_squeeze %dma_wait3A_101 : memref<1x4x128xi32, #tpu.memory_space<hbm>> -> memref<4x128xi32, #tpu.memory_space<hbm>>
        %dma_wait3A_103 = arith.constant 0 : i32
        %dma_wait3A_104 = tpu.memref_slice %arg3[%add3A_10, %mul3A_12, %dma_wait3A_103] : memref<50x128x128xi32, #tpu.memory_space<hbm>> -> memref<1x4x128xi32, #tpu.memory_space<hbm>>
        %dma_wait3A_105 = tpu.memref_squeeze %dma_wait3A_104 : memref<1x4x128xi32, #tpu.memory_space<hbm>> -> memref<4x128xi32, #tpu.memory_space<hbm>>
        tpu.wait_dma2 semaphore(%run_scoped3A : memref<!tpu.dma_semaphore, #tpu.memory_space<semaphore_mem>>) src(%dma_wait3A_105 : memref<4x128xi32, #tpu.memory_space<hbm>>) dst(%arg5 : memref<4x128xi32, #tpu.memory_space<vmem>>)
        tpu.yield
      }) : () -> ()
      %dma_start3A = arith.constant 0 : i32
      %dma_start3A_13 = arith.constant 0 : i32
      %dma_start3A_14 = arith.constant 0 : i32
      %dma_start3A_15 = tpu.memref_slice %arg6[%dma_start3A_13, %dma_start3A_14] : memref<512x64xf32, #tpu.memory_space<vmem>> -> memref<128x64xf32, #tpu.memory_space<vmem>>
      %dma_start3A_16 = arith.constant 0 : i32
      %dma_start3A_17 = tpu.memref_slice %arg5[%dma_start3A, %dma_start3A_16] : memref<4x128xi32, #tpu.memory_space<vmem>> -> memref<1x128xi32, #tpu.memory_space<vmem>>
      %dma_start3A_18 = tpu.memref_squeeze %dma_start3A_17 : memref<1x128xi32, #tpu.memory_space<vmem>> -> memref<128xi32, #tpu.memory_space<vmem>>
      %dma_start3A_19 = arith.constant 0 : i32
      %dma_start3A_20 = arith.constant 0 : i32
      %dma_start3A_21 = tpu.memref_slice %arg2[%dma_start3A_19, %dma_start3A_20] : memref<1048576x64xf32, #tpu.memory_space<hbm>> -> memref<1048576x64xf32, #tpu.memory_space<hbm>>
      tpu.enqueue_indirect_dma source(%dma_start3A_21 : memref<1048576x64xf32, #tpu.memory_space<hbm>>) target(%dma_start3A_15 : memref<128x64xf32, #tpu.memory_space<vmem>>) offsets(%dma_start3A_18 : memref<128xi32, #tpu.memory_space<vmem>>) semaphore(%arg7 : memref<!tpu.dma_semaphore, #tpu.memory_space<semaphore_mem>>)
      %dma_start3A_22 = arith.constant 1 : i32
      %dma_start3A_23 = arith.constant 128 : i32
      %dma_start3A_24 = arith.constant 0 : i32
      %dma_start3A_25 = tpu.memref_slice %arg6[%dma_start3A_23, %dma_start3A_24] : memref<512x64xf32, #tpu.memory_space<vmem>> -> memref<128x64xf32, #tpu.memory_space<vmem>>
      %dma_start3A_26 = arith.constant 0 : i32
      %dma_start3A_27 = tpu.memref_slice %arg5[%dma_start3A_22, %dma_start3A_26] : memref<4x128xi32, #tpu.memory_space<vmem>> -> memref<1x128xi32, #tpu.memory_space<vmem>>
      %dma_start3A_28 = tpu.memref_squeeze %dma_start3A_27 : memref<1x128xi32, #tpu.memory_space<vmem>> -> memref<128xi32, #tpu.memory_space<vmem>>
      %dma_start3A_29 = arith.constant 0 : i32
      %dma_start3A_30 = arith.constant 0 : i32
      %dma_start3A_31 = tpu.memref_slice %arg2[%dma_start3A_29, %dma_start3A_30] : memref<1048576x64xf32, #tpu.memory_space<hbm>> -> memref<1048576x64xf32, #tpu.memory_space<hbm>>
      tpu.enqueue_indirect_dma source(%dma_start3A_31 : memref<1048576x64xf32, #tpu.memory_space<hbm>>) target(%dma_start3A_25 : memref<128x64xf32, #tpu.memory_space<vmem>>) offsets(%dma_start3A_28 : memref<128xi32, #tpu.memory_space<vmem>>) semaphore(%arg7 : memref<!tpu.dma_semaphore, #tpu.memory_space<semaphore_mem>>)
      %dma_start3A_32 = arith.constant 2 : i32
      %dma_start3A_33 = arith.constant 256 : i32
      %dma_start3A_34 = arith.constant 0 : i32
      %dma_start3A_35 = tpu.memref_slice %arg6[%dma_start3A_33, %dma_start3A_34] : memref<512x64xf32, #tpu.memory_space<vmem>> -> memref<128x64xf32, #tpu.memory_space<vmem>>
      %dma_start3A_36 = arith.constant 0 : i32
      %dma_start3A_37 = tpu.memref_slice %arg5[%dma_start3A_32, %dma_start3A_36] : memref<4x128xi32, #tpu.memory_space<vmem>> -> memref<1x128xi32, #tpu.memory_space<vmem>>
      %dma_start3A_38 = tpu.memref_squeeze %dma_start3A_37 : memref<1x128xi32, #tpu.memory_space<vmem>> -> memref<128xi32, #tpu.memory_space<vmem>>
      %dma_start3A_39 = arith.constant 0 : i32
      %dma_start3A_40 = arith.constant 0 : i32
      %dma_start3A_41 = tpu.memref_slice %arg2[%dma_start3A_39, %dma_start3A_40] : memref<1048576x64xf32, #tpu.memory_space<hbm>> -> memref<1048576x64xf32, #tpu.memory_space<hbm>>
      tpu.enqueue_indirect_dma source(%dma_start3A_41 : memref<1048576x64xf32, #tpu.memory_space<hbm>>) target(%dma_start3A_35 : memref<128x64xf32, #tpu.memory_space<vmem>>) offsets(%dma_start3A_38 : memref<128xi32, #tpu.memory_space<vmem>>) semaphore(%arg7 : memref<!tpu.dma_semaphore, #tpu.memory_space<semaphore_mem>>)
      %dma_start3A_42 = arith.constant 3 : i32
      %dma_start3A_43 = arith.constant 384 : i32
      %dma_start3A_44 = arith.constant 0 : i32
      %dma_start3A_45 = tpu.memref_slice %arg6[%dma_start3A_43, %dma_start3A_44] : memref<512x64xf32, #tpu.memory_space<vmem>> -> memref<128x64xf32, #tpu.memory_space<vmem>>
      %dma_start3A_46 = arith.constant 0 : i32
      %dma_start3A_47 = tpu.memref_slice %arg5[%dma_start3A_42, %dma_start3A_46] : memref<4x128xi32, #tpu.memory_space<vmem>> -> memref<1x128xi32, #tpu.memory_space<vmem>>
      %dma_start3A_48 = tpu.memref_squeeze %dma_start3A_47 : memref<1x128xi32, #tpu.memory_space<vmem>> -> memref<128xi32, #tpu.memory_space<vmem>>
      %dma_start3A_49 = arith.constant 0 : i32
      %dma_start3A_50 = arith.constant 0 : i32
      %dma_start3A_51 = tpu.memref_slice %arg2[%dma_start3A_49, %dma_start3A_50] : memref<1048576x64xf32, #tpu.memory_space<hbm>> -> memref<1048576x64xf32, #tpu.memory_space<hbm>>
      tpu.enqueue_indirect_dma source(%dma_start3A_51 : memref<1048576x64xf32, #tpu.memory_space<hbm>>) target(%dma_start3A_45 : memref<128x64xf32, #tpu.memory_space<vmem>>) offsets(%dma_start3A_48 : memref<128xi32, #tpu.memory_space<vmem>>) semaphore(%arg7 : memref<!tpu.dma_semaphore, #tpu.memory_space<semaphore_mem>>)
      %dma_wait3A = arith.constant 0 : i32
      %dma_wait3A_52 = arith.constant 0 : i32
      %dma_wait3A_53 = arith.constant 0 : i32
      %dma_wait3A_54 = tpu.memref_slice %arg6[%dma_wait3A_52, %dma_wait3A_53] : memref<512x64xf32, #tpu.memory_space<vmem>> -> memref<128x64xf32, #tpu.memory_space<vmem>>
      %dma_wait3A_55 = arith.constant 0 : i32
      %dma_wait3A_56 = tpu.memref_slice %arg5[%dma_wait3A, %dma_wait3A_55] : memref<4x128xi32, #tpu.memory_space<vmem>> -> memref<1x128xi32, #tpu.memory_space<vmem>>
      %dma_wait3A_57 = tpu.memref_squeeze %dma_wait3A_56 : memref<1x128xi32, #tpu.memory_space<vmem>> -> memref<128xi32, #tpu.memory_space<vmem>>
      %dma_wait3A_58 = arith.constant 0 : i32
      %dma_wait3A_59 = arith.constant 0 : i32
      %dma_wait3A_60 = tpu.memref_slice %arg2[%dma_wait3A_58, %dma_wait3A_59] : memref<1048576x64xf32, #tpu.memory_space<hbm>> -> memref<1048576x64xf32, #tpu.memory_space<hbm>>
      tpu.wait_indirect_dma semaphore(%arg7 : memref<!tpu.dma_semaphore, #tpu.memory_space<semaphore_mem>>) src(%dma_wait3A_60 : memref<1048576x64xf32, #tpu.memory_space<hbm>>) dst(%dma_wait3A_54 : memref<128x64xf32, #tpu.memory_space<vmem>>)
      %dma_wait3A_61 = arith.constant 1 : i32
      %dma_wait3A_62 = arith.constant 128 : i32
      %dma_wait3A_63 = arith.constant 0 : i32
      %dma_wait3A_64 = tpu.memref_slice %arg6[%dma_wait3A_62, %dma_wait3A_63] : memref<512x64xf32, #tpu.memory_space<vmem>> -> memref<128x64xf32, #tpu.memory_space<vmem>>
      %dma_wait3A_65 = arith.constant 0 : i32
      %dma_wait3A_66 = tpu.memref_slice %arg5[%dma_wait3A_61, %dma_wait3A_65] : memref<4x128xi32, #tpu.memory_space<vmem>> -> memref<1x128xi32, #tpu.memory_space<vmem>>
      %dma_wait3A_67 = tpu.memref_squeeze %dma_wait3A_66 : memref<1x128xi32, #tpu.memory_space<vmem>> -> memref<128xi32, #tpu.memory_space<vmem>>
      %dma_wait3A_68 = arith.constant 0 : i32
      %dma_wait3A_69 = arith.constant 0 : i32
      %dma_wait3A_70 = tpu.memref_slice %arg2[%dma_wait3A_68, %dma_wait3A_69] : memref<1048576x64xf32, #tpu.memory_space<hbm>> -> memref<1048576x64xf32, #tpu.memory_space<hbm>>
      tpu.wait_indirect_dma semaphore(%arg7 : memref<!tpu.dma_semaphore, #tpu.memory_space<semaphore_mem>>) src(%dma_wait3A_70 : memref<1048576x64xf32, #tpu.memory_space<hbm>>) dst(%dma_wait3A_64 : memref<128x64xf32, #tpu.memory_space<vmem>>)
      %dma_wait3A_71 = arith.constant 2 : i32
      %dma_wait3A_72 = arith.constant 256 : i32
      %dma_wait3A_73 = arith.constant 0 : i32
      %dma_wait3A_74 = tpu.memref_slice %arg6[%dma_wait3A_72, %dma_wait3A_73] : memref<512x64xf32, #tpu.memory_space<vmem>> -> memref<128x64xf32, #tpu.memory_space<vmem>>
      %dma_wait3A_75 = arith.constant 0 : i32
      %dma_wait3A_76 = tpu.memref_slice %arg5[%dma_wait3A_71, %dma_wait3A_75] : memref<4x128xi32, #tpu.memory_space<vmem>> -> memref<1x128xi32, #tpu.memory_space<vmem>>
      %dma_wait3A_77 = tpu.memref_squeeze %dma_wait3A_76 : memref<1x128xi32, #tpu.memory_space<vmem>> -> memref<128xi32, #tpu.memory_space<vmem>>
      %dma_wait3A_78 = arith.constant 0 : i32
      %dma_wait3A_79 = arith.constant 0 : i32
      %dma_wait3A_80 = tpu.memref_slice %arg2[%dma_wait3A_78, %dma_wait3A_79] : memref<1048576x64xf32, #tpu.memory_space<hbm>> -> memref<1048576x64xf32, #tpu.memory_space<hbm>>
      tpu.wait_indirect_dma semaphore(%arg7 : memref<!tpu.dma_semaphore, #tpu.memory_space<semaphore_mem>>) src(%dma_wait3A_80 : memref<1048576x64xf32, #tpu.memory_space<hbm>>) dst(%dma_wait3A_74 : memref<128x64xf32, #tpu.memory_space<vmem>>)
      %dma_wait3A_81 = arith.constant 3 : i32
      %dma_wait3A_82 = arith.constant 384 : i32
      %dma_wait3A_83 = arith.constant 0 : i32
      %dma_wait3A_84 = tpu.memref_slice %arg6[%dma_wait3A_82, %dma_wait3A_83] : memref<512x64xf32, #tpu.memory_space<vmem>> -> memref<128x64xf32, #tpu.memory_space<vmem>>
      %dma_wait3A_85 = arith.constant 0 : i32
      %dma_wait3A_86 = tpu.memref_slice %arg5[%dma_wait3A_81, %dma_wait3A_85] : memref<4x128xi32, #tpu.memory_space<vmem>> -> memref<1x128xi32, #tpu.memory_space<vmem>>
      %dma_wait3A_87 = tpu.memref_squeeze %dma_wait3A_86 : memref<1x128xi32, #tpu.memory_space<vmem>> -> memref<128xi32, #tpu.memory_space<vmem>>
      %dma_wait3A_88 = arith.constant 0 : i32
      %dma_wait3A_89 = arith.constant 0 : i32
      %dma_wait3A_90 = tpu.memref_slice %arg2[%dma_wait3A_88, %dma_wait3A_89] : memref<1048576x64xf32, #tpu.memory_space<hbm>> -> memref<1048576x64xf32, #tpu.memory_space<hbm>>
      tpu.wait_indirect_dma semaphore(%arg7 : memref<!tpu.dma_semaphore, #tpu.memory_space<semaphore_mem>>) src(%dma_wait3A_90 : memref<1048576x64xf32, #tpu.memory_space<hbm>>) dst(%dma_wait3A_84 : memref<128x64xf32, #tpu.memory_space<vmem>>)
      %mul3A_91 = arith.constant 16384 : i32
      %mul3A_92 = arith.muli %scan3A_8, %mul3A_91 : i32
      %add3A_93 = arith.addi %mul3A_92, %mul3A_2 : i32
      "tpu.region"() ({
        %run_scoped3A = tpu.sem_alloc : memref<!tpu.dma_semaphore, #tpu.memory_space<semaphore_mem>>
        %dma_start3A_94 = arith.constant 0 : i32
        %dma_start3A_95 = tpu.memref_slice %arg4[%add3A_93, %dma_start3A_94] : memref<212992x64xf32, #tpu.memory_space<hbm>> -> memref<512x64xf32, #tpu.memory_space<hbm>>
        %dma_start3A_96 = arith.constant 0 : i32
        %dma_start3A_97 = tpu.memref_slice %arg4[%add3A_93, %dma_start3A_96] : memref<212992x64xf32, #tpu.memory_space<hbm>> -> memref<512x64xf32, #tpu.memory_space<hbm>>
        tpu.enqueue_dma source(%arg6 : memref<512x64xf32, #tpu.memory_space<vmem>>) target(%dma_start3A_97 : memref<512x64xf32, #tpu.memory_space<hbm>>) target_semaphore(%run_scoped3A : memref<!tpu.dma_semaphore, #tpu.memory_space<semaphore_mem>>)
        %dma_wait3A_98 = arith.constant 0 : i32
        %dma_wait3A_99 = tpu.memref_slice %arg4[%add3A_93, %dma_wait3A_98] : memref<212992x64xf32, #tpu.memory_space<hbm>> -> memref<512x64xf32, #tpu.memory_space<hbm>>
        %dma_wait3A_100 = arith.constant 0 : i32
        %dma_wait3A_101 = tpu.memref_slice %arg4[%add3A_93, %dma_wait3A_100] : memref<212992x64xf32, #tpu.memory_space<hbm>> -> memref<512x64xf32, #tpu.memory_space<hbm>>
        tpu.wait_dma2 semaphore(%run_scoped3A : memref<!tpu.dma_semaphore, #tpu.memory_space<semaphore_mem>>) src(%arg6 : memref<512x64xf32, #tpu.memory_space<vmem>>) dst(%dma_wait3A_101 : memref<512x64xf32, #tpu.memory_space<hbm>>)
        tpu.yield
      }) : () -> ()
    }
    %scan3A_7 = arith.constant 13 : i32
    return
  }
}

#map = affine_map<(d0, d1) -> (0, 0)>
#map1 = affine_map<(d0, d1) -> (0, 0, 0)>
module attributes {stable_mosaic.version = 14 : i64} {
  func.func @_gather_kernel(%arg0: i32, %arg1: i32, %arg2: memref<1048576x64xf32, #tpu.memory_space<hbm>>, %arg3: memref<50x128x128xi32, #tpu.memory_space<hbm>>, %arg4: memref<196608x64xf32, #tpu.memory_space<hbm>>, %arg5: memref<4x128xi32, #tpu.memory_space<vmem>>, %arg6: memref<512x64xf32, #tpu.memory_space<vmem>>, %arg7: memref<!tpu.dma_semaphore, #tpu.memory_space<semaphore_mem>>) attributes {dimension_semantics = [#tpu.dimension_semantics<core_parallel>, #tpu.dimension_semantics<subcore_parallel>], iteration_bounds = array<i64: 2, 16>, scalar_prefetch = 0 : i64, scratch_operands = 3 : i64, tpu.core_type = #tpu.core_type<sc_vector_subcore>, window_params = [{transform_indices = #map}, {transform_indices = #map1}, {transform_indices = #map}]} {
    %mul3A = arith.constant 2 : i32
    %mul3A_0 = arith.muli %arg1, %mul3A : i32
    %add3A = arith.addi %mul3A_0, %arg0 : i32
    %mul3A_1 = arith.constant 512 : i32
    %mul3A_2 = arith.muli %add3A, %mul3A_1 : i32
    %scan3A = arith.constant 0 : i32
    %scan3A_3 = arith.constant 0 : i32
    %scan3A_4 = arith.constant 12 : i32
    %scan3A_5 = arith.addi %scan3A_3, %scan3A_4 : i32
    %scan3A_6 = arith.constant 1 : i32
    scf.for %scan3A_8 = %scan3A_3 to %scan3A_5 step %scan3A_6  : i32 {
      %add3A_9 = arith.constant 38 : i32
      %add3A_10 = arith.addi %add3A_9, %scan3A_8 : i32
      %mul3A_11 = arith.constant 4 : i32
      %mul3A_12 = arith.muli %add3A, %mul3A_11 : i32
      "tpu.region"() ({
        %run_scoped3A = tpu.sem_alloc : memref<!tpu.dma_semaphore, #tpu.memory_space<semaphore_mem>>
        %dma_start3A_94 = arith.constant 0 : i32
        %dma_start3A_95 = tpu.memref_slice %arg3[%add3A_10, %mul3A_12, %dma_start3A_94] : memref<50x128x128xi32, #tpu.memory_space<hbm>> -> memref<1x4x128xi32, #tpu.memory_space<hbm>>
        %dma_start3A_96 = tpu.memref_squeeze %dma_start3A_95 : memref<1x4x128xi32, #tpu.memory_space<hbm>> -> memref<4x128xi32, #tpu.memory_space<hbm>>
        %dma_start3A_97 = arith.constant 0 : i32
        %dma_start3A_98 = tpu.memref_slice %arg3[%add3A_10, %mul3A_12, %dma_start3A_97] : memref<50x128x128xi32, #tpu.memory_space<hbm>> -> memref<1x4x128xi32, #tpu.memory_space<hbm>>
        %dma_start3A_99 = tpu.memref_squeeze %dma_start3A_98 : memref<1x4x128xi32, #tpu.memory_space<hbm>> -> memref<4x128xi32, #tpu.memory_space<hbm>>
        tpu.enqueue_dma source(%dma_start3A_99 : memref<4x128xi32, #tpu.memory_space<hbm>>) target(%arg5 : memref<4x128xi32, #tpu.memory_space<vmem>>) target_semaphore(%run_scoped3A : memref<!tpu.dma_semaphore, #tpu.memory_space<semaphore_mem>>)
        %dma_wait3A_100 = arith.constant 0 : i32
        %dma_wait3A_101 = tpu.memref_slice %arg3[%add3A_10, %mul3A_12, %dma_wait3A_100] : memref<50x128x128xi32, #tpu.memory_space<hbm>> -> memref<1x4x128xi32, #tpu.memory_space<hbm>>
        %dma_wait3A_102 = tpu.memref_squeeze %dma_wait3A_101 : memref<1x4x128xi32, #tpu.memory_space<hbm>> -> memref<4x128xi32, #tpu.memory_space<hbm>>
        %dma_wait3A_103 = arith.constant 0 : i32
        %dma_wait3A_104 = tpu.memref_slice %arg3[%add3A_10, %mul3A_12, %dma_wait3A_103] : memref<50x128x128xi32, #tpu.memory_space<hbm>> -> memref<1x4x128xi32, #tpu.memory_space<hbm>>
        %dma_wait3A_105 = tpu.memref_squeeze %dma_wait3A_104 : memref<1x4x128xi32, #tpu.memory_space<hbm>> -> memref<4x128xi32, #tpu.memory_space<hbm>>
        tpu.wait_dma2 semaphore(%run_scoped3A : memref<!tpu.dma_semaphore, #tpu.memory_space<semaphore_mem>>) src(%dma_wait3A_105 : memref<4x128xi32, #tpu.memory_space<hbm>>) dst(%arg5 : memref<4x128xi32, #tpu.memory_space<vmem>>)
        tpu.yield
      }) : () -> ()
      %dma_start3A = arith.constant 0 : i32
      %dma_start3A_13 = arith.constant 0 : i32
      %dma_start3A_14 = arith.constant 0 : i32
      %dma_start3A_15 = tpu.memref_slice %arg6[%dma_start3A_13, %dma_start3A_14] : memref<512x64xf32, #tpu.memory_space<vmem>> -> memref<128x64xf32, #tpu.memory_space<vmem>>
      %dma_start3A_16 = arith.constant 0 : i32
      %dma_start3A_17 = tpu.memref_slice %arg5[%dma_start3A, %dma_start3A_16] : memref<4x128xi32, #tpu.memory_space<vmem>> -> memref<1x128xi32, #tpu.memory_space<vmem>>
      %dma_start3A_18 = tpu.memref_squeeze %dma_start3A_17 : memref<1x128xi32, #tpu.memory_space<vmem>> -> memref<128xi32, #tpu.memory_space<vmem>>
      %dma_start3A_19 = arith.constant 0 : i32
      %dma_start3A_20 = arith.constant 0 : i32
      %dma_start3A_21 = tpu.memref_slice %arg2[%dma_start3A_19, %dma_start3A_20] : memref<1048576x64xf32, #tpu.memory_space<hbm>> -> memref<1048576x64xf32, #tpu.memory_space<hbm>>
      tpu.enqueue_indirect_dma source(%dma_start3A_21 : memref<1048576x64xf32, #tpu.memory_space<hbm>>) target(%dma_start3A_15 : memref<128x64xf32, #tpu.memory_space<vmem>>) offsets(%dma_start3A_18 : memref<128xi32, #tpu.memory_space<vmem>>) semaphore(%arg7 : memref<!tpu.dma_semaphore, #tpu.memory_space<semaphore_mem>>)
      %dma_start3A_22 = arith.constant 1 : i32
      %dma_start3A_23 = arith.constant 128 : i32
      %dma_start3A_24 = arith.constant 0 : i32
      %dma_start3A_25 = tpu.memref_slice %arg6[%dma_start3A_23, %dma_start3A_24] : memref<512x64xf32, #tpu.memory_space<vmem>> -> memref<128x64xf32, #tpu.memory_space<vmem>>
      %dma_start3A_26 = arith.constant 0 : i32
      %dma_start3A_27 = tpu.memref_slice %arg5[%dma_start3A_22, %dma_start3A_26] : memref<4x128xi32, #tpu.memory_space<vmem>> -> memref<1x128xi32, #tpu.memory_space<vmem>>
      %dma_start3A_28 = tpu.memref_squeeze %dma_start3A_27 : memref<1x128xi32, #tpu.memory_space<vmem>> -> memref<128xi32, #tpu.memory_space<vmem>>
      %dma_start3A_29 = arith.constant 0 : i32
      %dma_start3A_30 = arith.constant 0 : i32
      %dma_start3A_31 = tpu.memref_slice %arg2[%dma_start3A_29, %dma_start3A_30] : memref<1048576x64xf32, #tpu.memory_space<hbm>> -> memref<1048576x64xf32, #tpu.memory_space<hbm>>
      tpu.enqueue_indirect_dma source(%dma_start3A_31 : memref<1048576x64xf32, #tpu.memory_space<hbm>>) target(%dma_start3A_25 : memref<128x64xf32, #tpu.memory_space<vmem>>) offsets(%dma_start3A_28 : memref<128xi32, #tpu.memory_space<vmem>>) semaphore(%arg7 : memref<!tpu.dma_semaphore, #tpu.memory_space<semaphore_mem>>)
      %dma_start3A_32 = arith.constant 2 : i32
      %dma_start3A_33 = arith.constant 256 : i32
      %dma_start3A_34 = arith.constant 0 : i32
      %dma_start3A_35 = tpu.memref_slice %arg6[%dma_start3A_33, %dma_start3A_34] : memref<512x64xf32, #tpu.memory_space<vmem>> -> memref<128x64xf32, #tpu.memory_space<vmem>>
      %dma_start3A_36 = arith.constant 0 : i32
      %dma_start3A_37 = tpu.memref_slice %arg5[%dma_start3A_32, %dma_start3A_36] : memref<4x128xi32, #tpu.memory_space<vmem>> -> memref<1x128xi32, #tpu.memory_space<vmem>>
      %dma_start3A_38 = tpu.memref_squeeze %dma_start3A_37 : memref<1x128xi32, #tpu.memory_space<vmem>> -> memref<128xi32, #tpu.memory_space<vmem>>
      %dma_start3A_39 = arith.constant 0 : i32
      %dma_start3A_40 = arith.constant 0 : i32
      %dma_start3A_41 = tpu.memref_slice %arg2[%dma_start3A_39, %dma_start3A_40] : memref<1048576x64xf32, #tpu.memory_space<hbm>> -> memref<1048576x64xf32, #tpu.memory_space<hbm>>
      tpu.enqueue_indirect_dma source(%dma_start3A_41 : memref<1048576x64xf32, #tpu.memory_space<hbm>>) target(%dma_start3A_35 : memref<128x64xf32, #tpu.memory_space<vmem>>) offsets(%dma_start3A_38 : memref<128xi32, #tpu.memory_space<vmem>>) semaphore(%arg7 : memref<!tpu.dma_semaphore, #tpu.memory_space<semaphore_mem>>)
      %dma_start3A_42 = arith.constant 3 : i32
      %dma_start3A_43 = arith.constant 384 : i32
      %dma_start3A_44 = arith.constant 0 : i32
      %dma_start3A_45 = tpu.memref_slice %arg6[%dma_start3A_43, %dma_start3A_44] : memref<512x64xf32, #tpu.memory_space<vmem>> -> memref<128x64xf32, #tpu.memory_space<vmem>>
      %dma_start3A_46 = arith.constant 0 : i32
      %dma_start3A_47 = tpu.memref_slice %arg5[%dma_start3A_42, %dma_start3A_46] : memref<4x128xi32, #tpu.memory_space<vmem>> -> memref<1x128xi32, #tpu.memory_space<vmem>>
      %dma_start3A_48 = tpu.memref_squeeze %dma_start3A_47 : memref<1x128xi32, #tpu.memory_space<vmem>> -> memref<128xi32, #tpu.memory_space<vmem>>
      %dma_start3A_49 = arith.constant 0 : i32
      %dma_start3A_50 = arith.constant 0 : i32
      %dma_start3A_51 = tpu.memref_slice %arg2[%dma_start3A_49, %dma_start3A_50] : memref<1048576x64xf32, #tpu.memory_space<hbm>> -> memref<1048576x64xf32, #tpu.memory_space<hbm>>
      tpu.enqueue_indirect_dma source(%dma_start3A_51 : memref<1048576x64xf32, #tpu.memory_space<hbm>>) target(%dma_start3A_45 : memref<128x64xf32, #tpu.memory_space<vmem>>) offsets(%dma_start3A_48 : memref<128xi32, #tpu.memory_space<vmem>>) semaphore(%arg7 : memref<!tpu.dma_semaphore, #tpu.memory_space<semaphore_mem>>)
      %dma_wait3A = arith.constant 0 : i32
      %dma_wait3A_52 = arith.constant 0 : i32
      %dma_wait3A_53 = arith.constant 0 : i32
      %dma_wait3A_54 = tpu.memref_slice %arg6[%dma_wait3A_52, %dma_wait3A_53] : memref<512x64xf32, #tpu.memory_space<vmem>> -> memref<128x64xf32, #tpu.memory_space<vmem>>
      %dma_wait3A_55 = arith.constant 0 : i32
      %dma_wait3A_56 = tpu.memref_slice %arg5[%dma_wait3A, %dma_wait3A_55] : memref<4x128xi32, #tpu.memory_space<vmem>> -> memref<1x128xi32, #tpu.memory_space<vmem>>
      %dma_wait3A_57 = tpu.memref_squeeze %dma_wait3A_56 : memref<1x128xi32, #tpu.memory_space<vmem>> -> memref<128xi32, #tpu.memory_space<vmem>>
      %dma_wait3A_58 = arith.constant 0 : i32
      %dma_wait3A_59 = arith.constant 0 : i32
      %dma_wait3A_60 = tpu.memref_slice %arg2[%dma_wait3A_58, %dma_wait3A_59] : memref<1048576x64xf32, #tpu.memory_space<hbm>> -> memref<1048576x64xf32, #tpu.memory_space<hbm>>
      tpu.wait_indirect_dma semaphore(%arg7 : memref<!tpu.dma_semaphore, #tpu.memory_space<semaphore_mem>>) src(%dma_wait3A_60 : memref<1048576x64xf32, #tpu.memory_space<hbm>>) dst(%dma_wait3A_54 : memref<128x64xf32, #tpu.memory_space<vmem>>)
      %dma_wait3A_61 = arith.constant 1 : i32
      %dma_wait3A_62 = arith.constant 128 : i32
      %dma_wait3A_63 = arith.constant 0 : i32
      %dma_wait3A_64 = tpu.memref_slice %arg6[%dma_wait3A_62, %dma_wait3A_63] : memref<512x64xf32, #tpu.memory_space<vmem>> -> memref<128x64xf32, #tpu.memory_space<vmem>>
      %dma_wait3A_65 = arith.constant 0 : i32
      %dma_wait3A_66 = tpu.memref_slice %arg5[%dma_wait3A_61, %dma_wait3A_65] : memref<4x128xi32, #tpu.memory_space<vmem>> -> memref<1x128xi32, #tpu.memory_space<vmem>>
      %dma_wait3A_67 = tpu.memref_squeeze %dma_wait3A_66 : memref<1x128xi32, #tpu.memory_space<vmem>> -> memref<128xi32, #tpu.memory_space<vmem>>
      %dma_wait3A_68 = arith.constant 0 : i32
      %dma_wait3A_69 = arith.constant 0 : i32
      %dma_wait3A_70 = tpu.memref_slice %arg2[%dma_wait3A_68, %dma_wait3A_69] : memref<1048576x64xf32, #tpu.memory_space<hbm>> -> memref<1048576x64xf32, #tpu.memory_space<hbm>>
      tpu.wait_indirect_dma semaphore(%arg7 : memref<!tpu.dma_semaphore, #tpu.memory_space<semaphore_mem>>) src(%dma_wait3A_70 : memref<1048576x64xf32, #tpu.memory_space<hbm>>) dst(%dma_wait3A_64 : memref<128x64xf32, #tpu.memory_space<vmem>>)
      %dma_wait3A_71 = arith.constant 2 : i32
      %dma_wait3A_72 = arith.constant 256 : i32
      %dma_wait3A_73 = arith.constant 0 : i32
      %dma_wait3A_74 = tpu.memref_slice %arg6[%dma_wait3A_72, %dma_wait3A_73] : memref<512x64xf32, #tpu.memory_space<vmem>> -> memref<128x64xf32, #tpu.memory_space<vmem>>
      %dma_wait3A_75 = arith.constant 0 : i32
      %dma_wait3A_76 = tpu.memref_slice %arg5[%dma_wait3A_71, %dma_wait3A_75] : memref<4x128xi32, #tpu.memory_space<vmem>> -> memref<1x128xi32, #tpu.memory_space<vmem>>
      %dma_wait3A_77 = tpu.memref_squeeze %dma_wait3A_76 : memref<1x128xi32, #tpu.memory_space<vmem>> -> memref<128xi32, #tpu.memory_space<vmem>>
      %dma_wait3A_78 = arith.constant 0 : i32
      %dma_wait3A_79 = arith.constant 0 : i32
      %dma_wait3A_80 = tpu.memref_slice %arg2[%dma_wait3A_78, %dma_wait3A_79] : memref<1048576x64xf32, #tpu.memory_space<hbm>> -> memref<1048576x64xf32, #tpu.memory_space<hbm>>
      tpu.wait_indirect_dma semaphore(%arg7 : memref<!tpu.dma_semaphore, #tpu.memory_space<semaphore_mem>>) src(%dma_wait3A_80 : memref<1048576x64xf32, #tpu.memory_space<hbm>>) dst(%dma_wait3A_74 : memref<128x64xf32, #tpu.memory_space<vmem>>)
      %dma_wait3A_81 = arith.constant 3 : i32
      %dma_wait3A_82 = arith.constant 384 : i32
      %dma_wait3A_83 = arith.constant 0 : i32
      %dma_wait3A_84 = tpu.memref_slice %arg6[%dma_wait3A_82, %dma_wait3A_83] : memref<512x64xf32, #tpu.memory_space<vmem>> -> memref<128x64xf32, #tpu.memory_space<vmem>>
      %dma_wait3A_85 = arith.constant 0 : i32
      %dma_wait3A_86 = tpu.memref_slice %arg5[%dma_wait3A_81, %dma_wait3A_85] : memref<4x128xi32, #tpu.memory_space<vmem>> -> memref<1x128xi32, #tpu.memory_space<vmem>>
      %dma_wait3A_87 = tpu.memref_squeeze %dma_wait3A_86 : memref<1x128xi32, #tpu.memory_space<vmem>> -> memref<128xi32, #tpu.memory_space<vmem>>
      %dma_wait3A_88 = arith.constant 0 : i32
      %dma_wait3A_89 = arith.constant 0 : i32
      %dma_wait3A_90 = tpu.memref_slice %arg2[%dma_wait3A_88, %dma_wait3A_89] : memref<1048576x64xf32, #tpu.memory_space<hbm>> -> memref<1048576x64xf32, #tpu.memory_space<hbm>>
      tpu.wait_indirect_dma semaphore(%arg7 : memref<!tpu.dma_semaphore, #tpu.memory_space<semaphore_mem>>) src(%dma_wait3A_90 : memref<1048576x64xf32, #tpu.memory_space<hbm>>) dst(%dma_wait3A_84 : memref<128x64xf32, #tpu.memory_space<vmem>>)
      %mul3A_91 = arith.constant 16384 : i32
      %mul3A_92 = arith.muli %scan3A_8, %mul3A_91 : i32
      %add3A_93 = arith.addi %mul3A_92, %mul3A_2 : i32
      "tpu.region"() ({
        %run_scoped3A = tpu.sem_alloc : memref<!tpu.dma_semaphore, #tpu.memory_space<semaphore_mem>>
        %dma_start3A_94 = arith.constant 0 : i32
        %dma_start3A_95 = tpu.memref_slice %arg4[%add3A_93, %dma_start3A_94] : memref<196608x64xf32, #tpu.memory_space<hbm>> -> memref<512x64xf32, #tpu.memory_space<hbm>>
        %dma_start3A_96 = arith.constant 0 : i32
        %dma_start3A_97 = tpu.memref_slice %arg4[%add3A_93, %dma_start3A_96] : memref<196608x64xf32, #tpu.memory_space<hbm>> -> memref<512x64xf32, #tpu.memory_space<hbm>>
        tpu.enqueue_dma source(%arg6 : memref<512x64xf32, #tpu.memory_space<vmem>>) target(%dma_start3A_97 : memref<512x64xf32, #tpu.memory_space<hbm>>) target_semaphore(%run_scoped3A : memref<!tpu.dma_semaphore, #tpu.memory_space<semaphore_mem>>)
        %dma_wait3A_98 = arith.constant 0 : i32
        %dma_wait3A_99 = tpu.memref_slice %arg4[%add3A_93, %dma_wait3A_98] : memref<196608x64xf32, #tpu.memory_space<hbm>> -> memref<512x64xf32, #tpu.memory_space<hbm>>
        %dma_wait3A_100 = arith.constant 0 : i32
        %dma_wait3A_101 = tpu.memref_slice %arg4[%add3A_93, %dma_wait3A_100] : memref<196608x64xf32, #tpu.memory_space<hbm>> -> memref<512x64xf32, #tpu.memory_space<hbm>>
        tpu.wait_dma2 semaphore(%run_scoped3A : memref<!tpu.dma_semaphore, #tpu.memory_space<semaphore_mem>>) src(%arg6 : memref<512x64xf32, #tpu.memory_space<vmem>>) dst(%dma_wait3A_101 : memref<512x64xf32, #tpu.memory_space<hbm>>)
        tpu.yield
      }) : () -> ()
    }
    %scan3A_7 = arith.constant 12 : i32
    return
  }
}

#map = affine_map<(d0, d1) -> (0, 0)>
#map1 = affine_map<(d0, d1) -> (0, 0, 0)>
module attributes {stable_mosaic.version = 14 : i64} {
  func.func @_gather_kernel(%arg0: i32, %arg1: i32, %arg2: memref<1048576x64xf32, #tpu.memory_space<hbm>>, %arg3: memref<50x128x128xi32, #tpu.memory_space<hbm>>, %arg4: memref<196608x64xf32, #tpu.memory_space<hbm>>, %arg5: memref<4x128xi32, #tpu.memory_space<vmem>>, %arg6: memref<512x64xf32, #tpu.memory_space<vmem>>, %arg7: memref<!tpu.dma_semaphore, #tpu.memory_space<semaphore_mem>>) attributes {dimension_semantics = [#tpu.dimension_semantics<core_parallel>, #tpu.dimension_semantics<subcore_parallel>], iteration_bounds = array<i64: 2, 16>, scalar_prefetch = 0 : i64, scratch_operands = 3 : i64, tpu.core_type = #tpu.core_type<sc_vector_subcore>, window_params = [{transform_indices = #map}, {transform_indices = #map1}, {transform_indices = #map}]} {
    %mul3A = arith.constant 2 : i32
    %mul3A_0 = arith.muli %arg1, %mul3A : i32
    %add3A = arith.addi %mul3A_0, %arg0 : i32
    %mul3A_1 = arith.constant 512 : i32
    %mul3A_2 = arith.muli %add3A, %mul3A_1 : i32
    %scan3A = arith.constant 0 : i32
    %scan3A_3 = arith.constant 0 : i32
    %scan3A_4 = arith.constant 12 : i32
    %scan3A_5 = arith.addi %scan3A_3, %scan3A_4 : i32
    %scan3A_6 = arith.constant 1 : i32
    scf.for %scan3A_8 = %scan3A_3 to %scan3A_5 step %scan3A_6  : i32 {
      %add3A_9 = arith.constant 26 : i32
      %add3A_10 = arith.addi %add3A_9, %scan3A_8 : i32
      %mul3A_11 = arith.constant 4 : i32
      %mul3A_12 = arith.muli %add3A, %mul3A_11 : i32
      "tpu.region"() ({
        %run_scoped3A = tpu.sem_alloc : memref<!tpu.dma_semaphore, #tpu.memory_space<semaphore_mem>>
        %dma_start3A_94 = arith.constant 0 : i32
        %dma_start3A_95 = tpu.memref_slice %arg3[%add3A_10, %mul3A_12, %dma_start3A_94] : memref<50x128x128xi32, #tpu.memory_space<hbm>> -> memref<1x4x128xi32, #tpu.memory_space<hbm>>
        %dma_start3A_96 = tpu.memref_squeeze %dma_start3A_95 : memref<1x4x128xi32, #tpu.memory_space<hbm>> -> memref<4x128xi32, #tpu.memory_space<hbm>>
        %dma_start3A_97 = arith.constant 0 : i32
        %dma_start3A_98 = tpu.memref_slice %arg3[%add3A_10, %mul3A_12, %dma_start3A_97] : memref<50x128x128xi32, #tpu.memory_space<hbm>> -> memref<1x4x128xi32, #tpu.memory_space<hbm>>
        %dma_start3A_99 = tpu.memref_squeeze %dma_start3A_98 : memref<1x4x128xi32, #tpu.memory_space<hbm>> -> memref<4x128xi32, #tpu.memory_space<hbm>>
        tpu.enqueue_dma source(%dma_start3A_99 : memref<4x128xi32, #tpu.memory_space<hbm>>) target(%arg5 : memref<4x128xi32, #tpu.memory_space<vmem>>) target_semaphore(%run_scoped3A : memref<!tpu.dma_semaphore, #tpu.memory_space<semaphore_mem>>)
        %dma_wait3A_100 = arith.constant 0 : i32
        %dma_wait3A_101 = tpu.memref_slice %arg3[%add3A_10, %mul3A_12, %dma_wait3A_100] : memref<50x128x128xi32, #tpu.memory_space<hbm>> -> memref<1x4x128xi32, #tpu.memory_space<hbm>>
        %dma_wait3A_102 = tpu.memref_squeeze %dma_wait3A_101 : memref<1x4x128xi32, #tpu.memory_space<hbm>> -> memref<4x128xi32, #tpu.memory_space<hbm>>
        %dma_wait3A_103 = arith.constant 0 : i32
        %dma_wait3A_104 = tpu.memref_slice %arg3[%add3A_10, %mul3A_12, %dma_wait3A_103] : memref<50x128x128xi32, #tpu.memory_space<hbm>> -> memref<1x4x128xi32, #tpu.memory_space<hbm>>
        %dma_wait3A_105 = tpu.memref_squeeze %dma_wait3A_104 : memref<1x4x128xi32, #tpu.memory_space<hbm>> -> memref<4x128xi32, #tpu.memory_space<hbm>>
        tpu.wait_dma2 semaphore(%run_scoped3A : memref<!tpu.dma_semaphore, #tpu.memory_space<semaphore_mem>>) src(%dma_wait3A_105 : memref<4x128xi32, #tpu.memory_space<hbm>>) dst(%arg5 : memref<4x128xi32, #tpu.memory_space<vmem>>)
        tpu.yield
      }) : () -> ()
      %dma_start3A = arith.constant 0 : i32
      %dma_start3A_13 = arith.constant 0 : i32
      %dma_start3A_14 = arith.constant 0 : i32
      %dma_start3A_15 = tpu.memref_slice %arg6[%dma_start3A_13, %dma_start3A_14] : memref<512x64xf32, #tpu.memory_space<vmem>> -> memref<128x64xf32, #tpu.memory_space<vmem>>
      %dma_start3A_16 = arith.constant 0 : i32
      %dma_start3A_17 = tpu.memref_slice %arg5[%dma_start3A, %dma_start3A_16] : memref<4x128xi32, #tpu.memory_space<vmem>> -> memref<1x128xi32, #tpu.memory_space<vmem>>
      %dma_start3A_18 = tpu.memref_squeeze %dma_start3A_17 : memref<1x128xi32, #tpu.memory_space<vmem>> -> memref<128xi32, #tpu.memory_space<vmem>>
      %dma_start3A_19 = arith.constant 0 : i32
      %dma_start3A_20 = arith.constant 0 : i32
      %dma_start3A_21 = tpu.memref_slice %arg2[%dma_start3A_19, %dma_start3A_20] : memref<1048576x64xf32, #tpu.memory_space<hbm>> -> memref<1048576x64xf32, #tpu.memory_space<hbm>>
      tpu.enqueue_indirect_dma source(%dma_start3A_21 : memref<1048576x64xf32, #tpu.memory_space<hbm>>) target(%dma_start3A_15 : memref<128x64xf32, #tpu.memory_space<vmem>>) offsets(%dma_start3A_18 : memref<128xi32, #tpu.memory_space<vmem>>) semaphore(%arg7 : memref<!tpu.dma_semaphore, #tpu.memory_space<semaphore_mem>>)
      %dma_start3A_22 = arith.constant 1 : i32
      %dma_start3A_23 = arith.constant 128 : i32
      %dma_start3A_24 = arith.constant 0 : i32
      %dma_start3A_25 = tpu.memref_slice %arg6[%dma_start3A_23, %dma_start3A_24] : memref<512x64xf32, #tpu.memory_space<vmem>> -> memref<128x64xf32, #tpu.memory_space<vmem>>
      %dma_start3A_26 = arith.constant 0 : i32
      %dma_start3A_27 = tpu.memref_slice %arg5[%dma_start3A_22, %dma_start3A_26] : memref<4x128xi32, #tpu.memory_space<vmem>> -> memref<1x128xi32, #tpu.memory_space<vmem>>
      %dma_start3A_28 = tpu.memref_squeeze %dma_start3A_27 : memref<1x128xi32, #tpu.memory_space<vmem>> -> memref<128xi32, #tpu.memory_space<vmem>>
      %dma_start3A_29 = arith.constant 0 : i32
      %dma_start3A_30 = arith.constant 0 : i32
      %dma_start3A_31 = tpu.memref_slice %arg2[%dma_start3A_29, %dma_start3A_30] : memref<1048576x64xf32, #tpu.memory_space<hbm>> -> memref<1048576x64xf32, #tpu.memory_space<hbm>>
      tpu.enqueue_indirect_dma source(%dma_start3A_31 : memref<1048576x64xf32, #tpu.memory_space<hbm>>) target(%dma_start3A_25 : memref<128x64xf32, #tpu.memory_space<vmem>>) offsets(%dma_start3A_28 : memref<128xi32, #tpu.memory_space<vmem>>) semaphore(%arg7 : memref<!tpu.dma_semaphore, #tpu.memory_space<semaphore_mem>>)
      %dma_start3A_32 = arith.constant 2 : i32
      %dma_start3A_33 = arith.constant 256 : i32
      %dma_start3A_34 = arith.constant 0 : i32
      %dma_start3A_35 = tpu.memref_slice %arg6[%dma_start3A_33, %dma_start3A_34] : memref<512x64xf32, #tpu.memory_space<vmem>> -> memref<128x64xf32, #tpu.memory_space<vmem>>
      %dma_start3A_36 = arith.constant 0 : i32
      %dma_start3A_37 = tpu.memref_slice %arg5[%dma_start3A_32, %dma_start3A_36] : memref<4x128xi32, #tpu.memory_space<vmem>> -> memref<1x128xi32, #tpu.memory_space<vmem>>
      %dma_start3A_38 = tpu.memref_squeeze %dma_start3A_37 : memref<1x128xi32, #tpu.memory_space<vmem>> -> memref<128xi32, #tpu.memory_space<vmem>>
      %dma_start3A_39 = arith.constant 0 : i32
      %dma_start3A_40 = arith.constant 0 : i32
      %dma_start3A_41 = tpu.memref_slice %arg2[%dma_start3A_39, %dma_start3A_40] : memref<1048576x64xf32, #tpu.memory_space<hbm>> -> memref<1048576x64xf32, #tpu.memory_space<hbm>>
      tpu.enqueue_indirect_dma source(%dma_start3A_41 : memref<1048576x64xf32, #tpu.memory_space<hbm>>) target(%dma_start3A_35 : memref<128x64xf32, #tpu.memory_space<vmem>>) offsets(%dma_start3A_38 : memref<128xi32, #tpu.memory_space<vmem>>) semaphore(%arg7 : memref<!tpu.dma_semaphore, #tpu.memory_space<semaphore_mem>>)
      %dma_start3A_42 = arith.constant 3 : i32
      %dma_start3A_43 = arith.constant 384 : i32
      %dma_start3A_44 = arith.constant 0 : i32
      %dma_start3A_45 = tpu.memref_slice %arg6[%dma_start3A_43, %dma_start3A_44] : memref<512x64xf32, #tpu.memory_space<vmem>> -> memref<128x64xf32, #tpu.memory_space<vmem>>
      %dma_start3A_46 = arith.constant 0 : i32
      %dma_start3A_47 = tpu.memref_slice %arg5[%dma_start3A_42, %dma_start3A_46] : memref<4x128xi32, #tpu.memory_space<vmem>> -> memref<1x128xi32, #tpu.memory_space<vmem>>
      %dma_start3A_48 = tpu.memref_squeeze %dma_start3A_47 : memref<1x128xi32, #tpu.memory_space<vmem>> -> memref<128xi32, #tpu.memory_space<vmem>>
      %dma_start3A_49 = arith.constant 0 : i32
      %dma_start3A_50 = arith.constant 0 : i32
      %dma_start3A_51 = tpu.memref_slice %arg2[%dma_start3A_49, %dma_start3A_50] : memref<1048576x64xf32, #tpu.memory_space<hbm>> -> memref<1048576x64xf32, #tpu.memory_space<hbm>>
      tpu.enqueue_indirect_dma source(%dma_start3A_51 : memref<1048576x64xf32, #tpu.memory_space<hbm>>) target(%dma_start3A_45 : memref<128x64xf32, #tpu.memory_space<vmem>>) offsets(%dma_start3A_48 : memref<128xi32, #tpu.memory_space<vmem>>) semaphore(%arg7 : memref<!tpu.dma_semaphore, #tpu.memory_space<semaphore_mem>>)
      %dma_wait3A = arith.constant 0 : i32
      %dma_wait3A_52 = arith.constant 0 : i32
      %dma_wait3A_53 = arith.constant 0 : i32
      %dma_wait3A_54 = tpu.memref_slice %arg6[%dma_wait3A_52, %dma_wait3A_53] : memref<512x64xf32, #tpu.memory_space<vmem>> -> memref<128x64xf32, #tpu.memory_space<vmem>>
      %dma_wait3A_55 = arith.constant 0 : i32
      %dma_wait3A_56 = tpu.memref_slice %arg5[%dma_wait3A, %dma_wait3A_55] : memref<4x128xi32, #tpu.memory_space<vmem>> -> memref<1x128xi32, #tpu.memory_space<vmem>>
      %dma_wait3A_57 = tpu.memref_squeeze %dma_wait3A_56 : memref<1x128xi32, #tpu.memory_space<vmem>> -> memref<128xi32, #tpu.memory_space<vmem>>
      %dma_wait3A_58 = arith.constant 0 : i32
      %dma_wait3A_59 = arith.constant 0 : i32
      %dma_wait3A_60 = tpu.memref_slice %arg2[%dma_wait3A_58, %dma_wait3A_59] : memref<1048576x64xf32, #tpu.memory_space<hbm>> -> memref<1048576x64xf32, #tpu.memory_space<hbm>>
      tpu.wait_indirect_dma semaphore(%arg7 : memref<!tpu.dma_semaphore, #tpu.memory_space<semaphore_mem>>) src(%dma_wait3A_60 : memref<1048576x64xf32, #tpu.memory_space<hbm>>) dst(%dma_wait3A_54 : memref<128x64xf32, #tpu.memory_space<vmem>>)
      %dma_wait3A_61 = arith.constant 1 : i32
      %dma_wait3A_62 = arith.constant 128 : i32
      %dma_wait3A_63 = arith.constant 0 : i32
      %dma_wait3A_64 = tpu.memref_slice %arg6[%dma_wait3A_62, %dma_wait3A_63] : memref<512x64xf32, #tpu.memory_space<vmem>> -> memref<128x64xf32, #tpu.memory_space<vmem>>
      %dma_wait3A_65 = arith.constant 0 : i32
      %dma_wait3A_66 = tpu.memref_slice %arg5[%dma_wait3A_61, %dma_wait3A_65] : memref<4x128xi32, #tpu.memory_space<vmem>> -> memref<1x128xi32, #tpu.memory_space<vmem>>
      %dma_wait3A_67 = tpu.memref_squeeze %dma_wait3A_66 : memref<1x128xi32, #tpu.memory_space<vmem>> -> memref<128xi32, #tpu.memory_space<vmem>>
      %dma_wait3A_68 = arith.constant 0 : i32
      %dma_wait3A_69 = arith.constant 0 : i32
      %dma_wait3A_70 = tpu.memref_slice %arg2[%dma_wait3A_68, %dma_wait3A_69] : memref<1048576x64xf32, #tpu.memory_space<hbm>> -> memref<1048576x64xf32, #tpu.memory_space<hbm>>
      tpu.wait_indirect_dma semaphore(%arg7 : memref<!tpu.dma_semaphore, #tpu.memory_space<semaphore_mem>>) src(%dma_wait3A_70 : memref<1048576x64xf32, #tpu.memory_space<hbm>>) dst(%dma_wait3A_64 : memref<128x64xf32, #tpu.memory_space<vmem>>)
      %dma_wait3A_71 = arith.constant 2 : i32
      %dma_wait3A_72 = arith.constant 256 : i32
      %dma_wait3A_73 = arith.constant 0 : i32
      %dma_wait3A_74 = tpu.memref_slice %arg6[%dma_wait3A_72, %dma_wait3A_73] : memref<512x64xf32, #tpu.memory_space<vmem>> -> memref<128x64xf32, #tpu.memory_space<vmem>>
      %dma_wait3A_75 = arith.constant 0 : i32
      %dma_wait3A_76 = tpu.memref_slice %arg5[%dma_wait3A_71, %dma_wait3A_75] : memref<4x128xi32, #tpu.memory_space<vmem>> -> memref<1x128xi32, #tpu.memory_space<vmem>>
      %dma_wait3A_77 = tpu.memref_squeeze %dma_wait3A_76 : memref<1x128xi32, #tpu.memory_space<vmem>> -> memref<128xi32, #tpu.memory_space<vmem>>
      %dma_wait3A_78 = arith.constant 0 : i32
      %dma_wait3A_79 = arith.constant 0 : i32
      %dma_wait3A_80 = tpu.memref_slice %arg2[%dma_wait3A_78, %dma_wait3A_79] : memref<1048576x64xf32, #tpu.memory_space<hbm>> -> memref<1048576x64xf32, #tpu.memory_space<hbm>>
      tpu.wait_indirect_dma semaphore(%arg7 : memref<!tpu.dma_semaphore, #tpu.memory_space<semaphore_mem>>) src(%dma_wait3A_80 : memref<1048576x64xf32, #tpu.memory_space<hbm>>) dst(%dma_wait3A_74 : memref<128x64xf32, #tpu.memory_space<vmem>>)
      %dma_wait3A_81 = arith.constant 3 : i32
      %dma_wait3A_82 = arith.constant 384 : i32
      %dma_wait3A_83 = arith.constant 0 : i32
      %dma_wait3A_84 = tpu.memref_slice %arg6[%dma_wait3A_82, %dma_wait3A_83] : memref<512x64xf32, #tpu.memory_space<vmem>> -> memref<128x64xf32, #tpu.memory_space<vmem>>
      %dma_wait3A_85 = arith.constant 0 : i32
      %dma_wait3A_86 = tpu.memref_slice %arg5[%dma_wait3A_81, %dma_wait3A_85] : memref<4x128xi32, #tpu.memory_space<vmem>> -> memref<1x128xi32, #tpu.memory_space<vmem>>
      %dma_wait3A_87 = tpu.memref_squeeze %dma_wait3A_86 : memref<1x128xi32, #tpu.memory_space<vmem>> -> memref<128xi32, #tpu.memory_space<vmem>>
      %dma_wait3A_88 = arith.constant 0 : i32
      %dma_wait3A_89 = arith.constant 0 : i32
      %dma_wait3A_90 = tpu.memref_slice %arg2[%dma_wait3A_88, %dma_wait3A_89] : memref<1048576x64xf32, #tpu.memory_space<hbm>> -> memref<1048576x64xf32, #tpu.memory_space<hbm>>
      tpu.wait_indirect_dma semaphore(%arg7 : memref<!tpu.dma_semaphore, #tpu.memory_space<semaphore_mem>>) src(%dma_wait3A_90 : memref<1048576x64xf32, #tpu.memory_space<hbm>>) dst(%dma_wait3A_84 : memref<128x64xf32, #tpu.memory_space<vmem>>)
      %mul3A_91 = arith.constant 16384 : i32
      %mul3A_92 = arith.muli %scan3A_8, %mul3A_91 : i32
      %add3A_93 = arith.addi %mul3A_92, %mul3A_2 : i32
      "tpu.region"() ({
        %run_scoped3A = tpu.sem_alloc : memref<!tpu.dma_semaphore, #tpu.memory_space<semaphore_mem>>
        %dma_start3A_94 = arith.constant 0 : i32
        %dma_start3A_95 = tpu.memref_slice %arg4[%add3A_93, %dma_start3A_94] : memref<196608x64xf32, #tpu.memory_space<hbm>> -> memref<512x64xf32, #tpu.memory_space<hbm>>
        %dma_start3A_96 = arith.constant 0 : i32
        %dma_start3A_97 = tpu.memref_slice %arg4[%add3A_93, %dma_start3A_96] : memref<196608x64xf32, #tpu.memory_space<hbm>> -> memref<512x64xf32, #tpu.memory_space<hbm>>
        tpu.enqueue_dma source(%arg6 : memref<512x64xf32, #tpu.memory_space<vmem>>) target(%dma_start3A_97 : memref<512x64xf32, #tpu.memory_space<hbm>>) target_semaphore(%run_scoped3A : memref<!tpu.dma_semaphore, #tpu.memory_space<semaphore_mem>>)
        %dma_wait3A_98 = arith.constant 0 : i32
        %dma_wait3A_99 = tpu.memref_slice %arg4[%add3A_93, %dma_wait3A_98] : memref<196608x64xf32, #tpu.memory_space<hbm>> -> memref<512x64xf32, #tpu.memory_space<hbm>>
        %dma_wait3A_100 = arith.constant 0 : i32
        %dma_wait3A_101 = tpu.memref_slice %arg4[%add3A_93, %dma_wait3A_100] : memref<196608x64xf32, #tpu.memory_space<hbm>> -> memref<512x64xf32, #tpu.memory_space<hbm>>
        tpu.wait_dma2 semaphore(%run_scoped3A : memref<!tpu.dma_semaphore, #tpu.memory_space<semaphore_mem>>) src(%arg6 : memref<512x64xf32, #tpu.memory_space<vmem>>) dst(%dma_wait3A_101 : memref<512x64xf32, #tpu.memory_space<hbm>>)
        tpu.yield
      }) : () -> ()
    }
    %scan3A_7 = arith.constant 12 : i32
    return
  }
}

module attributes {stable_mosaic.version = 14 : i64} {
  func.func @_merge_body(%arg0: i32, %arg1: memref<64x8192xf32, #tpu.memory_space<vmem>>, %arg2: memref<64x8192xf32, #tpu.memory_space<vmem>>, %arg3: memref<64x8192xf32, #tpu.memory_space<vmem>>, %arg4: memref<64x8192xf32, #tpu.memory_space<vmem>>, %arg5: memref<128x64xf32, #tpu.memory_space<vmem>>, %arg6: memref<8192x128xf32, #tpu.memory_space<vmem>>) attributes {dimension_semantics = [#tpu.dimension_semantics<arbitrary>], iteration_bounds = array<i64: 64>, scalar_prefetch = 0 : i64, scratch_operands = 0 : i64, tpu.core_type = #tpu.core_type<tc>, window_params = [{transform_indices = @transform_0, window_bounds = array<i64: 64, 8192>}, {transform_indices = @transform_1, window_bounds = array<i64: 64, 8192>}, {transform_indices = @transform_2, window_bounds = array<i64: 64, 8192>}, {transform_indices = @transform_3, window_bounds = array<i64: 64, 8192>}, {pipeline_mode = #tpu.pipeline_mode<synchronous>, transform_indices = @transform_4, window_bounds = array<i64: 128, 64>}, {transform_indices = @transform_5, window_bounds = array<i64: 8192, 128>}]} {
    %get3A = arith.constant 0 : index
    %get3A_0 = arith.constant 0 : index
    %get3A_1 = vector.load %arg1[%get3A, %get3A_0] : memref<64x8192xf32, #tpu.memory_space<vmem>>, vector<64x8192xf32>
    %get3A_2 = arith.constant 0 : index
    %get3A_3 = arith.constant 0 : index
    %get3A_4 = vector.load %arg2[%get3A_2, %get3A_3] : memref<64x8192xf32, #tpu.memory_space<vmem>>, vector<64x8192xf32>
    %concatenate3A = tpu.concatenate %get3A_1, %get3A_4 in 0 : vector<64x8192xf32>, vector<64x8192xf32> -> vector<128x8192xf32>
    %get3A_5 = arith.constant 0 : index
    %get3A_6 = arith.constant 0 : index
    %get3A_7 = vector.load %arg3[%get3A_5, %get3A_6] : memref<64x8192xf32, #tpu.memory_space<vmem>>, vector<64x8192xf32>
    %get3A_8 = arith.constant 0 : index
    %get3A_9 = arith.constant 0 : index
    %get3A_10 = vector.load %arg4[%get3A_8, %get3A_9] : memref<64x8192xf32, #tpu.memory_space<vmem>>, vector<64x8192xf32>
    %concatenate3A_11 = tpu.concatenate %get3A_7, %get3A_10 in 0 : vector<64x8192xf32>, vector<64x8192xf32> -> vector<128x8192xf32>
    %get3A_12 = arith.constant 0 : index
    %get3A_13 = arith.constant 0 : index
    %get3A_14 = vector.load %arg5[%get3A_12, %get3A_13] : memref<128x64xf32, #tpu.memory_space<vmem>>, vector<128x64xf32>
    %dot_general3A = arith.constant dense<0.000000e+00> : vector<8192x64xf32>
    %dot_general3A_15 = tpu.matmul %concatenate3A, %get3A_14, %dot_general3A {dimension_numbers = #tpu.dot_dimension_numbers<[0], [0], [1], [1], [0, 1, 1, 1], [], []>, transpose_lhs_hint = false} : vector<128x8192xf32>, vector<128x64xf32>, vector<8192x64xf32> -> vector<8192x64xf32>
    %swap3A = arith.constant 0 : index
    %swap3A_16 = arith.constant 0 : index
    %swap3A_17 = vector.load %arg6[%swap3A, %swap3A_16] : memref<8192x128xf32, #tpu.memory_space<vmem>>, vector<8192x64xf32>
    tpu.vector_store %arg6[%swap3A, %swap3A_16], %dot_general3A_15 {strides = array<i32>} : memref<8192x128xf32, #tpu.memory_space<vmem>>, vector<8192x64xf32>,
    %get3A_18 = arith.constant 0 : index
    %get3A_19 = arith.constant 0 : index
    %get3A_20 = vector.load %arg5[%get3A_18, %get3A_19] : memref<128x64xf32, #tpu.memory_space<vmem>>, vector<128x64xf32>
    %dot_general3A_21 = arith.constant dense<0.000000e+00> : vector<8192x64xf32>
    %dot_general3A_22 = tpu.matmul %concatenate3A_11, %get3A_20, %dot_general3A_21 {dimension_numbers = #tpu.dot_dimension_numbers<[0], [0], [1], [1], [0, 1, 1, 1], [], []>, transpose_lhs_hint = false} : vector<128x8192xf32>, vector<128x64xf32>, vector<8192x64xf32> -> vector<8192x64xf32>
    %swap3A_23 = arith.constant 0 : index
    %swap3A_24 = arith.constant 64 : index
    %swap3A_25 = vector.load %arg6[%swap3A_23, %swap3A_24] : memref<8192x128xf32, #tpu.memory_space<vmem>>, vector<8192x64xf32>
    tpu.vector_store %arg6[%swap3A_23, %swap3A_24], %dot_general3A_22 {strides = array<i32>} : memref<8192x128xf32, #tpu.memory_space<vmem>>, vector<8192x64xf32>,
    return
  }
  func.func @transform_0(%arg0: i32) -> (i32, i32) {
    %c0_i32 = arith.constant 0 : i32
    %c0_i32_0 = arith.constant 0 : i32
    return %c0_i32, %arg0 : i32, i32
  }
  func.func @transform_1(%arg0: i32) -> (i32, i32) {
    %c0_i32 = arith.constant 0 : i32
    %c0_i32_0 = arith.constant 0 : i32
    return %c0_i32, %arg0 : i32, i32
  }
  func.func @transform_2(%arg0: i32) -> (i32, i32) {
    %add3A = arith.constant 64 : i32
    %add3A_0 = arith.addi %arg0, %add3A : i32
    %min3A = arith.constant 122 : i32
    %min3A_1 = arith.minsi %add3A_0, %min3A : i32
    %c0_i32 = arith.constant 0 : i32
    %c0_i32_2 = arith.constant 0 : i32
    return %c0_i32, %min3A_1 : i32, i32
  }
  func.func @transform_3(%arg0: i32) -> (i32, i32) {
    %add3A = arith.constant 64 : i32
    %add3A_0 = arith.addi %arg0, %add3A : i32
    %min3A = arith.constant 122 : i32
    %min3A_1 = arith.minsi %add3A_0, %min3A : i32
    %c0_i32 = arith.constant 0 : i32
    %c0_i32_2 = arith.constant 0 : i32
    return %c0_i32, %min3A_1 : i32, i32
  }
  func.func @transform_4(%arg0: i32) -> (i32, i32) {
    %c0_i32 = arith.constant 0 : i32
    %c0_i32_0 = arith.constant 0 : i32
    %c0_i32_1 = arith.constant 0 : i32
    return %c0_i32, %c0_i32_0 : i32, i32
  }
  func.func @transform_5(%arg0: i32) -> (i32, i32) {
    %c0_i32 = arith.constant 0 : i32
    %c0_i32_0 = arith.constant 0 : i32
    return %arg0, %c0_i32 : i32, i32
  }
}

module attributes {stable_mosaic.version = 14 : i64} {
  func.func @_format_body(%arg0: i32, %arg1: i32, %arg2: memref<1x16x256x128xf32, #tpu.memory_space<vmem>>, %arg3: memref<1x64x8192xf32, #tpu.memory_space<vmem>>) attributes {dimension_semantics = [#tpu.dimension_semantics<arbitrary>, #tpu.dimension_semantics<arbitrary>], iteration_bounds = array<i64: 13, 2>, scalar_prefetch = 0 : i64, scratch_operands = 0 : i64, tpu.core_type = #tpu.core_type<tc>, window_params = [{transform_indices = @transform_0, window_bounds = array<i64: 1, 16, 256, 128>}, {transform_indices = @transform_1, window_bounds = array<i64: 1, 64, 8192>}]} {
    %get3A = arith.constant 0 : index
    %get3A_0 = arith.constant 0 : index
    %get3A_1 = arith.constant 0 : index
    %get3A_2 = arith.constant 0 : index
    %get3A_3 = vector.load %arg2[%get3A, %get3A_0, %get3A_1, %get3A_2] : memref<1x16x256x128xf32, #tpu.memory_space<vmem>>, vector<1x1x256x128xf32>
    %get3A_4 = vector.shape_cast %get3A_3 : vector<1x1x256x128xf32> to vector<256x128xf32>
    %transpose3A = tpu.transpose %get3A_4, [1, 0] : vector<256x128xf32> -> vector<128x256xf32>
    %slice3A = vector.extract_strided_slice %transpose3A {offsets = [0, 0], sizes = [64, 256], strides = [1, 1]} : vector<128x256xf32> to vector<64x256xf32>
    %swap3A = arith.constant 0 : index
    %swap3A_5 = arith.constant 0 : index
    %swap3A_6 = arith.constant 0 : index
    %swap3A_7 = vector.load %arg3[%swap3A, %swap3A_5, %swap3A_6] : memref<1x64x8192xf32, #tpu.memory_space<vmem>>, vector<1x64x256xf32>
    %swap3A_8 = vector.shape_cast %swap3A_7 : vector<1x64x256xf32> to vector<64x256xf32>
    %swap3A_9 = vector.shape_cast %slice3A : vector<64x256xf32> to vector<1x64x256xf32>
    tpu.vector_store %arg3[%swap3A, %swap3A_5, %swap3A_6], %swap3A_9 {strides = array<i32>} : memref<1x64x8192xf32, #tpu.memory_space<vmem>>, vector<1x64x256xf32>,
    %slice3A_10 = vector.extract_strided_slice %transpose3A {offsets = [64, 0], sizes = [64, 256], strides = [1, 1]} : vector<128x256xf32> to vector<64x256xf32>
    %swap3A_11 = arith.constant 0 : index
    %swap3A_12 = arith.constant 0 : index
    %swap3A_13 = arith.constant 256 : index
    %swap3A_14 = vector.load %arg3[%swap3A_11, %swap3A_12, %swap3A_13] : memref<1x64x8192xf32, #tpu.memory_space<vmem>>, vector<1x64x256xf32>
    %swap3A_15 = vector.shape_cast %swap3A_14 : vector<1x64x256xf32> to vector<64x256xf32>
    %swap3A_16 = vector.shape_cast %slice3A_10 : vector<64x256xf32> to vector<1x64x256xf32>
    tpu.vector_store %arg3[%swap3A_11, %swap3A_12, %swap3A_13], %swap3A_16 {strides = array<i32>} : memref<1x64x8192xf32, #tpu.memory_space<vmem>>, vector<1x64x256xf32>,
    %get3A_17 = arith.constant 0 : index
    %get3A_18 = arith.constant 1 : index
    %get3A_19 = arith.constant 0 : index
    %get3A_20 = arith.constant 0 : index
    %get3A_21 = vector.load %arg2[%get3A_17, %get3A_18, %get3A_19, %get3A_20] : memref<1x16x256x128xf32, #tpu.memory_space<vmem>>, vector<1x1x256x128xf32>
    %get3A_22 = vector.shape_cast %get3A_21 : vector<1x1x256x128xf32> to vector<256x128xf32>
    %transpose3A_23 = tpu.transpose %get3A_22, [1, 0] : vector<256x128xf32> -> vector<128x256xf32>
    %slice3A_24 = vector.extract_strided_slice %transpose3A_23 {offsets = [0, 0], sizes = [64, 256], strides = [1, 1]} : vector<128x256xf32> to vector<64x256xf32>
    %swap3A_25 = arith.constant 0 : index
    %swap3A_26 = arith.constant 0 : index
    %swap3A_27 = arith.constant 512 : index
    %swap3A_28 = vector.load %arg3[%swap3A_25, %swap3A_26, %swap3A_27] : memref<1x64x8192xf32, #tpu.memory_space<vmem>>, vector<1x64x256xf32>
    %swap3A_29 = vector.shape_cast %swap3A_28 : vector<1x64x256xf32> to vector<64x256xf32>
    %swap3A_30 = vector.shape_cast %slice3A_24 : vector<64x256xf32> to vector<1x64x256xf32>
    tpu.vector_store %arg3[%swap3A_25, %swap3A_26, %swap3A_27], %swap3A_30 {strides = array<i32>} : memref<1x64x8192xf32, #tpu.memory_space<vmem>>, vector<1x64x256xf32>,
    %slice3A_31 = vector.extract_strided_slice %transpose3A_23 {offsets = [64, 0], sizes = [64, 256], strides = [1, 1]} : vector<128x256xf32> to vector<64x256xf32>
    %swap3A_32 = arith.constant 0 : index
    %swap3A_33 = arith.constant 0 : index
    %swap3A_34 = arith.constant 768 : index
    %swap3A_35 = vector.load %arg3[%swap3A_32, %swap3A_33, %swap3A_34] : memref<1x64x8192xf32, #tpu.memory_space<vmem>>, vector<1x64x256xf32>
    %swap3A_36 = vector.shape_cast %swap3A_35 : vector<1x64x256xf32> to vector<64x256xf32>
    %swap3A_37 = vector.shape_cast %slice3A_31 : vector<64x256xf32> to vector<1x64x256xf32>
    tpu.vector_store %arg3[%swap3A_32, %swap3A_33, %swap3A_34], %swap3A_37 {strides = array<i32>} : memref<1x64x8192xf32, #tpu.memory_space<vmem>>, vector<1x64x256xf32>,
    %get3A_38 = arith.constant 0 : index
    %get3A_39 = arith.constant 2 : index
    %get3A_40 = arith.constant 0 : index
    %get3A_41 = arith.constant 0 : index
    %get3A_42 = vector.load %arg2[%get3A_38, %get3A_39, %get3A_40, %get3A_41] : memref<1x16x256x128xf32, #tpu.memory_space<vmem>>, vector<1x1x256x128xf32>
    %get3A_43 = vector.shape_cast %get3A_42 : vector<1x1x256x128xf32> to vector<256x128xf32>
    %transpose3A_44 = tpu.transpose %get3A_43, [1, 0] : vector<256x128xf32> -> vector<128x256xf32>
    %slice3A_45 = vector.extract_strided_slice %transpose3A_44 {offsets = [0, 0], sizes = [64, 256], strides = [1, 1]} : vector<128x256xf32> to vector<64x256xf32>
    %swap3A_46 = arith.constant 0 : index
    %swap3A_47 = arith.constant 0 : index
    %swap3A_48 = arith.constant 1024 : index
    %swap3A_49 = vector.load %arg3[%swap3A_46, %swap3A_47, %swap3A_48] : memref<1x64x8192xf32, #tpu.memory_space<vmem>>, vector<1x64x256xf32>
    %swap3A_50 = vector.shape_cast %swap3A_49 : vector<1x64x256xf32> to vector<64x256xf32>
    %swap3A_51 = vector.shape_cast %slice3A_45 : vector<64x256xf32> to vector<1x64x256xf32>
    tpu.vector_store %arg3[%swap3A_46, %swap3A_47, %swap3A_48], %swap3A_51 {strides = array<i32>} : memref<1x64x8192xf32, #tpu.memory_space<vmem>>, vector<1x64x256xf32>,
    %slice3A_52 = vector.extract_strided_slice %transpose3A_44 {offsets = [64, 0], sizes = [64, 256], strides = [1, 1]} : vector<128x256xf32> to vector<64x256xf32>
    %swap3A_53 = arith.constant 0 : index
    %swap3A_54 = arith.constant 0 : index
    %swap3A_55 = arith.constant 1280 : index
    %swap3A_56 = vector.load %arg3[%swap3A_53, %swap3A_54, %swap3A_55] : memref<1x64x8192xf32, #tpu.memory_space<vmem>>, vector<1x64x256xf32>
    %swap3A_57 = vector.shape_cast %swap3A_56 : vector<1x64x256xf32> to vector<64x256xf32>
    %swap3A_58 = vector.shape_cast %slice3A_52 : vector<64x256xf32> to vector<1x64x256xf32>
    tpu.vector_store %arg3[%swap3A_53, %swap3A_54, %swap3A_55], %swap3A_58 {strides = array<i32>} : memref<1x64x8192xf32, #tpu.memory_space<vmem>>, vector<1x64x256xf32>,
    %get3A_59 = arith.constant 0 : index
    %get3A_60 = arith.constant 3 : index
    %get3A_61 = arith.constant 0 : index
    %get3A_62 = arith.constant 0 : index
    %get3A_63 = vector.load %arg2[%get3A_59, %get3A_60, %get3A_61, %get3A_62] : memref<1x16x256x128xf32, #tpu.memory_space<vmem>>, vector<1x1x256x128xf32>
    %get3A_64 = vector.shape_cast %get3A_63 : vector<1x1x256x128xf32> to vector<256x128xf32>
    %transpose3A_65 = tpu.transpose %get3A_64, [1, 0] : vector<256x128xf32> -> vector<128x256xf32>
    %slice3A_66 = vector.extract_strided_slice %transpose3A_65 {offsets = [0, 0], sizes = [64, 256], strides = [1, 1]} : vector<128x256xf32> to vector<64x256xf32>
    %swap3A_67 = arith.constant 0 : index
    %swap3A_68 = arith.constant 0 : index
    %swap3A_69 = arith.constant 1536 : index
    %swap3A_70 = vector.load %arg3[%swap3A_67, %swap3A_68, %swap3A_69] : memref<1x64x8192xf32, #tpu.memory_space<vmem>>, vector<1x64x256xf32>
    %swap3A_71 = vector.shape_cast %swap3A_70 : vector<1x64x256xf32> to vector<64x256xf32>
    %swap3A_72 = vector.shape_cast %slice3A_66 : vector<64x256xf32> to vector<1x64x256xf32>
    tpu.vector_store %arg3[%swap3A_67, %swap3A_68, %swap3A_69], %swap3A_72 {strides = array<i32>} : memref<1x64x8192xf32, #tpu.memory_space<vmem>>, vector<1x64x256xf32>,
    %slice3A_73 = vector.extract_strided_slice %transpose3A_65 {offsets = [64, 0], sizes = [64, 256], strides = [1, 1]} : vector<128x256xf32> to vector<64x256xf32>
    %swap3A_74 = arith.constant 0 : index
    %swap3A_75 = arith.constant 0 : index
    %swap3A_76 = arith.constant 1792 : index
    %swap3A_77 = vector.load %arg3[%swap3A_74, %swap3A_75, %swap3A_76] : memref<1x64x8192xf32, #tpu.memory_space<vmem>>, vector<1x64x256xf32>
    %swap3A_78 = vector.shape_cast %swap3A_77 : vector<1x64x256xf32> to vector<64x256xf32>
    %swap3A_79 = vector.shape_cast %slice3A_73 : vector<64x256xf32> to vector<1x64x256xf32>
    tpu.vector_store %arg3[%swap3A_74, %swap3A_75, %swap3A_76], %swap3A_79 {strides = array<i32>} : memref<1x64x8192xf32, #tpu.memory_space<vmem>>, vector<1x64x256xf32>,
    %get3A_80 = arith.constant 0 : index
    %get3A_81 = arith.constant 4 : index
    %get3A_82 = arith.constant 0 : index
    %get3A_83 = arith.constant 0 : index
    %get3A_84 = vector.load %arg2[%get3A_80, %get3A_81, %get3A_82, %get3A_83] : memref<1x16x256x128xf32, #tpu.memory_space<vmem>>, vector<1x1x256x128xf32>
    %get3A_85 = vector.shape_cast %get3A_84 : vector<1x1x256x128xf32> to vector<256x128xf32>
    %transpose3A_86 = tpu.transpose %get3A_85, [1, 0] : vector<256x128xf32> -> vector<128x256xf32>
    %slice3A_87 = vector.extract_strided_slice %transpose3A_86 {offsets = [0, 0], sizes = [64, 256], strides = [1, 1]} : vector<128x256xf32> to vector<64x256xf32>
    %swap3A_88 = arith.constant 0 : index
    %swap3A_89 = arith.constant 0 : index
    %swap3A_90 = arith.constant 2048 : index
    %swap3A_91 = vector.load %arg3[%swap3A_88, %swap3A_89, %swap3A_90] : memref<1x64x8192xf32, #tpu.memory_space<vmem>>, vector<1x64x256xf32>
    %swap3A_92 = vector.shape_cast %swap3A_91 : vector<1x64x256xf32> to vector<64x256xf32>
    %swap3A_93 = vector.shape_cast %slice3A_87 : vector<64x256xf32> to vector<1x64x256xf32>
    tpu.vector_store %arg3[%swap3A_88, %swap3A_89, %swap3A_90], %swap3A_93 {strides = array<i32>} : memref<1x64x8192xf32, #tpu.memory_space<vmem>>, vector<1x64x256xf32>,
    %slice3A_94 = vector.extract_strided_slice %transpose3A_86 {offsets = [64, 0], sizes = [64, 256], strides = [1, 1]} : vector<128x256xf32> to vector<64x256xf32>
    %swap3A_95 = arith.constant 0 : index
    %swap3A_96 = arith.constant 0 : index
    %swap3A_97 = arith.constant 2304 : index
    %swap3A_98 = vector.load %arg3[%swap3A_95, %swap3A_96, %swap3A_97] : memref<1x64x8192xf32, #tpu.memory_space<vmem>>, vector<1x64x256xf32>
    %swap3A_99 = vector.shape_cast %swap3A_98 : vector<1x64x256xf32> to vector<64x256xf32>
    %swap3A_100 = vector.shape_cast %slice3A_94 : vector<64x256xf32> to vector<1x64x256xf32>
    tpu.vector_store %arg3[%swap3A_95, %swap3A_96, %swap3A_97], %swap3A_100 {strides = array<i32>} : memref<1x64x8192xf32, #tpu.memory_space<vmem>>, vector<1x64x256xf32>,
    %get3A_101 = arith.constant 0 : index
    %get3A_102 = arith.constant 5 : index
    %get3A_103 = arith.constant 0 : index
    %get3A_104 = arith.constant 0 : index
    %get3A_105 = vector.load %arg2[%get3A_101, %get3A_102, %get3A_103, %get3A_104] : memref<1x16x256x128xf32, #tpu.memory_space<vmem>>, vector<1x1x256x128xf32>
    %get3A_106 = vector.shape_cast %get3A_105 : vector<1x1x256x128xf32> to vector<256x128xf32>
    %transpose3A_107 = tpu.transpose %get3A_106, [1, 0] : vector<256x128xf32> -> vector<128x256xf32>
    %slice3A_108 = vector.extract_strided_slice %transpose3A_107 {offsets = [0, 0], sizes = [64, 256], strides = [1, 1]} : vector<128x256xf32> to vector<64x256xf32>
    %swap3A_109 = arith.constant 0 : index
    %swap3A_110 = arith.constant 0 : index
    %swap3A_111 = arith.constant 2560 : index
    %swap3A_112 = vector.load %arg3[%swap3A_109, %swap3A_110, %swap3A_111] : memref<1x64x8192xf32, #tpu.memory_space<vmem>>, vector<1x64x256xf32>
    %swap3A_113 = vector.shape_cast %swap3A_112 : vector<1x64x256xf32> to vector<64x256xf32>
    %swap3A_114 = vector.shape_cast %slice3A_108 : vector<64x256xf32> to vector<1x64x256xf32>
    tpu.vector_store %arg3[%swap3A_109, %swap3A_110, %swap3A_111], %swap3A_114 {strides = array<i32>} : memref<1x64x8192xf32, #tpu.memory_space<vmem>>, vector<1x64x256xf32>,
    %slice3A_115 = vector.extract_strided_slice %transpose3A_107 {offsets = [64, 0], sizes = [64, 256], strides = [1, 1]} : vector<128x256xf32> to vector<64x256xf32>
    %swap3A_116 = arith.constant 0 : index
    %swap3A_117 = arith.constant 0 : index
    %swap3A_118 = arith.constant 2816 : index
    %swap3A_119 = vector.load %arg3[%swap3A_116, %swap3A_117, %swap3A_118] : memref<1x64x8192xf32, #tpu.memory_space<vmem>>, vector<1x64x256xf32>
    %swap3A_120 = vector.shape_cast %swap3A_119 : vector<1x64x256xf32> to vector<64x256xf32>
    %swap3A_121 = vector.shape_cast %slice3A_115 : vector<64x256xf32> to vector<1x64x256xf32>
    tpu.vector_store %arg3[%swap3A_116, %swap3A_117, %swap3A_118], %swap3A_121 {strides = array<i32>} : memref<1x64x8192xf32, #tpu.memory_space<vmem>>, vector<1x64x256xf32>,
    %get3A_122 = arith.constant 0 : index
    %get3A_123 = arith.constant 6 : index
    %get3A_124 = arith.constant 0 : index
    %get3A_125 = arith.constant 0 : index
    %get3A_126 = vector.load %arg2[%get3A_122, %get3A_123, %get3A_124, %get3A_125] : memref<1x16x256x128xf32, #tpu.memory_space<vmem>>, vector<1x1x256x128xf32>
    %get3A_127 = vector.shape_cast %get3A_126 : vector<1x1x256x128xf32> to vector<256x128xf32>
    %transpose3A_128 = tpu.transpose %get3A_127, [1, 0] : vector<256x128xf32> -> vector<128x256xf32>
    %slice3A_129 = vector.extract_strided_slice %transpose3A_128 {offsets = [0, 0], sizes = [64, 256], strides = [1, 1]} : vector<128x256xf32> to vector<64x256xf32>
    %swap3A_130 = arith.constant 0 : index
    %swap3A_131 = arith.constant 0 : index
    %swap3A_132 = arith.constant 3072 : index
    %swap3A_133 = vector.load %arg3[%swap3A_130, %swap3A_131, %swap3A_132] : memref<1x64x8192xf32, #tpu.memory_space<vmem>>, vector<1x64x256xf32>
    %swap3A_134 = vector.shape_cast %swap3A_133 : vector<1x64x256xf32> to vector<64x256xf32>
    %swap3A_135 = vector.shape_cast %slice3A_129 : vector<64x256xf32> to vector<1x64x256xf32>
    tpu.vector_store %arg3[%swap3A_130, %swap3A_131, %swap3A_132], %swap3A_135 {strides = array<i32>} : memref<1x64x8192xf32, #tpu.memory_space<vmem>>, vector<1x64x256xf32>,
    %slice3A_136 = vector.extract_strided_slice %transpose3A_128 {offsets = [64, 0], sizes = [64, 256], strides = [1, 1]} : vector<128x256xf32> to vector<64x256xf32>
    %swap3A_137 = arith.constant 0 : index
    %swap3A_138 = arith.constant 0 : index
    %swap3A_139 = arith.constant 3328 : index
    %swap3A_140 = vector.load %arg3[%swap3A_137, %swap3A_138, %swap3A_139] : memref<1x64x8192xf32, #tpu.memory_space<vmem>>, vector<1x64x256xf32>
    %swap3A_141 = vector.shape_cast %swap3A_140 : vector<1x64x256xf32> to vector<64x256xf32>
    %swap3A_142 = vector.shape_cast %slice3A_136 : vector<64x256xf32> to vector<1x64x256xf32>
    tpu.vector_store %arg3[%swap3A_137, %swap3A_138, %swap3A_139], %swap3A_142 {strides = array<i32>} : memref<1x64x8192xf32, #tpu.memory_space<vmem>>, vector<1x64x256xf32>,
    %get3A_143 = arith.constant 0 : index
    %get3A_144 = arith.constant 7 : index
    %get3A_145 = arith.constant 0 : index
    %get3A_146 = arith.constant 0 : index
    %get3A_147 = vector.load %arg2[%get3A_143, %get3A_144, %get3A_145, %get3A_146] : memref<1x16x256x128xf32, #tpu.memory_space<vmem>>, vector<1x1x256x128xf32>
    %get3A_148 = vector.shape_cast %get3A_147 : vector<1x1x256x128xf32> to vector<256x128xf32>
    %transpose3A_149 = tpu.transpose %get3A_148, [1, 0] : vector<256x128xf32> -> vector<128x256xf32>
    %slice3A_150 = vector.extract_strided_slice %transpose3A_149 {offsets = [0, 0], sizes = [64, 256], strides = [1, 1]} : vector<128x256xf32> to vector<64x256xf32>
    %swap3A_151 = arith.constant 0 : index
    %swap3A_152 = arith.constant 0 : index
    %swap3A_153 = arith.constant 3584 : index
    %swap3A_154 = vector.load %arg3[%swap3A_151, %swap3A_152, %swap3A_153] : memref<1x64x8192xf32, #tpu.memory_space<vmem>>, vector<1x64x256xf32>
    %swap3A_155 = vector.shape_cast %swap3A_154 : vector<1x64x256xf32> to vector<64x256xf32>
    %swap3A_156 = vector.shape_cast %slice3A_150 : vector<64x256xf32> to vector<1x64x256xf32>
    tpu.vector_store %arg3[%swap3A_151, %swap3A_152, %swap3A_153], %swap3A_156 {strides = array<i32>} : memref<1x64x8192xf32, #tpu.memory_space<vmem>>, vector<1x64x256xf32>,
    %slice3A_157 = vector.extract_strided_slice %transpose3A_149 {offsets = [64, 0], sizes = [64, 256], strides = [1, 1]} : vector<128x256xf32> to vector<64x256xf32>
    %swap3A_158 = arith.constant 0 : index
    %swap3A_159 = arith.constant 0 : index
    %swap3A_160 = arith.constant 3840 : index
    %swap3A_161 = vector.load %arg3[%swap3A_158, %swap3A_159, %swap3A_160] : memref<1x64x8192xf32, #tpu.memory_space<vmem>>, vector<1x64x256xf32>
    %swap3A_162 = vector.shape_cast %swap3A_161 : vector<1x64x256xf32> to vector<64x256xf32>
    %swap3A_163 = vector.shape_cast %slice3A_157 : vector<64x256xf32> to vector<1x64x256xf32>
    tpu.vector_store %arg3[%swap3A_158, %swap3A_159, %swap3A_160], %swap3A_163 {strides = array<i32>} : memref<1x64x8192xf32, #tpu.memory_space<vmem>>, vector<1x64x256xf32>,
    %get3A_164 = arith.constant 0 : index
    %get3A_165 = arith.constant 8 : index
    %get3A_166 = arith.constant 0 : index
    %get3A_167 = arith.constant 0 : index
    %get3A_168 = vector.load %arg2[%get3A_164, %get3A_165, %get3A_166, %get3A_167] : memref<1x16x256x128xf32, #tpu.memory_space<vmem>>, vector<1x1x256x128xf32>
    %get3A_169 = vector.shape_cast %get3A_168 : vector<1x1x256x128xf32> to vector<256x128xf32>
    %transpose3A_170 = tpu.transpose %get3A_169, [1, 0] : vector<256x128xf32> -> vector<128x256xf32>
    %slice3A_171 = vector.extract_strided_slice %transpose3A_170 {offsets = [0, 0], sizes = [64, 256], strides = [1, 1]} : vector<128x256xf32> to vector<64x256xf32>
    %swap3A_172 = arith.constant 0 : index
    %swap3A_173 = arith.constant 0 : index
    %swap3A_174 = arith.constant 4096 : index
    %swap3A_175 = vector.load %arg3[%swap3A_172, %swap3A_173, %swap3A_174] : memref<1x64x8192xf32, #tpu.memory_space<vmem>>, vector<1x64x256xf32>
    %swap3A_176 = vector.shape_cast %swap3A_175 : vector<1x64x256xf32> to vector<64x256xf32>
    %swap3A_177 = vector.shape_cast %slice3A_171 : vector<64x256xf32> to vector<1x64x256xf32>
    tpu.vector_store %arg3[%swap3A_172, %swap3A_173, %swap3A_174], %swap3A_177 {strides = array<i32>} : memref<1x64x8192xf32, #tpu.memory_space<vmem>>, vector<1x64x256xf32>,
    %slice3A_178 = vector.extract_strided_slice %transpose3A_170 {offsets = [64, 0], sizes = [64, 256], strides = [1, 1]} : vector<128x256xf32> to vector<64x256xf32>
    %swap3A_179 = arith.constant 0 : index
    %swap3A_180 = arith.constant 0 : index
    %swap3A_181 = arith.constant 4352 : index
    %swap3A_182 = vector.load %arg3[%swap3A_179, %swap3A_180, %swap3A_181] : memref<1x64x8192xf32, #tpu.memory_space<vmem>>, vector<1x64x256xf32>
    %swap3A_183 = vector.shape_cast %swap3A_182 : vector<1x64x256xf32> to vector<64x256xf32>
    %swap3A_184 = vector.shape_cast %slice3A_178 : vector<64x256xf32> to vector<1x64x256xf32>
    tpu.vector_store %arg3[%swap3A_179, %swap3A_180, %swap3A_181], %swap3A_184 {strides = array<i32>} : memref<1x64x8192xf32, #tpu.memory_space<vmem>>, vector<1x64x256xf32>,
    %get3A_185 = arith.constant 0 : index
    %get3A_186 = arith.constant 9 : index
    %get3A_187 = arith.constant 0 : index
    %get3A_188 = arith.constant 0 : index
    %get3A_189 = vector.load %arg2[%get3A_185, %get3A_186, %get3A_187, %get3A_188] : memref<1x16x256x128xf32, #tpu.memory_space<vmem>>, vector<1x1x256x128xf32>
    %get3A_190 = vector.shape_cast %get3A_189 : vector<1x1x256x128xf32> to vector<256x128xf32>
    %transpose3A_191 = tpu.transpose %get3A_190, [1, 0] : vector<256x128xf32> -> vector<128x256xf32>
    %slice3A_192 = vector.extract_strided_slice %transpose3A_191 {offsets = [0, 0], sizes = [64, 256], strides = [1, 1]} : vector<128x256xf32> to vector<64x256xf32>
    %swap3A_193 = arith.constant 0 : index
    %swap3A_194 = arith.constant 0 : index
    %swap3A_195 = arith.constant 4608 : index
    %swap3A_196 = vector.load %arg3[%swap3A_193, %swap3A_194, %swap3A_195] : memref<1x64x8192xf32, #tpu.memory_space<vmem>>, vector<1x64x256xf32>
    %swap3A_197 = vector.shape_cast %swap3A_196 : vector<1x64x256xf32> to vector<64x256xf32>
    %swap3A_198 = vector.shape_cast %slice3A_192 : vector<64x256xf32> to vector<1x64x256xf32>
    tpu.vector_store %arg3[%swap3A_193, %swap3A_194, %swap3A_195], %swap3A_198 {strides = array<i32>} : memref<1x64x8192xf32, #tpu.memory_space<vmem>>, vector<1x64x256xf32>,
    %slice3A_199 = vector.extract_strided_slice %transpose3A_191 {offsets = [64, 0], sizes = [64, 256], strides = [1, 1]} : vector<128x256xf32> to vector<64x256xf32>
    %swap3A_200 = arith.constant 0 : index
    %swap3A_201 = arith.constant 0 : index
    %swap3A_202 = arith.constant 4864 : index
    %swap3A_203 = vector.load %arg3[%swap3A_200, %swap3A_201, %swap3A_202] : memref<1x64x8192xf32, #tpu.memory_space<vmem>>, vector<1x64x256xf32>
    %swap3A_204 = vector.shape_cast %swap3A_203 : vector<1x64x256xf32> to vector<64x256xf32>
    %swap3A_205 = vector.shape_cast %slice3A_199 : vector<64x256xf32> to vector<1x64x256xf32>
    tpu.vector_store %arg3[%swap3A_200, %swap3A_201, %swap3A_202], %swap3A_205 {strides = array<i32>} : memref<1x64x8192xf32, #tpu.memory_space<vmem>>, vector<1x64x256xf32>,
    %get3A_206 = arith.constant 0 : index
    %get3A_207 = arith.constant 10 : index
    %get3A_208 = arith.constant 0 : index
    %get3A_209 = arith.constant 0 : index
    %get3A_210 = vector.load %arg2[%get3A_206, %get3A_207, %get3A_208, %get3A_209] : memref<1x16x256x128xf32, #tpu.memory_space<vmem>>, vector<1x1x256x128xf32>
    %get3A_211 = vector.shape_cast %get3A_210 : vector<1x1x256x128xf32> to vector<256x128xf32>
    %transpose3A_212 = tpu.transpose %get3A_211, [1, 0] : vector<256x128xf32> -> vector<128x256xf32>
    %slice3A_213 = vector.extract_strided_slice %transpose3A_212 {offsets = [0, 0], sizes = [64, 256], strides = [1, 1]} : vector<128x256xf32> to vector<64x256xf32>
    %swap3A_214 = arith.constant 0 : index
    %swap3A_215 = arith.constant 0 : index
    %swap3A_216 = arith.constant 5120 : index
    %swap3A_217 = vector.load %arg3[%swap3A_214, %swap3A_215, %swap3A_216] : memref<1x64x8192xf32, #tpu.memory_space<vmem>>, vector<1x64x256xf32>
    %swap3A_218 = vector.shape_cast %swap3A_217 : vector<1x64x256xf32> to vector<64x256xf32>
    %swap3A_219 = vector.shape_cast %slice3A_213 : vector<64x256xf32> to vector<1x64x256xf32>
    tpu.vector_store %arg3[%swap3A_214, %swap3A_215, %swap3A_216], %swap3A_219 {strides = array<i32>} : memref<1x64x8192xf32, #tpu.memory_space<vmem>>, vector<1x64x256xf32>,
    %slice3A_220 = vector.extract_strided_slice %transpose3A_212 {offsets = [64, 0], sizes = [64, 256], strides = [1, 1]} : vector<128x256xf32> to vector<64x256xf32>
    %swap3A_221 = arith.constant 0 : index
    %swap3A_222 = arith.constant 0 : index
    %swap3A_223 = arith.constant 5376 : index
    %swap3A_224 = vector.load %arg3[%swap3A_221, %swap3A_222, %swap3A_223] : memref<1x64x8192xf32, #tpu.memory_space<vmem>>, vector<1x64x256xf32>
    %swap3A_225 = vector.shape_cast %swap3A_224 : vector<1x64x256xf32> to vector<64x256xf32>
    %swap3A_226 = vector.shape_cast %slice3A_220 : vector<64x256xf32> to vector<1x64x256xf32>
    tpu.vector_store %arg3[%swap3A_221, %swap3A_222, %swap3A_223], %swap3A_226 {strides = array<i32>} : memref<1x64x8192xf32, #tpu.memory_space<vmem>>, vector<1x64x256xf32>,
    %get3A_227 = arith.constant 0 : index
    %get3A_228 = arith.constant 11 : index
    %get3A_229 = arith.constant 0 : index
    %get3A_230 = arith.constant 0 : index
    %get3A_231 = vector.load %arg2[%get3A_227, %get3A_228, %get3A_229, %get3A_230] : memref<1x16x256x128xf32, #tpu.memory_space<vmem>>, vector<1x1x256x128xf32>
    %get3A_232 = vector.shape_cast %get3A_231 : vector<1x1x256x128xf32> to vector<256x128xf32>
    %transpose3A_233 = tpu.transpose %get3A_232, [1, 0] : vector<256x128xf32> -> vector<128x256xf32>
    %slice3A_234 = vector.extract_strided_slice %transpose3A_233 {offsets = [0, 0], sizes = [64, 256], strides = [1, 1]} : vector<128x256xf32> to vector<64x256xf32>
    %swap3A_235 = arith.constant 0 : index
    %swap3A_236 = arith.constant 0 : index
    %swap3A_237 = arith.constant 5632 : index
    %swap3A_238 = vector.load %arg3[%swap3A_235, %swap3A_236, %swap3A_237] : memref<1x64x8192xf32, #tpu.memory_space<vmem>>, vector<1x64x256xf32>
    %swap3A_239 = vector.shape_cast %swap3A_238 : vector<1x64x256xf32> to vector<64x256xf32>
    %swap3A_240 = vector.shape_cast %slice3A_234 : vector<64x256xf32> to vector<1x64x256xf32>
    tpu.vector_store %arg3[%swap3A_235, %swap3A_236, %swap3A_237], %swap3A_240 {strides = array<i32>} : memref<1x64x8192xf32, #tpu.memory_space<vmem>>, vector<1x64x256xf32>,
    %slice3A_241 = vector.extract_strided_slice %transpose3A_233 {offsets = [64, 0], sizes = [64, 256], strides = [1, 1]} : vector<128x256xf32> to vector<64x256xf32>
    %swap3A_242 = arith.constant 0 : index
    %swap3A_243 = arith.constant 0 : index
    %swap3A_244 = arith.constant 5888 : index
    %swap3A_245 = vector.load %arg3[%swap3A_242, %swap3A_243, %swap3A_244] : memref<1x64x8192xf32, #tpu.memory_space<vmem>>, vector<1x64x256xf32>
    %swap3A_246 = vector.shape_cast %swap3A_245 : vector<1x64x256xf32> to vector<64x256xf32>
    %swap3A_247 = vector.shape_cast %slice3A_241 : vector<64x256xf32> to vector<1x64x256xf32>
    tpu.vector_store %arg3[%swap3A_242, %swap3A_243, %swap3A_244], %swap3A_247 {strides = array<i32>} : memref<1x64x8192xf32, #tpu.memory_space<vmem>>, vector<1x64x256xf32>,
    %get3A_248 = arith.constant 0 : index
    %get3A_249 = arith.constant 12 : index
    %get3A_250 = arith.constant 0 : index
    %get3A_251 = arith.constant 0 : index
    %get3A_252 = vector.load %arg2[%get3A_248, %get3A_249, %get3A_250, %get3A_251] : memref<1x16x256x128xf32, #tpu.memory_space<vmem>>, vector<1x1x256x128xf32>
    %get3A_253 = vector.shape_cast %get3A_252 : vector<1x1x256x128xf32> to vector<256x128xf32>
    %transpose3A_254 = tpu.transpose %get3A_253, [1, 0] : vector<256x128xf32> -> vector<128x256xf32>
    %slice3A_255 = vector.extract_strided_slice %transpose3A_254 {offsets = [0, 0], sizes = [64, 256], strides = [1, 1]} : vector<128x256xf32> to vector<64x256xf32>
    %swap3A_256 = arith.constant 0 : index
    %swap3A_257 = arith.constant 0 : index
    %swap3A_258 = arith.constant 6144 : index
    %swap3A_259 = vector.load %arg3[%swap3A_256, %swap3A_257, %swap3A_258] : memref<1x64x8192xf32, #tpu.memory_space<vmem>>, vector<1x64x256xf32>
    %swap3A_260 = vector.shape_cast %swap3A_259 : vector<1x64x256xf32> to vector<64x256xf32>
    %swap3A_261 = vector.shape_cast %slice3A_255 : vector<64x256xf32> to vector<1x64x256xf32>
    tpu.vector_store %arg3[%swap3A_256, %swap3A_257, %swap3A_258], %swap3A_261 {strides = array<i32>} : memref<1x64x8192xf32, #tpu.memory_space<vmem>>, vector<1x64x256xf32>,
    %slice3A_262 = vector.extract_strided_slice %transpose3A_254 {offsets = [64, 0], sizes = [64, 256], strides = [1, 1]} : vector<128x256xf32> to vector<64x256xf32>
    %swap3A_263 = arith.constant 0 : index
    %swap3A_264 = arith.constant 0 : index
    %swap3A_265 = arith.constant 6400 : index
    %swap3A_266 = vector.load %arg3[%swap3A_263, %swap3A_264, %swap3A_265] : memref<1x64x8192xf32, #tpu.memory_space<vmem>>, vector<1x64x256xf32>
    %swap3A_267 = vector.shape_cast %swap3A_266 : vector<1x64x256xf32> to vector<64x256xf32>
    %swap3A_268 = vector.shape_cast %slice3A_262 : vector<64x256xf32> to vector<1x64x256xf32>
    tpu.vector_store %arg3[%swap3A_263, %swap3A_264, %swap3A_265], %swap3A_268 {strides = array<i32>} : memref<1x64x8192xf32, #tpu.memory_space<vmem>>, vector<1x64x256xf32>,
    %get3A_269 = arith.constant 0 : index
    %get3A_270 = arith.constant 13 : index
    %get3A_271 = arith.constant 0 : index
    %get3A_272 = arith.constant 0 : index
    %get3A_273 = vector.load %arg2[%get3A_269, %get3A_270, %get3A_271, %get3A_272] : memref<1x16x256x128xf32, #tpu.memory_space<vmem>>, vector<1x1x256x128xf32>
    %get3A_274 = vector.shape_cast %get3A_273 : vector<1x1x256x128xf32> to vector<256x128xf32>
    %transpose3A_275 = tpu.transpose %get3A_274, [1, 0] : vector<256x128xf32> -> vector<128x256xf32>
    %slice3A_276 = vector.extract_strided_slice %transpose3A_275 {offsets = [0, 0], sizes = [64, 256], strides = [1, 1]} : vector<128x256xf32> to vector<64x256xf32>
    %swap3A_277 = arith.constant 0 : index
    %swap3A_278 = arith.constant 0 : index
    %swap3A_279 = arith.constant 6656 : index
    %swap3A_280 = vector.load %arg3[%swap3A_277, %swap3A_278, %swap3A_279] : memref<1x64x8192xf32, #tpu.memory_space<vmem>>, vector<1x64x256xf32>
    %swap3A_281 = vector.shape_cast %swap3A_280 : vector<1x64x256xf32> to vector<64x256xf32>
    %swap3A_282 = vector.shape_cast %slice3A_276 : vector<64x256xf32> to vector<1x64x256xf32>
    tpu.vector_store %arg3[%swap3A_277, %swap3A_278, %swap3A_279], %swap3A_282 {strides = array<i32>} : memref<1x64x8192xf32, #tpu.memory_space<vmem>>, vector<1x64x256xf32>,
    %slice3A_283 = vector.extract_strided_slice %transpose3A_275 {offsets = [64, 0], sizes = [64, 256], strides = [1, 1]} : vector<128x256xf32> to vector<64x256xf32>
    %swap3A_284 = arith.constant 0 : index
    %swap3A_285 = arith.constant 0 : index
    %swap3A_286 = arith.constant 6912 : index
    %swap3A_287 = vector.load %arg3[%swap3A_284, %swap3A_285, %swap3A_286] : memref<1x64x8192xf32, #tpu.memory_space<vmem>>, vector<1x64x256xf32>
    %swap3A_288 = vector.shape_cast %swap3A_287 : vector<1x64x256xf32> to vector<64x256xf32>
    %swap3A_289 = vector.shape_cast %slice3A_283 : vector<64x256xf32> to vector<1x64x256xf32>
    tpu.vector_store %arg3[%swap3A_284, %swap3A_285, %swap3A_286], %swap3A_289 {strides = array<i32>} : memref<1x64x8192xf32, #tpu.memory_space<vmem>>, vector<1x64x256xf32>,
    %get3A_290 = arith.constant 0 : index
    %get3A_291 = arith.constant 14 : index
    %get3A_292 = arith.constant 0 : index
    %get3A_293 = arith.constant 0 : index
    %get3A_294 = vector.load %arg2[%get3A_290, %get3A_291, %get3A_292, %get3A_293] : memref<1x16x256x128xf32, #tpu.memory_space<vmem>>, vector<1x1x256x128xf32>
    %get3A_295 = vector.shape_cast %get3A_294 : vector<1x1x256x128xf32> to vector<256x128xf32>
    %transpose3A_296 = tpu.transpose %get3A_295, [1, 0] : vector<256x128xf32> -> vector<128x256xf32>
    %slice3A_297 = vector.extract_strided_slice %transpose3A_296 {offsets = [0, 0], sizes = [64, 256], strides = [1, 1]} : vector<128x256xf32> to vector<64x256xf32>
    %swap3A_298 = arith.constant 0 : index
    %swap3A_299 = arith.constant 0 : index
    %swap3A_300 = arith.constant 7168 : index
    %swap3A_301 = vector.load %arg3[%swap3A_298, %swap3A_299, %swap3A_300] : memref<1x64x8192xf32, #tpu.memory_space<vmem>>, vector<1x64x256xf32>
    %swap3A_302 = vector.shape_cast %swap3A_301 : vector<1x64x256xf32> to vector<64x256xf32>
    %swap3A_303 = vector.shape_cast %slice3A_297 : vector<64x256xf32> to vector<1x64x256xf32>
    tpu.vector_store %arg3[%swap3A_298, %swap3A_299, %swap3A_300], %swap3A_303 {strides = array<i32>} : memref<1x64x8192xf32, #tpu.memory_space<vmem>>, vector<1x64x256xf32>,
    %slice3A_304 = vector.extract_strided_slice %transpose3A_296 {offsets = [64, 0], sizes = [64, 256], strides = [1, 1]} : vector<128x256xf32> to vector<64x256xf32>
    %swap3A_305 = arith.constant 0 : index
    %swap3A_306 = arith.constant 0 : index
    %swap3A_307 = arith.constant 7424 : index
    %swap3A_308 = vector.load %arg3[%swap3A_305, %swap3A_306, %swap3A_307] : memref<1x64x8192xf32, #tpu.memory_space<vmem>>, vector<1x64x256xf32>
    %swap3A_309 = vector.shape_cast %swap3A_308 : vector<1x64x256xf32> to vector<64x256xf32>
    %swap3A_310 = vector.shape_cast %slice3A_304 : vector<64x256xf32> to vector<1x64x256xf32>
    tpu.vector_store %arg3[%swap3A_305, %swap3A_306, %swap3A_307], %swap3A_310 {strides = array<i32>} : memref<1x64x8192xf32, #tpu.memory_space<vmem>>, vector<1x64x256xf32>,
    %get3A_311 = arith.constant 0 : index
    %get3A_312 = arith.constant 15 : index
    %get3A_313 = arith.constant 0 : index
    %get3A_314 = arith.constant 0 : index
    %get3A_315 = vector.load %arg2[%get3A_311, %get3A_312, %get3A_313, %get3A_314] : memref<1x16x256x128xf32, #tpu.memory_space<vmem>>, vector<1x1x256x128xf32>
    %get3A_316 = vector.shape_cast %get3A_315 : vector<1x1x256x128xf32> to vector<256x128xf32>
    %transpose3A_317 = tpu.transpose %get3A_316, [1, 0] : vector<256x128xf32> -> vector<128x256xf32>
    %slice3A_318 = vector.extract_strided_slice %transpose3A_317 {offsets = [0, 0], sizes = [64, 256], strides = [1, 1]} : vector<128x256xf32> to vector<64x256xf32>
    %swap3A_319 = arith.constant 0 : index
    %swap3A_320 = arith.constant 0 : index
    %swap3A_321 = arith.constant 7680 : index
    %swap3A_322 = vector.load %arg3[%swap3A_319, %swap3A_320, %swap3A_321] : memref<1x64x8192xf32, #tpu.memory_space<vmem>>, vector<1x64x256xf32>
    %swap3A_323 = vector.shape_cast %swap3A_322 : vector<1x64x256xf32> to vector<64x256xf32>
    %swap3A_324 = vector.shape_cast %slice3A_318 : vector<64x256xf32> to vector<1x64x256xf32>
    tpu.vector_store %arg3[%swap3A_319, %swap3A_320, %swap3A_321], %swap3A_324 {strides = array<i32>} : memref<1x64x8192xf32, #tpu.memory_space<vmem>>, vector<1x64x256xf32>,
    %slice3A_325 = vector.extract_strided_slice %transpose3A_317 {offsets = [64, 0], sizes = [64, 256], strides = [1, 1]} : vector<128x256xf32> to vector<64x256xf32>
    %swap3A_326 = arith.constant 0 : index
    %swap3A_327 = arith.constant 0 : index
    %swap3A_328 = arith.constant 7936 : index
    %swap3A_329 = vector.load %arg3[%swap3A_326, %swap3A_327, %swap3A_328] : memref<1x64x8192xf32, #tpu.memory_space<vmem>>, vector<1x64x256xf32>
    %swap3A_330 = vector.shape_cast %swap3A_329 : vector<1x64x256xf32> to vector<64x256xf32>
    %swap3A_331 = vector.shape_cast %slice3A_325 : vector<64x256xf32> to vector<1x64x256xf32>
    tpu.vector_store %arg3[%swap3A_326, %swap3A_327, %swap3A_328], %swap3A_331 {strides = array<i32>} : memref<1x64x8192xf32, #tpu.memory_space<vmem>>, vector<1x64x256xf32>,
    return
  }
  func.func @transform_0(%arg0: i32, %arg1: i32) -> (i32, i32, i32, i32) {
    %c0_i32 = arith.constant 0 : i32
    %c0_i32_0 = arith.constant 0 : i32
    %c0_i32_1 = arith.constant 0 : i32
    return %arg0, %arg1, %c0_i32, %c0_i32_0 : i32, i32, i32, i32
  }
  func.func @transform_1(%arg0: i32, %arg1: i32) -> (i32, i32, i32) {
    %add3A = arith.constant 0 : i32
    %add3A_0 = arith.addi %add3A, %arg0 : i32
    %c0_i32 = arith.constant 0 : i32
    %c0_i32_1 = arith.constant 0 : i32
    return %add3A_0, %c0_i32, %arg1 : i32, i32, i32
  }
}

module attributes {stable_mosaic.version = 14 : i64} {
  func.func @_format_body_alias(%arg0: i32, %arg1: i32, %arg2: memref<1x16x256x128xf32, #tpu.memory_space<vmem>>, %arg3: memref<50x64x16384xf32, #tpu.memory_space<any>>, %arg4: memref<1x64x8192xf32, #tpu.memory_space<vmem>>) attributes {dimension_semantics = [#tpu.dimension_semantics<arbitrary>, #tpu.dimension_semantics<arbitrary>], iteration_bounds = array<i64: 13, 2>, scalar_prefetch = 0 : i64, scratch_operands = 0 : i64, tpu.core_type = #tpu.core_type<tc>, window_params = [{transform_indices = @transform_0, window_bounds = array<i64: 1, 16, 256, 128>}, {}, {transform_indices = @transform_2, window_bounds = array<i64: 1, 64, 8192>}]} {
    %get3A = arith.constant 0 : index
    %get3A_0 = arith.constant 0 : index
    %get3A_1 = arith.constant 0 : index
    %get3A_2 = arith.constant 0 : index
    %get3A_3 = vector.load %arg2[%get3A, %get3A_0, %get3A_1, %get3A_2] : memref<1x16x256x128xf32, #tpu.memory_space<vmem>>, vector<1x1x256x128xf32>
    %get3A_4 = vector.shape_cast %get3A_3 : vector<1x1x256x128xf32> to vector<256x128xf32>
    %transpose3A = tpu.transpose %get3A_4, [1, 0] : vector<256x128xf32> -> vector<128x256xf32>
    %slice3A = vector.extract_strided_slice %transpose3A {offsets = [0, 0], sizes = [64, 256], strides = [1, 1]} : vector<128x256xf32> to vector<64x256xf32>
    %swap3A = arith.constant 0 : index
    %swap3A_5 = arith.constant 0 : index
    %swap3A_6 = arith.constant 0 : index
    %swap3A_7 = vector.load %arg4[%swap3A, %swap3A_5, %swap3A_6] : memref<1x64x8192xf32, #tpu.memory_space<vmem>>, vector<1x64x256xf32>
    %swap3A_8 = vector.shape_cast %swap3A_7 : vector<1x64x256xf32> to vector<64x256xf32>
    %swap3A_9 = vector.shape_cast %slice3A : vector<64x256xf32> to vector<1x64x256xf32>
    tpu.vector_store %arg4[%swap3A, %swap3A_5, %swap3A_6], %swap3A_9 {strides = array<i32>} : memref<1x64x8192xf32, #tpu.memory_space<vmem>>, vector<1x64x256xf32>,
    %slice3A_10 = vector.extract_strided_slice %transpose3A {offsets = [64, 0], sizes = [64, 256], strides = [1, 1]} : vector<128x256xf32> to vector<64x256xf32>
    %swap3A_11 = arith.constant 0 : index
    %swap3A_12 = arith.constant 0 : index
    %swap3A_13 = arith.constant 256 : index
    %swap3A_14 = vector.load %arg4[%swap3A_11, %swap3A_12, %swap3A_13] : memref<1x64x8192xf32, #tpu.memory_space<vmem>>, vector<1x64x256xf32>
    %swap3A_15 = vector.shape_cast %swap3A_14 : vector<1x64x256xf32> to vector<64x256xf32>
    %swap3A_16 = vector.shape_cast %slice3A_10 : vector<64x256xf32> to vector<1x64x256xf32>
    tpu.vector_store %arg4[%swap3A_11, %swap3A_12, %swap3A_13], %swap3A_16 {strides = array<i32>} : memref<1x64x8192xf32, #tpu.memory_space<vmem>>, vector<1x64x256xf32>,
    %get3A_17 = arith.constant 0 : index
    %get3A_18 = arith.constant 1 : index
    %get3A_19 = arith.constant 0 : index
    %get3A_20 = arith.constant 0 : index
    %get3A_21 = vector.load %arg2[%get3A_17, %get3A_18, %get3A_19, %get3A_20] : memref<1x16x256x128xf32, #tpu.memory_space<vmem>>, vector<1x1x256x128xf32>
    %get3A_22 = vector.shape_cast %get3A_21 : vector<1x1x256x128xf32> to vector<256x128xf32>
    %transpose3A_23 = tpu.transpose %get3A_22, [1, 0] : vector<256x128xf32> -> vector<128x256xf32>
    %slice3A_24 = vector.extract_strided_slice %transpose3A_23 {offsets = [0, 0], sizes = [64, 256], strides = [1, 1]} : vector<128x256xf32> to vector<64x256xf32>
    %swap3A_25 = arith.constant 0 : index
    %swap3A_26 = arith.constant 0 : index
    %swap3A_27 = arith.constant 512 : index
    %swap3A_28 = vector.load %arg4[%swap3A_25, %swap3A_26, %swap3A_27] : memref<1x64x8192xf32, #tpu.memory_space<vmem>>, vector<1x64x256xf32>
    %swap3A_29 = vector.shape_cast %swap3A_28 : vector<1x64x256xf32> to vector<64x256xf32>
    %swap3A_30 = vector.shape_cast %slice3A_24 : vector<64x256xf32> to vector<1x64x256xf32>
    tpu.vector_store %arg4[%swap3A_25, %swap3A_26, %swap3A_27], %swap3A_30 {strides = array<i32>} : memref<1x64x8192xf32, #tpu.memory_space<vmem>>, vector<1x64x256xf32>,
    %slice3A_31 = vector.extract_strided_slice %transpose3A_23 {offsets = [64, 0], sizes = [64, 256], strides = [1, 1]} : vector<128x256xf32> to vector<64x256xf32>
    %swap3A_32 = arith.constant 0 : index
    %swap3A_33 = arith.constant 0 : index
    %swap3A_34 = arith.constant 768 : index
    %swap3A_35 = vector.load %arg4[%swap3A_32, %swap3A_33, %swap3A_34] : memref<1x64x8192xf32, #tpu.memory_space<vmem>>, vector<1x64x256xf32>
    %swap3A_36 = vector.shape_cast %swap3A_35 : vector<1x64x256xf32> to vector<64x256xf32>
    %swap3A_37 = vector.shape_cast %slice3A_31 : vector<64x256xf32> to vector<1x64x256xf32>
    tpu.vector_store %arg4[%swap3A_32, %swap3A_33, %swap3A_34], %swap3A_37 {strides = array<i32>} : memref<1x64x8192xf32, #tpu.memory_space<vmem>>, vector<1x64x256xf32>,
    %get3A_38 = arith.constant 0 : index
    %get3A_39 = arith.constant 2 : index
    %get3A_40 = arith.constant 0 : index
    %get3A_41 = arith.constant 0 : index
    %get3A_42 = vector.load %arg2[%get3A_38, %get3A_39, %get3A_40, %get3A_41] : memref<1x16x256x128xf32, #tpu.memory_space<vmem>>, vector<1x1x256x128xf32>
    %get3A_43 = vector.shape_cast %get3A_42 : vector<1x1x256x128xf32> to vector<256x128xf32>
    %transpose3A_44 = tpu.transpose %get3A_43, [1, 0] : vector<256x128xf32> -> vector<128x256xf32>
    %slice3A_45 = vector.extract_strided_slice %transpose3A_44 {offsets = [0, 0], sizes = [64, 256], strides = [1, 1]} : vector<128x256xf32> to vector<64x256xf32>
    %swap3A_46 = arith.constant 0 : index
    %swap3A_47 = arith.constant 0 : index
    %swap3A_48 = arith.constant 1024 : index
    %swap3A_49 = vector.load %arg4[%swap3A_46, %swap3A_47, %swap3A_48] : memref<1x64x8192xf32, #tpu.memory_space<vmem>>, vector<1x64x256xf32>
    %swap3A_50 = vector.shape_cast %swap3A_49 : vector<1x64x256xf32> to vector<64x256xf32>
    %swap3A_51 = vector.shape_cast %slice3A_45 : vector<64x256xf32> to vector<1x64x256xf32>
    tpu.vector_store %arg4[%swap3A_46, %swap3A_47, %swap3A_48], %swap3A_51 {strides = array<i32>} : memref<1x64x8192xf32, #tpu.memory_space<vmem>>, vector<1x64x256xf32>,
    %slice3A_52 = vector.extract_strided_slice %transpose3A_44 {offsets = [64, 0], sizes = [64, 256], strides = [1, 1]} : vector<128x256xf32> to vector<64x256xf32>
    %swap3A_53 = arith.constant 0 : index
    %swap3A_54 = arith.constant 0 : index
    %swap3A_55 = arith.constant 1280 : index
    %swap3A_56 = vector.load %arg4[%swap3A_53, %swap3A_54, %swap3A_55] : memref<1x64x8192xf32, #tpu.memory_space<vmem>>, vector<1x64x256xf32>
    %swap3A_57 = vector.shape_cast %swap3A_56 : vector<1x64x256xf32> to vector<64x256xf32>
    %swap3A_58 = vector.shape_cast %slice3A_52 : vector<64x256xf32> to vector<1x64x256xf32>
    tpu.vector_store %arg4[%swap3A_53, %swap3A_54, %swap3A_55], %swap3A_58 {strides = array<i32>} : memref<1x64x8192xf32, #tpu.memory_space<vmem>>, vector<1x64x256xf32>,
    %get3A_59 = arith.constant 0 : index
    %get3A_60 = arith.constant 3 : index
    %get3A_61 = arith.constant 0 : index
    %get3A_62 = arith.constant 0 : index
    %get3A_63 = vector.load %arg2[%get3A_59, %get3A_60, %get3A_61, %get3A_62] : memref<1x16x256x128xf32, #tpu.memory_space<vmem>>, vector<1x1x256x128xf32>
    %get3A_64 = vector.shape_cast %get3A_63 : vector<1x1x256x128xf32> to vector<256x128xf32>
    %transpose3A_65 = tpu.transpose %get3A_64, [1, 0] : vector<256x128xf32> -> vector<128x256xf32>
    %slice3A_66 = vector.extract_strided_slice %transpose3A_65 {offsets = [0, 0], sizes = [64, 256], strides = [1, 1]} : vector<128x256xf32> to vector<64x256xf32>
    %swap3A_67 = arith.constant 0 : index
    %swap3A_68 = arith.constant 0 : index
    %swap3A_69 = arith.constant 1536 : index
    %swap3A_70 = vector.load %arg4[%swap3A_67, %swap3A_68, %swap3A_69] : memref<1x64x8192xf32, #tpu.memory_space<vmem>>, vector<1x64x256xf32>
    %swap3A_71 = vector.shape_cast %swap3A_70 : vector<1x64x256xf32> to vector<64x256xf32>
    %swap3A_72 = vector.shape_cast %slice3A_66 : vector<64x256xf32> to vector<1x64x256xf32>
    tpu.vector_store %arg4[%swap3A_67, %swap3A_68, %swap3A_69], %swap3A_72 {strides = array<i32>} : memref<1x64x8192xf32, #tpu.memory_space<vmem>>, vector<1x64x256xf32>,
    %slice3A_73 = vector.extract_strided_slice %transpose3A_65 {offsets = [64, 0], sizes = [64, 256], strides = [1, 1]} : vector<128x256xf32> to vector<64x256xf32>
    %swap3A_74 = arith.constant 0 : index
    %swap3A_75 = arith.constant 0 : index
    %swap3A_76 = arith.constant 1792 : index
    %swap3A_77 = vector.load %arg4[%swap3A_74, %swap3A_75, %swap3A_76] : memref<1x64x8192xf32, #tpu.memory_space<vmem>>, vector<1x64x256xf32>
    %swap3A_78 = vector.shape_cast %swap3A_77 : vector<1x64x256xf32> to vector<64x256xf32>
    %swap3A_79 = vector.shape_cast %slice3A_73 : vector<64x256xf32> to vector<1x64x256xf32>
    tpu.vector_store %arg4[%swap3A_74, %swap3A_75, %swap3A_76], %swap3A_79 {strides = array<i32>} : memref<1x64x8192xf32, #tpu.memory_space<vmem>>, vector<1x64x256xf32>,
    %get3A_80 = arith.constant 0 : index
    %get3A_81 = arith.constant 4 : index
    %get3A_82 = arith.constant 0 : index
    %get3A_83 = arith.constant 0 : index
    %get3A_84 = vector.load %arg2[%get3A_80, %get3A_81, %get3A_82, %get3A_83] : memref<1x16x256x128xf32, #tpu.memory_space<vmem>>, vector<1x1x256x128xf32>
    %get3A_85 = vector.shape_cast %get3A_84 : vector<1x1x256x128xf32> to vector<256x128xf32>
    %transpose3A_86 = tpu.transpose %get3A_85, [1, 0] : vector<256x128xf32> -> vector<128x256xf32>
    %slice3A_87 = vector.extract_strided_slice %transpose3A_86 {offsets = [0, 0], sizes = [64, 256], strides = [1, 1]} : vector<128x256xf32> to vector<64x256xf32>
    %swap3A_88 = arith.constant 0 : index
    %swap3A_89 = arith.constant 0 : index
    %swap3A_90 = arith.constant 2048 : index
    %swap3A_91 = vector.load %arg4[%swap3A_88, %swap3A_89, %swap3A_90] : memref<1x64x8192xf32, #tpu.memory_space<vmem>>, vector<1x64x256xf32>
    %swap3A_92 = vector.shape_cast %swap3A_91 : vector<1x64x256xf32> to vector<64x256xf32>
    %swap3A_93 = vector.shape_cast %slice3A_87 : vector<64x256xf32> to vector<1x64x256xf32>
    tpu.vector_store %arg4[%swap3A_88, %swap3A_89, %swap3A_90], %swap3A_93 {strides = array<i32>} : memref<1x64x8192xf32, #tpu.memory_space<vmem>>, vector<1x64x256xf32>,
    %slice3A_94 = vector.extract_strided_slice %transpose3A_86 {offsets = [64, 0], sizes = [64, 256], strides = [1, 1]} : vector<128x256xf32> to vector<64x256xf32>
    %swap3A_95 = arith.constant 0 : index
    %swap3A_96 = arith.constant 0 : index
    %swap3A_97 = arith.constant 2304 : index
    %swap3A_98 = vector.load %arg4[%swap3A_95, %swap3A_96, %swap3A_97] : memref<1x64x8192xf32, #tpu.memory_space<vmem>>, vector<1x64x256xf32>
    %swap3A_99 = vector.shape_cast %swap3A_98 : vector<1x64x256xf32> to vector<64x256xf32>
    %swap3A_100 = vector.shape_cast %slice3A_94 : vector<64x256xf32> to vector<1x64x256xf32>
    tpu.vector_store %arg4[%swap3A_95, %swap3A_96, %swap3A_97], %swap3A_100 {strides = array<i32>} : memref<1x64x8192xf32, #tpu.memory_space<vmem>>, vector<1x64x256xf32>,
    %get3A_101 = arith.constant 0 : index
    %get3A_102 = arith.constant 5 : index
    %get3A_103 = arith.constant 0 : index
    %get3A_104 = arith.constant 0 : index
    %get3A_105 = vector.load %arg2[%get3A_101, %get3A_102, %get3A_103, %get3A_104] : memref<1x16x256x128xf32, #tpu.memory_space<vmem>>, vector<1x1x256x128xf32>
    %get3A_106 = vector.shape_cast %get3A_105 : vector<1x1x256x128xf32> to vector<256x128xf32>
    %transpose3A_107 = tpu.transpose %get3A_106, [1, 0] : vector<256x128xf32> -> vector<128x256xf32>
    %slice3A_108 = vector.extract_strided_slice %transpose3A_107 {offsets = [0, 0], sizes = [64, 256], strides = [1, 1]} : vector<128x256xf32> to vector<64x256xf32>
    %swap3A_109 = arith.constant 0 : index
    %swap3A_110 = arith.constant 0 : index
    %swap3A_111 = arith.constant 2560 : index
    %swap3A_112 = vector.load %arg4[%swap3A_109, %swap3A_110, %swap3A_111] : memref<1x64x8192xf32, #tpu.memory_space<vmem>>, vector<1x64x256xf32>
    %swap3A_113 = vector.shape_cast %swap3A_112 : vector<1x64x256xf32> to vector<64x256xf32>
    %swap3A_114 = vector.shape_cast %slice3A_108 : vector<64x256xf32> to vector<1x64x256xf32>
    tpu.vector_store %arg4[%swap3A_109, %swap3A_110, %swap3A_111], %swap3A_114 {strides = array<i32>} : memref<1x64x8192xf32, #tpu.memory_space<vmem>>, vector<1x64x256xf32>,
    %slice3A_115 = vector.extract_strided_slice %transpose3A_107 {offsets = [64, 0], sizes = [64, 256], strides = [1, 1]} : vector<128x256xf32> to vector<64x256xf32>
    %swap3A_116 = arith.constant 0 : index
    %swap3A_117 = arith.constant 0 : index
    %swap3A_118 = arith.constant 2816 : index
    %swap3A_119 = vector.load %arg4[%swap3A_116, %swap3A_117, %swap3A_118] : memref<1x64x8192xf32, #tpu.memory_space<vmem>>, vector<1x64x256xf32>
    %swap3A_120 = vector.shape_cast %swap3A_119 : vector<1x64x256xf32> to vector<64x256xf32>
    %swap3A_121 = vector.shape_cast %slice3A_115 : vector<64x256xf32> to vector<1x64x256xf32>
    tpu.vector_store %arg4[%swap3A_116, %swap3A_117, %swap3A_118], %swap3A_121 {strides = array<i32>} : memref<1x64x8192xf32, #tpu.memory_space<vmem>>, vector<1x64x256xf32>,
    %get3A_122 = arith.constant 0 : index
    %get3A_123 = arith.constant 6 : index
    %get3A_124 = arith.constant 0 : index
    %get3A_125 = arith.constant 0 : index
    %get3A_126 = vector.load %arg2[%get3A_122, %get3A_123, %get3A_124, %get3A_125] : memref<1x16x256x128xf32, #tpu.memory_space<vmem>>, vector<1x1x256x128xf32>
    %get3A_127 = vector.shape_cast %get3A_126 : vector<1x1x256x128xf32> to vector<256x128xf32>
    %transpose3A_128 = tpu.transpose %get3A_127, [1, 0] : vector<256x128xf32> -> vector<128x256xf32>
    %slice3A_129 = vector.extract_strided_slice %transpose3A_128 {offsets = [0, 0], sizes = [64, 256], strides = [1, 1]} : vector<128x256xf32> to vector<64x256xf32>
    %swap3A_130 = arith.constant 0 : index
    %swap3A_131 = arith.constant 0 : index
    %swap3A_132 = arith.constant 3072 : index
    %swap3A_133 = vector.load %arg4[%swap3A_130, %swap3A_131, %swap3A_132] : memref<1x64x8192xf32, #tpu.memory_space<vmem>>, vector<1x64x256xf32>
    %swap3A_134 = vector.shape_cast %swap3A_133 : vector<1x64x256xf32> to vector<64x256xf32>
    %swap3A_135 = vector.shape_cast %slice3A_129 : vector<64x256xf32> to vector<1x64x256xf32>
    tpu.vector_store %arg4[%swap3A_130, %swap3A_131, %swap3A_132], %swap3A_135 {strides = array<i32>} : memref<1x64x8192xf32, #tpu.memory_space<vmem>>, vector<1x64x256xf32>,
    %slice3A_136 = vector.extract_strided_slice %transpose3A_128 {offsets = [64, 0], sizes = [64, 256], strides = [1, 1]} : vector<128x256xf32> to vector<64x256xf32>
    %swap3A_137 = arith.constant 0 : index
    %swap3A_138 = arith.constant 0 : index
    %swap3A_139 = arith.constant 3328 : index
    %swap3A_140 = vector.load %arg4[%swap3A_137, %swap3A_138, %swap3A_139] : memref<1x64x8192xf32, #tpu.memory_space<vmem>>, vector<1x64x256xf32>
    %swap3A_141 = vector.shape_cast %swap3A_140 : vector<1x64x256xf32> to vector<64x256xf32>
    %swap3A_142 = vector.shape_cast %slice3A_136 : vector<64x256xf32> to vector<1x64x256xf32>
    tpu.vector_store %arg4[%swap3A_137, %swap3A_138, %swap3A_139], %swap3A_142 {strides = array<i32>} : memref<1x64x8192xf32, #tpu.memory_space<vmem>>, vector<1x64x256xf32>,
    %get3A_143 = arith.constant 0 : index
    %get3A_144 = arith.constant 7 : index
    %get3A_145 = arith.constant 0 : index
    %get3A_146 = arith.constant 0 : index
    %get3A_147 = vector.load %arg2[%get3A_143, %get3A_144, %get3A_145, %get3A_146] : memref<1x16x256x128xf32, #tpu.memory_space<vmem>>, vector<1x1x256x128xf32>
    %get3A_148 = vector.shape_cast %get3A_147 : vector<1x1x256x128xf32> to vector<256x128xf32>
    %transpose3A_149 = tpu.transpose %get3A_148, [1, 0] : vector<256x128xf32> -> vector<128x256xf32>
    %slice3A_150 = vector.extract_strided_slice %transpose3A_149 {offsets = [0, 0], sizes = [64, 256], strides = [1, 1]} : vector<128x256xf32> to vector<64x256xf32>
    %swap3A_151 = arith.constant 0 : index
    %swap3A_152 = arith.constant 0 : index
    %swap3A_153 = arith.constant 3584 : index
    %swap3A_154 = vector.load %arg4[%swap3A_151, %swap3A_152, %swap3A_153] : memref<1x64x8192xf32, #tpu.memory_space<vmem>>, vector<1x64x256xf32>
    %swap3A_155 = vector.shape_cast %swap3A_154 : vector<1x64x256xf32> to vector<64x256xf32>
    %swap3A_156 = vector.shape_cast %slice3A_150 : vector<64x256xf32> to vector<1x64x256xf32>
    tpu.vector_store %arg4[%swap3A_151, %swap3A_152, %swap3A_153], %swap3A_156 {strides = array<i32>} : memref<1x64x8192xf32, #tpu.memory_space<vmem>>, vector<1x64x256xf32>,
    %slice3A_157 = vector.extract_strided_slice %transpose3A_149 {offsets = [64, 0], sizes = [64, 256], strides = [1, 1]} : vector<128x256xf32> to vector<64x256xf32>
    %swap3A_158 = arith.constant 0 : index
    %swap3A_159 = arith.constant 0 : index
    %swap3A_160 = arith.constant 3840 : index
    %swap3A_161 = vector.load %arg4[%swap3A_158, %swap3A_159, %swap3A_160] : memref<1x64x8192xf32, #tpu.memory_space<vmem>>, vector<1x64x256xf32>
    %swap3A_162 = vector.shape_cast %swap3A_161 : vector<1x64x256xf32> to vector<64x256xf32>
    %swap3A_163 = vector.shape_cast %slice3A_157 : vector<64x256xf32> to vector<1x64x256xf32>
    tpu.vector_store %arg4[%swap3A_158, %swap3A_159, %swap3A_160], %swap3A_163 {strides = array<i32>} : memref<1x64x8192xf32, #tpu.memory_space<vmem>>, vector<1x64x256xf32>,
    %get3A_164 = arith.constant 0 : index
    %get3A_165 = arith.constant 8 : index
    %get3A_166 = arith.constant 0 : index
    %get3A_167 = arith.constant 0 : index
    %get3A_168 = vector.load %arg2[%get3A_164, %get3A_165, %get3A_166, %get3A_167] : memref<1x16x256x128xf32, #tpu.memory_space<vmem>>, vector<1x1x256x128xf32>
    %get3A_169 = vector.shape_cast %get3A_168 : vector<1x1x256x128xf32> to vector<256x128xf32>
    %transpose3A_170 = tpu.transpose %get3A_169, [1, 0] : vector<256x128xf32> -> vector<128x256xf32>
    %slice3A_171 = vector.extract_strided_slice %transpose3A_170 {offsets = [0, 0], sizes = [64, 256], strides = [1, 1]} : vector<128x256xf32> to vector<64x256xf32>
    %swap3A_172 = arith.constant 0 : index
    %swap3A_173 = arith.constant 0 : index
    %swap3A_174 = arith.constant 4096 : index
    %swap3A_175 = vector.load %arg4[%swap3A_172, %swap3A_173, %swap3A_174] : memref<1x64x8192xf32, #tpu.memory_space<vmem>>, vector<1x64x256xf32>
    %swap3A_176 = vector.shape_cast %swap3A_175 : vector<1x64x256xf32> to vector<64x256xf32>
    %swap3A_177 = vector.shape_cast %slice3A_171 : vector<64x256xf32> to vector<1x64x256xf32>
    tpu.vector_store %arg4[%swap3A_172, %swap3A_173, %swap3A_174], %swap3A_177 {strides = array<i32>} : memref<1x64x8192xf32, #tpu.memory_space<vmem>>, vector<1x64x256xf32>,
    %slice3A_178 = vector.extract_strided_slice %transpose3A_170 {offsets = [64, 0], sizes = [64, 256], strides = [1, 1]} : vector<128x256xf32> to vector<64x256xf32>
    %swap3A_179 = arith.constant 0 : index
    %swap3A_180 = arith.constant 0 : index
    %swap3A_181 = arith.constant 4352 : index
    %swap3A_182 = vector.load %arg4[%swap3A_179, %swap3A_180, %swap3A_181] : memref<1x64x8192xf32, #tpu.memory_space<vmem>>, vector<1x64x256xf32>
    %swap3A_183 = vector.shape_cast %swap3A_182 : vector<1x64x256xf32> to vector<64x256xf32>
    %swap3A_184 = vector.shape_cast %slice3A_178 : vector<64x256xf32> to vector<1x64x256xf32>
    tpu.vector_store %arg4[%swap3A_179, %swap3A_180, %swap3A_181], %swap3A_184 {strides = array<i32>} : memref<1x64x8192xf32, #tpu.memory_space<vmem>>, vector<1x64x256xf32>,
    %get3A_185 = arith.constant 0 : index
    %get3A_186 = arith.constant 9 : index
    %get3A_187 = arith.constant 0 : index
    %get3A_188 = arith.constant 0 : index
    %get3A_189 = vector.load %arg2[%get3A_185, %get3A_186, %get3A_187, %get3A_188] : memref<1x16x256x128xf32, #tpu.memory_space<vmem>>, vector<1x1x256x128xf32>
    %get3A_190 = vector.shape_cast %get3A_189 : vector<1x1x256x128xf32> to vector<256x128xf32>
    %transpose3A_191 = tpu.transpose %get3A_190, [1, 0] : vector<256x128xf32> -> vector<128x256xf32>
    %slice3A_192 = vector.extract_strided_slice %transpose3A_191 {offsets = [0, 0], sizes = [64, 256], strides = [1, 1]} : vector<128x256xf32> to vector<64x256xf32>
    %swap3A_193 = arith.constant 0 : index
    %swap3A_194 = arith.constant 0 : index
    %swap3A_195 = arith.constant 4608 : index
    %swap3A_196 = vector.load %arg4[%swap3A_193, %swap3A_194, %swap3A_195] : memref<1x64x8192xf32, #tpu.memory_space<vmem>>, vector<1x64x256xf32>
    %swap3A_197 = vector.shape_cast %swap3A_196 : vector<1x64x256xf32> to vector<64x256xf32>
    %swap3A_198 = vector.shape_cast %slice3A_192 : vector<64x256xf32> to vector<1x64x256xf32>
    tpu.vector_store %arg4[%swap3A_193, %swap3A_194, %swap3A_195], %swap3A_198 {strides = array<i32>} : memref<1x64x8192xf32, #tpu.memory_space<vmem>>, vector<1x64x256xf32>,
    %slice3A_199 = vector.extract_strided_slice %transpose3A_191 {offsets = [64, 0], sizes = [64, 256], strides = [1, 1]} : vector<128x256xf32> to vector<64x256xf32>
    %swap3A_200 = arith.constant 0 : index
    %swap3A_201 = arith.constant 0 : index
    %swap3A_202 = arith.constant 4864 : index
    %swap3A_203 = vector.load %arg4[%swap3A_200, %swap3A_201, %swap3A_202] : memref<1x64x8192xf32, #tpu.memory_space<vmem>>, vector<1x64x256xf32>
    %swap3A_204 = vector.shape_cast %swap3A_203 : vector<1x64x256xf32> to vector<64x256xf32>
    %swap3A_205 = vector.shape_cast %slice3A_199 : vector<64x256xf32> to vector<1x64x256xf32>
    tpu.vector_store %arg4[%swap3A_200, %swap3A_201, %swap3A_202], %swap3A_205 {strides = array<i32>} : memref<1x64x8192xf32, #tpu.memory_space<vmem>>, vector<1x64x256xf32>,
    %get3A_206 = arith.constant 0 : index
    %get3A_207 = arith.constant 10 : index
    %get3A_208 = arith.constant 0 : index
    %get3A_209 = arith.constant 0 : index
    %get3A_210 = vector.load %arg2[%get3A_206, %get3A_207, %get3A_208, %get3A_209] : memref<1x16x256x128xf32, #tpu.memory_space<vmem>>, vector<1x1x256x128xf32>
    %get3A_211 = vector.shape_cast %get3A_210 : vector<1x1x256x128xf32> to vector<256x128xf32>
    %transpose3A_212 = tpu.transpose %get3A_211, [1, 0] : vector<256x128xf32> -> vector<128x256xf32>
    %slice3A_213 = vector.extract_strided_slice %transpose3A_212 {offsets = [0, 0], sizes = [64, 256], strides = [1, 1]} : vector<128x256xf32> to vector<64x256xf32>
    %swap3A_214 = arith.constant 0 : index
    %swap3A_215 = arith.constant 0 : index
    %swap3A_216 = arith.constant 5120 : index
    %swap3A_217 = vector.load %arg4[%swap3A_214, %swap3A_215, %swap3A_216] : memref<1x64x8192xf32, #tpu.memory_space<vmem>>, vector<1x64x256xf32>
    %swap3A_218 = vector.shape_cast %swap3A_217 : vector<1x64x256xf32> to vector<64x256xf32>
    %swap3A_219 = vector.shape_cast %slice3A_213 : vector<64x256xf32> to vector<1x64x256xf32>
    tpu.vector_store %arg4[%swap3A_214, %swap3A_215, %swap3A_216], %swap3A_219 {strides = array<i32>} : memref<1x64x8192xf32, #tpu.memory_space<vmem>>, vector<1x64x256xf32>,
    %slice3A_220 = vector.extract_strided_slice %transpose3A_212 {offsets = [64, 0], sizes = [64, 256], strides = [1, 1]} : vector<128x256xf32> to vector<64x256xf32>
    %swap3A_221 = arith.constant 0 : index
    %swap3A_222 = arith.constant 0 : index
    %swap3A_223 = arith.constant 5376 : index
    %swap3A_224 = vector.load %arg4[%swap3A_221, %swap3A_222, %swap3A_223] : memref<1x64x8192xf32, #tpu.memory_space<vmem>>, vector<1x64x256xf32>
    %swap3A_225 = vector.shape_cast %swap3A_224 : vector<1x64x256xf32> to vector<64x256xf32>
    %swap3A_226 = vector.shape_cast %slice3A_220 : vector<64x256xf32> to vector<1x64x256xf32>
    tpu.vector_store %arg4[%swap3A_221, %swap3A_222, %swap3A_223], %swap3A_226 {strides = array<i32>} : memref<1x64x8192xf32, #tpu.memory_space<vmem>>, vector<1x64x256xf32>,
    %get3A_227 = arith.constant 0 : index
    %get3A_228 = arith.constant 11 : index
    %get3A_229 = arith.constant 0 : index
    %get3A_230 = arith.constant 0 : index
    %get3A_231 = vector.load %arg2[%get3A_227, %get3A_228, %get3A_229, %get3A_230] : memref<1x16x256x128xf32, #tpu.memory_space<vmem>>, vector<1x1x256x128xf32>
    %get3A_232 = vector.shape_cast %get3A_231 : vector<1x1x256x128xf32> to vector<256x128xf32>
    %transpose3A_233 = tpu.transpose %get3A_232, [1, 0] : vector<256x128xf32> -> vector<128x256xf32>
    %slice3A_234 = vector.extract_strided_slice %transpose3A_233 {offsets = [0, 0], sizes = [64, 256], strides = [1, 1]} : vector<128x256xf32> to vector<64x256xf32>
    %swap3A_235 = arith.constant 0 : index
    %swap3A_236 = arith.constant 0 : index
    %swap3A_237 = arith.constant 5632 : index
    %swap3A_238 = vector.load %arg4[%swap3A_235, %swap3A_236, %swap3A_237] : memref<1x64x8192xf32, #tpu.memory_space<vmem>>, vector<1x64x256xf32>
    %swap3A_239 = vector.shape_cast %swap3A_238 : vector<1x64x256xf32> to vector<64x256xf32>
    %swap3A_240 = vector.shape_cast %slice3A_234 : vector<64x256xf32> to vector<1x64x256xf32>
    tpu.vector_store %arg4[%swap3A_235, %swap3A_236, %swap3A_237], %swap3A_240 {strides = array<i32>} : memref<1x64x8192xf32, #tpu.memory_space<vmem>>, vector<1x64x256xf32>,
    %slice3A_241 = vector.extract_strided_slice %transpose3A_233 {offsets = [64, 0], sizes = [64, 256], strides = [1, 1]} : vector<128x256xf32> to vector<64x256xf32>
    %swap3A_242 = arith.constant 0 : index
    %swap3A_243 = arith.constant 0 : index
    %swap3A_244 = arith.constant 5888 : index
    %swap3A_245 = vector.load %arg4[%swap3A_242, %swap3A_243, %swap3A_244] : memref<1x64x8192xf32, #tpu.memory_space<vmem>>, vector<1x64x256xf32>
    %swap3A_246 = vector.shape_cast %swap3A_245 : vector<1x64x256xf32> to vector<64x256xf32>
    %swap3A_247 = vector.shape_cast %slice3A_241 : vector<64x256xf32> to vector<1x64x256xf32>
    tpu.vector_store %arg4[%swap3A_242, %swap3A_243, %swap3A_244], %swap3A_247 {strides = array<i32>} : memref<1x64x8192xf32, #tpu.memory_space<vmem>>, vector<1x64x256xf32>,
    %get3A_248 = arith.constant 0 : index
    %get3A_249 = arith.constant 12 : index
    %get3A_250 = arith.constant 0 : index
    %get3A_251 = arith.constant 0 : index
    %get3A_252 = vector.load %arg2[%get3A_248, %get3A_249, %get3A_250, %get3A_251] : memref<1x16x256x128xf32, #tpu.memory_space<vmem>>, vector<1x1x256x128xf32>
    %get3A_253 = vector.shape_cast %get3A_252 : vector<1x1x256x128xf32> to vector<256x128xf32>
    %transpose3A_254 = tpu.transpose %get3A_253, [1, 0] : vector<256x128xf32> -> vector<128x256xf32>
    %slice3A_255 = vector.extract_strided_slice %transpose3A_254 {offsets = [0, 0], sizes = [64, 256], strides = [1, 1]} : vector<128x256xf32> to vector<64x256xf32>
    %swap3A_256 = arith.constant 0 : index
    %swap3A_257 = arith.constant 0 : index
    %swap3A_258 = arith.constant 6144 : index
    %swap3A_259 = vector.load %arg4[%swap3A_256, %swap3A_257, %swap3A_258] : memref<1x64x8192xf32, #tpu.memory_space<vmem>>, vector<1x64x256xf32>
    %swap3A_260 = vector.shape_cast %swap3A_259 : vector<1x64x256xf32> to vector<64x256xf32>
    %swap3A_261 = vector.shape_cast %slice3A_255 : vector<64x256xf32> to vector<1x64x256xf32>
    tpu.vector_store %arg4[%swap3A_256, %swap3A_257, %swap3A_258], %swap3A_261 {strides = array<i32>} : memref<1x64x8192xf32, #tpu.memory_space<vmem>>, vector<1x64x256xf32>,
    %slice3A_262 = vector.extract_strided_slice %transpose3A_254 {offsets = [64, 0], sizes = [64, 256], strides = [1, 1]} : vector<128x256xf32> to vector<64x256xf32>
    %swap3A_263 = arith.constant 0 : index
    %swap3A_264 = arith.constant 0 : index
    %swap3A_265 = arith.constant 6400 : index
    %swap3A_266 = vector.load %arg4[%swap3A_263, %swap3A_264, %swap3A_265] : memref<1x64x8192xf32, #tpu.memory_space<vmem>>, vector<1x64x256xf32>
    %swap3A_267 = vector.shape_cast %swap3A_266 : vector<1x64x256xf32> to vector<64x256xf32>
    %swap3A_268 = vector.shape_cast %slice3A_262 : vector<64x256xf32> to vector<1x64x256xf32>
    tpu.vector_store %arg4[%swap3A_263, %swap3A_264, %swap3A_265], %swap3A_268 {strides = array<i32>} : memref<1x64x8192xf32, #tpu.memory_space<vmem>>, vector<1x64x256xf32>,
    %get3A_269 = arith.constant 0 : index
    %get3A_270 = arith.constant 13 : index
    %get3A_271 = arith.constant 0 : index
    %get3A_272 = arith.constant 0 : index
    %get3A_273 = vector.load %arg2[%get3A_269, %get3A_270, %get3A_271, %get3A_272] : memref<1x16x256x128xf32, #tpu.memory_space<vmem>>, vector<1x1x256x128xf32>
    %get3A_274 = vector.shape_cast %get3A_273 : vector<1x1x256x128xf32> to vector<256x128xf32>
    %transpose3A_275 = tpu.transpose %get3A_274, [1, 0] : vector<256x128xf32> -> vector<128x256xf32>
    %slice3A_276 = vector.extract_strided_slice %transpose3A_275 {offsets = [0, 0], sizes = [64, 256], strides = [1, 1]} : vector<128x256xf32> to vector<64x256xf32>
    %swap3A_277 = arith.constant 0 : index
    %swap3A_278 = arith.constant 0 : index
    %swap3A_279 = arith.constant 6656 : index
    %swap3A_280 = vector.load %arg4[%swap3A_277, %swap3A_278, %swap3A_279] : memref<1x64x8192xf32, #tpu.memory_space<vmem>>, vector<1x64x256xf32>
    %swap3A_281 = vector.shape_cast %swap3A_280 : vector<1x64x256xf32> to vector<64x256xf32>
    %swap3A_282 = vector.shape_cast %slice3A_276 : vector<64x256xf32> to vector<1x64x256xf32>
    tpu.vector_store %arg4[%swap3A_277, %swap3A_278, %swap3A_279], %swap3A_282 {strides = array<i32>} : memref<1x64x8192xf32, #tpu.memory_space<vmem>>, vector<1x64x256xf32>,
    %slice3A_283 = vector.extract_strided_slice %transpose3A_275 {offsets = [64, 0], sizes = [64, 256], strides = [1, 1]} : vector<128x256xf32> to vector<64x256xf32>
    %swap3A_284 = arith.constant 0 : index
    %swap3A_285 = arith.constant 0 : index
    %swap3A_286 = arith.constant 6912 : index
    %swap3A_287 = vector.load %arg4[%swap3A_284, %swap3A_285, %swap3A_286] : memref<1x64x8192xf32, #tpu.memory_space<vmem>>, vector<1x64x256xf32>
    %swap3A_288 = vector.shape_cast %swap3A_287 : vector<1x64x256xf32> to vector<64x256xf32>
    %swap3A_289 = vector.shape_cast %slice3A_283 : vector<64x256xf32> to vector<1x64x256xf32>
    tpu.vector_store %arg4[%swap3A_284, %swap3A_285, %swap3A_286], %swap3A_289 {strides = array<i32>} : memref<1x64x8192xf32, #tpu.memory_space<vmem>>, vector<1x64x256xf32>,
    %get3A_290 = arith.constant 0 : index
    %get3A_291 = arith.constant 14 : index
    %get3A_292 = arith.constant 0 : index
    %get3A_293 = arith.constant 0 : index
    %get3A_294 = vector.load %arg2[%get3A_290, %get3A_291, %get3A_292, %get3A_293] : memref<1x16x256x128xf32, #tpu.memory_space<vmem>>, vector<1x1x256x128xf32>
    %get3A_295 = vector.shape_cast %get3A_294 : vector<1x1x256x128xf32> to vector<256x128xf32>
    %transpose3A_296 = tpu.transpose %get3A_295, [1, 0] : vector<256x128xf32> -> vector<128x256xf32>
    %slice3A_297 = vector.extract_strided_slice %transpose3A_296 {offsets = [0, 0], sizes = [64, 256], strides = [1, 1]} : vector<128x256xf32> to vector<64x256xf32>
    %swap3A_298 = arith.constant 0 : index
    %swap3A_299 = arith.constant 0 : index
    %swap3A_300 = arith.constant 7168 : index
    %swap3A_301 = vector.load %arg4[%swap3A_298, %swap3A_299, %swap3A_300] : memref<1x64x8192xf32, #tpu.memory_space<vmem>>, vector<1x64x256xf32>
    %swap3A_302 = vector.shape_cast %swap3A_301 : vector<1x64x256xf32> to vector<64x256xf32>
    %swap3A_303 = vector.shape_cast %slice3A_297 : vector<64x256xf32> to vector<1x64x256xf32>
    tpu.vector_store %arg4[%swap3A_298, %swap3A_299, %swap3A_300], %swap3A_303 {strides = array<i32>} : memref<1x64x8192xf32, #tpu.memory_space<vmem>>, vector<1x64x256xf32>,
    %slice3A_304 = vector.extract_strided_slice %transpose3A_296 {offsets = [64, 0], sizes = [64, 256], strides = [1, 1]} : vector<128x256xf32> to vector<64x256xf32>
    %swap3A_305 = arith.constant 0 : index
    %swap3A_306 = arith.constant 0 : index
    %swap3A_307 = arith.constant 7424 : index
    %swap3A_308 = vector.load %arg4[%swap3A_305, %swap3A_306, %swap3A_307] : memref<1x64x8192xf32, #tpu.memory_space<vmem>>, vector<1x64x256xf32>
    %swap3A_309 = vector.shape_cast %swap3A_308 : vector<1x64x256xf32> to vector<64x256xf32>
    %swap3A_310 = vector.shape_cast %slice3A_304 : vector<64x256xf32> to vector<1x64x256xf32>
    tpu.vector_store %arg4[%swap3A_305, %swap3A_306, %swap3A_307], %swap3A_310 {strides = array<i32>} : memref<1x64x8192xf32, #tpu.memory_space<vmem>>, vector<1x64x256xf32>,
    %get3A_311 = arith.constant 0 : index
    %get3A_312 = arith.constant 15 : index
    %get3A_313 = arith.constant 0 : index
    %get3A_314 = arith.constant 0 : index
    %get3A_315 = vector.load %arg2[%get3A_311, %get3A_312, %get3A_313, %get3A_314] : memref<1x16x256x128xf32, #tpu.memory_space<vmem>>, vector<1x1x256x128xf32>
    %get3A_316 = vector.shape_cast %get3A_315 : vector<1x1x256x128xf32> to vector<256x128xf32>
    %transpose3A_317 = tpu.transpose %get3A_316, [1, 0] : vector<256x128xf32> -> vector<128x256xf32>
    %slice3A_318 = vector.extract_strided_slice %transpose3A_317 {offsets = [0, 0], sizes = [64, 256], strides = [1, 1]} : vector<128x256xf32> to vector<64x256xf32>
    %swap3A_319 = arith.constant 0 : index
    %swap3A_320 = arith.constant 0 : index
    %swap3A_321 = arith.constant 7680 : index
    %swap3A_322 = vector.load %arg4[%swap3A_319, %swap3A_320, %swap3A_321] : memref<1x64x8192xf32, #tpu.memory_space<vmem>>, vector<1x64x256xf32>
    %swap3A_323 = vector.shape_cast %swap3A_322 : vector<1x64x256xf32> to vector<64x256xf32>
    %swap3A_324 = vector.shape_cast %slice3A_318 : vector<64x256xf32> to vector<1x64x256xf32>
    tpu.vector_store %arg4[%swap3A_319, %swap3A_320, %swap3A_321], %swap3A_324 {strides = array<i32>} : memref<1x64x8192xf32, #tpu.memory_space<vmem>>, vector<1x64x256xf32>,
    %slice3A_325 = vector.extract_strided_slice %transpose3A_317 {offsets = [64, 0], sizes = [64, 256], strides = [1, 1]} : vector<128x256xf32> to vector<64x256xf32>
    %swap3A_326 = arith.constant 0 : index
    %swap3A_327 = arith.constant 0 : index
    %swap3A_328 = arith.constant 7936 : index
    %swap3A_329 = vector.load %arg4[%swap3A_326, %swap3A_327, %swap3A_328] : memref<1x64x8192xf32, #tpu.memory_space<vmem>>, vector<1x64x256xf32>
    %swap3A_330 = vector.shape_cast %swap3A_329 : vector<1x64x256xf32> to vector<64x256xf32>
    %swap3A_331 = vector.shape_cast %slice3A_325 : vector<64x256xf32> to vector<1x64x256xf32>
    tpu.vector_store %arg4[%swap3A_326, %swap3A_327, %swap3A_328], %swap3A_331 {strides = array<i32>} : memref<1x64x8192xf32, #tpu.memory_space<vmem>>, vector<1x64x256xf32>,
    return
  }
  func.func @transform_0(%arg0: i32, %arg1: i32) -> (i32, i32, i32, i32) {
    %c0_i32 = arith.constant 0 : i32
    %c0_i32_0 = arith.constant 0 : i32
    %c0_i32_1 = arith.constant 0 : i32
    return %arg0, %arg1, %c0_i32, %c0_i32_0 : i32, i32, i32, i32
  }
  func.func @transform_2(%arg0: i32, %arg1: i32) -> (i32, i32, i32) {
    %add3A = arith.constant 13 : i32
    %add3A_0 = arith.addi %add3A, %arg0 : i32
    %c0_i32 = arith.constant 0 : i32
    %c0_i32_1 = arith.constant 0 : i32
    return %add3A_0, %c0_i32, %arg1 : i32, i32, i32
  }
}

module attributes {stable_mosaic.version = 14 : i64} {
  func.func @_format_body_alias(%arg0: i32, %arg1: i32, %arg2: memref<1x16x256x128xf32, #tpu.memory_space<vmem>>, %arg3: memref<50x64x16384xf32, #tpu.memory_space<any>>, %arg4: memref<1x64x8192xf32, #tpu.memory_space<vmem>>) attributes {dimension_semantics = [#tpu.dimension_semantics<arbitrary>, #tpu.dimension_semantics<arbitrary>], iteration_bounds = array<i64: 12, 2>, scalar_prefetch = 0 : i64, scratch_operands = 0 : i64, tpu.core_type = #tpu.core_type<tc>, window_params = [{transform_indices = @transform_0, window_bounds = array<i64: 1, 16, 256, 128>}, {}, {transform_indices = @transform_2, window_bounds = array<i64: 1, 64, 8192>}]} {
    %get3A = arith.constant 0 : index
    %get3A_0 = arith.constant 0 : index
    %get3A_1 = arith.constant 0 : index
    %get3A_2 = arith.constant 0 : index
    %get3A_3 = vector.load %arg2[%get3A, %get3A_0, %get3A_1, %get3A_2] : memref<1x16x256x128xf32, #tpu.memory_space<vmem>>, vector<1x1x256x128xf32>
    %get3A_4 = vector.shape_cast %get3A_3 : vector<1x1x256x128xf32> to vector<256x128xf32>
    %transpose3A = tpu.transpose %get3A_4, [1, 0] : vector<256x128xf32> -> vector<128x256xf32>
    %slice3A = vector.extract_strided_slice %transpose3A {offsets = [0, 0], sizes = [64, 256], strides = [1, 1]} : vector<128x256xf32> to vector<64x256xf32>
    %swap3A = arith.constant 0 : index
    %swap3A_5 = arith.constant 0 : index
    %swap3A_6 = arith.constant 0 : index
    %swap3A_7 = vector.load %arg4[%swap3A, %swap3A_5, %swap3A_6] : memref<1x64x8192xf32, #tpu.memory_space<vmem>>, vector<1x64x256xf32>
    %swap3A_8 = vector.shape_cast %swap3A_7 : vector<1x64x256xf32> to vector<64x256xf32>
    %swap3A_9 = vector.shape_cast %slice3A : vector<64x256xf32> to vector<1x64x256xf32>
    tpu.vector_store %arg4[%swap3A, %swap3A_5, %swap3A_6], %swap3A_9 {strides = array<i32>} : memref<1x64x8192xf32, #tpu.memory_space<vmem>>, vector<1x64x256xf32>,
    %slice3A_10 = vector.extract_strided_slice %transpose3A {offsets = [64, 0], sizes = [64, 256], strides = [1, 1]} : vector<128x256xf32> to vector<64x256xf32>
    %swap3A_11 = arith.constant 0 : index
    %swap3A_12 = arith.constant 0 : index
    %swap3A_13 = arith.constant 256 : index
    %swap3A_14 = vector.load %arg4[%swap3A_11, %swap3A_12, %swap3A_13] : memref<1x64x8192xf32, #tpu.memory_space<vmem>>, vector<1x64x256xf32>
    %swap3A_15 = vector.shape_cast %swap3A_14 : vector<1x64x256xf32> to vector<64x256xf32>
    %swap3A_16 = vector.shape_cast %slice3A_10 : vector<64x256xf32> to vector<1x64x256xf32>
    tpu.vector_store %arg4[%swap3A_11, %swap3A_12, %swap3A_13], %swap3A_16 {strides = array<i32>} : memref<1x64x8192xf32, #tpu.memory_space<vmem>>, vector<1x64x256xf32>,
    %get3A_17 = arith.constant 0 : index
    %get3A_18 = arith.constant 1 : index
    %get3A_19 = arith.constant 0 : index
    %get3A_20 = arith.constant 0 : index
    %get3A_21 = vector.load %arg2[%get3A_17, %get3A_18, %get3A_19, %get3A_20] : memref<1x16x256x128xf32, #tpu.memory_space<vmem>>, vector<1x1x256x128xf32>
    %get3A_22 = vector.shape_cast %get3A_21 : vector<1x1x256x128xf32> to vector<256x128xf32>
    %transpose3A_23 = tpu.transpose %get3A_22, [1, 0] : vector<256x128xf32> -> vector<128x256xf32>
    %slice3A_24 = vector.extract_strided_slice %transpose3A_23 {offsets = [0, 0], sizes = [64, 256], strides = [1, 1]} : vector<128x256xf32> to vector<64x256xf32>
    %swap3A_25 = arith.constant 0 : index
    %swap3A_26 = arith.constant 0 : index
    %swap3A_27 = arith.constant 512 : index
    %swap3A_28 = vector.load %arg4[%swap3A_25, %swap3A_26, %swap3A_27] : memref<1x64x8192xf32, #tpu.memory_space<vmem>>, vector<1x64x256xf32>
    %swap3A_29 = vector.shape_cast %swap3A_28 : vector<1x64x256xf32> to vector<64x256xf32>
    %swap3A_30 = vector.shape_cast %slice3A_24 : vector<64x256xf32> to vector<1x64x256xf32>
    tpu.vector_store %arg4[%swap3A_25, %swap3A_26, %swap3A_27], %swap3A_30 {strides = array<i32>} : memref<1x64x8192xf32, #tpu.memory_space<vmem>>, vector<1x64x256xf32>,
    %slice3A_31 = vector.extract_strided_slice %transpose3A_23 {offsets = [64, 0], sizes = [64, 256], strides = [1, 1]} : vector<128x256xf32> to vector<64x256xf32>
    %swap3A_32 = arith.constant 0 : index
    %swap3A_33 = arith.constant 0 : index
    %swap3A_34 = arith.constant 768 : index
    %swap3A_35 = vector.load %arg4[%swap3A_32, %swap3A_33, %swap3A_34] : memref<1x64x8192xf32, #tpu.memory_space<vmem>>, vector<1x64x256xf32>
    %swap3A_36 = vector.shape_cast %swap3A_35 : vector<1x64x256xf32> to vector<64x256xf32>
    %swap3A_37 = vector.shape_cast %slice3A_31 : vector<64x256xf32> to vector<1x64x256xf32>
    tpu.vector_store %arg4[%swap3A_32, %swap3A_33, %swap3A_34], %swap3A_37 {strides = array<i32>} : memref<1x64x8192xf32, #tpu.memory_space<vmem>>, vector<1x64x256xf32>,
    %get3A_38 = arith.constant 0 : index
    %get3A_39 = arith.constant 2 : index
    %get3A_40 = arith.constant 0 : index
    %get3A_41 = arith.constant 0 : index
    %get3A_42 = vector.load %arg2[%get3A_38, %get3A_39, %get3A_40, %get3A_41] : memref<1x16x256x128xf32, #tpu.memory_space<vmem>>, vector<1x1x256x128xf32>
    %get3A_43 = vector.shape_cast %get3A_42 : vector<1x1x256x128xf32> to vector<256x128xf32>
    %transpose3A_44 = tpu.transpose %get3A_43, [1, 0] : vector<256x128xf32> -> vector<128x256xf32>
    %slice3A_45 = vector.extract_strided_slice %transpose3A_44 {offsets = [0, 0], sizes = [64, 256], strides = [1, 1]} : vector<128x256xf32> to vector<64x256xf32>
    %swap3A_46 = arith.constant 0 : index
    %swap3A_47 = arith.constant 0 : index
    %swap3A_48 = arith.constant 1024 : index
    %swap3A_49 = vector.load %arg4[%swap3A_46, %swap3A_47, %swap3A_48] : memref<1x64x8192xf32, #tpu.memory_space<vmem>>, vector<1x64x256xf32>
    %swap3A_50 = vector.shape_cast %swap3A_49 : vector<1x64x256xf32> to vector<64x256xf32>
    %swap3A_51 = vector.shape_cast %slice3A_45 : vector<64x256xf32> to vector<1x64x256xf32>
    tpu.vector_store %arg4[%swap3A_46, %swap3A_47, %swap3A_48], %swap3A_51 {strides = array<i32>} : memref<1x64x8192xf32, #tpu.memory_space<vmem>>, vector<1x64x256xf32>,
    %slice3A_52 = vector.extract_strided_slice %transpose3A_44 {offsets = [64, 0], sizes = [64, 256], strides = [1, 1]} : vector<128x256xf32> to vector<64x256xf32>
    %swap3A_53 = arith.constant 0 : index
    %swap3A_54 = arith.constant 0 : index
    %swap3A_55 = arith.constant 1280 : index
    %swap3A_56 = vector.load %arg4[%swap3A_53, %swap3A_54, %swap3A_55] : memref<1x64x8192xf32, #tpu.memory_space<vmem>>, vector<1x64x256xf32>
    %swap3A_57 = vector.shape_cast %swap3A_56 : vector<1x64x256xf32> to vector<64x256xf32>
    %swap3A_58 = vector.shape_cast %slice3A_52 : vector<64x256xf32> to vector<1x64x256xf32>
    tpu.vector_store %arg4[%swap3A_53, %swap3A_54, %swap3A_55], %swap3A_58 {strides = array<i32>} : memref<1x64x8192xf32, #tpu.memory_space<vmem>>, vector<1x64x256xf32>,
    %get3A_59 = arith.constant 0 : index
    %get3A_60 = arith.constant 3 : index
    %get3A_61 = arith.constant 0 : index
    %get3A_62 = arith.constant 0 : index
    %get3A_63 = vector.load %arg2[%get3A_59, %get3A_60, %get3A_61, %get3A_62] : memref<1x16x256x128xf32, #tpu.memory_space<vmem>>, vector<1x1x256x128xf32>
    %get3A_64 = vector.shape_cast %get3A_63 : vector<1x1x256x128xf32> to vector<256x128xf32>
    %transpose3A_65 = tpu.transpose %get3A_64, [1, 0] : vector<256x128xf32> -> vector<128x256xf32>
    %slice3A_66 = vector.extract_strided_slice %transpose3A_65 {offsets = [0, 0], sizes = [64, 256], strides = [1, 1]} : vector<128x256xf32> to vector<64x256xf32>
    %swap3A_67 = arith.constant 0 : index
    %swap3A_68 = arith.constant 0 : index
    %swap3A_69 = arith.constant 1536 : index
    %swap3A_70 = vector.load %arg4[%swap3A_67, %swap3A_68, %swap3A_69] : memref<1x64x8192xf32, #tpu.memory_space<vmem>>, vector<1x64x256xf32>
    %swap3A_71 = vector.shape_cast %swap3A_70 : vector<1x64x256xf32> to vector<64x256xf32>
    %swap3A_72 = vector.shape_cast %slice3A_66 : vector<64x256xf32> to vector<1x64x256xf32>
    tpu.vector_store %arg4[%swap3A_67, %swap3A_68, %swap3A_69], %swap3A_72 {strides = array<i32>} : memref<1x64x8192xf32, #tpu.memory_space<vmem>>, vector<1x64x256xf32>,
    %slice3A_73 = vector.extract_strided_slice %transpose3A_65 {offsets = [64, 0], sizes = [64, 256], strides = [1, 1]} : vector<128x256xf32> to vector<64x256xf32>
    %swap3A_74 = arith.constant 0 : index
    %swap3A_75 = arith.constant 0 : index
    %swap3A_76 = arith.constant 1792 : index
    %swap3A_77 = vector.load %arg4[%swap3A_74, %swap3A_75, %swap3A_76] : memref<1x64x8192xf32, #tpu.memory_space<vmem>>, vector<1x64x256xf32>
    %swap3A_78 = vector.shape_cast %swap3A_77 : vector<1x64x256xf32> to vector<64x256xf32>
    %swap3A_79 = vector.shape_cast %slice3A_73 : vector<64x256xf32> to vector<1x64x256xf32>
    tpu.vector_store %arg4[%swap3A_74, %swap3A_75, %swap3A_76], %swap3A_79 {strides = array<i32>} : memref<1x64x8192xf32, #tpu.memory_space<vmem>>, vector<1x64x256xf32>,
    %get3A_80 = arith.constant 0 : index
    %get3A_81 = arith.constant 4 : index
    %get3A_82 = arith.constant 0 : index
    %get3A_83 = arith.constant 0 : index
    %get3A_84 = vector.load %arg2[%get3A_80, %get3A_81, %get3A_82, %get3A_83] : memref<1x16x256x128xf32, #tpu.memory_space<vmem>>, vector<1x1x256x128xf32>
    %get3A_85 = vector.shape_cast %get3A_84 : vector<1x1x256x128xf32> to vector<256x128xf32>
    %transpose3A_86 = tpu.transpose %get3A_85, [1, 0] : vector<256x128xf32> -> vector<128x256xf32>
    %slice3A_87 = vector.extract_strided_slice %transpose3A_86 {offsets = [0, 0], sizes = [64, 256], strides = [1, 1]} : vector<128x256xf32> to vector<64x256xf32>
    %swap3A_88 = arith.constant 0 : index
    %swap3A_89 = arith.constant 0 : index
    %swap3A_90 = arith.constant 2048 : index
    %swap3A_91 = vector.load %arg4[%swap3A_88, %swap3A_89, %swap3A_90] : memref<1x64x8192xf32, #tpu.memory_space<vmem>>, vector<1x64x256xf32>
    %swap3A_92 = vector.shape_cast %swap3A_91 : vector<1x64x256xf32> to vector<64x256xf32>
    %swap3A_93 = vector.shape_cast %slice3A_87 : vector<64x256xf32> to vector<1x64x256xf32>
    tpu.vector_store %arg4[%swap3A_88, %swap3A_89, %swap3A_90], %swap3A_93 {strides = array<i32>} : memref<1x64x8192xf32, #tpu.memory_space<vmem>>, vector<1x64x256xf32>,
    %slice3A_94 = vector.extract_strided_slice %transpose3A_86 {offsets = [64, 0], sizes = [64, 256], strides = [1, 1]} : vector<128x256xf32> to vector<64x256xf32>
    %swap3A_95 = arith.constant 0 : index
    %swap3A_96 = arith.constant 0 : index
    %swap3A_97 = arith.constant 2304 : index
    %swap3A_98 = vector.load %arg4[%swap3A_95, %swap3A_96, %swap3A_97] : memref<1x64x8192xf32, #tpu.memory_space<vmem>>, vector<1x64x256xf32>
    %swap3A_99 = vector.shape_cast %swap3A_98 : vector<1x64x256xf32> to vector<64x256xf32>
    %swap3A_100 = vector.shape_cast %slice3A_94 : vector<64x256xf32> to vector<1x64x256xf32>
    tpu.vector_store %arg4[%swap3A_95, %swap3A_96, %swap3A_97], %swap3A_100 {strides = array<i32>} : memref<1x64x8192xf32, #tpu.memory_space<vmem>>, vector<1x64x256xf32>,
    %get3A_101 = arith.constant 0 : index
    %get3A_102 = arith.constant 5 : index
    %get3A_103 = arith.constant 0 : index
    %get3A_104 = arith.constant 0 : index
    %get3A_105 = vector.load %arg2[%get3A_101, %get3A_102, %get3A_103, %get3A_104] : memref<1x16x256x128xf32, #tpu.memory_space<vmem>>, vector<1x1x256x128xf32>
    %get3A_106 = vector.shape_cast %get3A_105 : vector<1x1x256x128xf32> to vector<256x128xf32>
    %transpose3A_107 = tpu.transpose %get3A_106, [1, 0] : vector<256x128xf32> -> vector<128x256xf32>
    %slice3A_108 = vector.extract_strided_slice %transpose3A_107 {offsets = [0, 0], sizes = [64, 256], strides = [1, 1]} : vector<128x256xf32> to vector<64x256xf32>
    %swap3A_109 = arith.constant 0 : index
    %swap3A_110 = arith.constant 0 : index
    %swap3A_111 = arith.constant 2560 : index
    %swap3A_112 = vector.load %arg4[%swap3A_109, %swap3A_110, %swap3A_111] : memref<1x64x8192xf32, #tpu.memory_space<vmem>>, vector<1x64x256xf32>
    %swap3A_113 = vector.shape_cast %swap3A_112 : vector<1x64x256xf32> to vector<64x256xf32>
    %swap3A_114 = vector.shape_cast %slice3A_108 : vector<64x256xf32> to vector<1x64x256xf32>
    tpu.vector_store %arg4[%swap3A_109, %swap3A_110, %swap3A_111], %swap3A_114 {strides = array<i32>} : memref<1x64x8192xf32, #tpu.memory_space<vmem>>, vector<1x64x256xf32>,
    %slice3A_115 = vector.extract_strided_slice %transpose3A_107 {offsets = [64, 0], sizes = [64, 256], strides = [1, 1]} : vector<128x256xf32> to vector<64x256xf32>
    %swap3A_116 = arith.constant 0 : index
    %swap3A_117 = arith.constant 0 : index
    %swap3A_118 = arith.constant 2816 : index
    %swap3A_119 = vector.load %arg4[%swap3A_116, %swap3A_117, %swap3A_118] : memref<1x64x8192xf32, #tpu.memory_space<vmem>>, vector<1x64x256xf32>
    %swap3A_120 = vector.shape_cast %swap3A_119 : vector<1x64x256xf32> to vector<64x256xf32>
    %swap3A_121 = vector.shape_cast %slice3A_115 : vector<64x256xf32> to vector<1x64x256xf32>
    tpu.vector_store %arg4[%swap3A_116, %swap3A_117, %swap3A_118], %swap3A_121 {strides = array<i32>} : memref<1x64x8192xf32, #tpu.memory_space<vmem>>, vector<1x64x256xf32>,
    %get3A_122 = arith.constant 0 : index
    %get3A_123 = arith.constant 6 : index
    %get3A_124 = arith.constant 0 : index
    %get3A_125 = arith.constant 0 : index
    %get3A_126 = vector.load %arg2[%get3A_122, %get3A_123, %get3A_124, %get3A_125] : memref<1x16x256x128xf32, #tpu.memory_space<vmem>>, vector<1x1x256x128xf32>
    %get3A_127 = vector.shape_cast %get3A_126 : vector<1x1x256x128xf32> to vector<256x128xf32>
    %transpose3A_128 = tpu.transpose %get3A_127, [1, 0] : vector<256x128xf32> -> vector<128x256xf32>
    %slice3A_129 = vector.extract_strided_slice %transpose3A_128 {offsets = [0, 0], sizes = [64, 256], strides = [1, 1]} : vector<128x256xf32> to vector<64x256xf32>
    %swap3A_130 = arith.constant 0 : index
    %swap3A_131 = arith.constant 0 : index
    %swap3A_132 = arith.constant 3072 : index
    %swap3A_133 = vector.load %arg4[%swap3A_130, %swap3A_131, %swap3A_132] : memref<1x64x8192xf32, #tpu.memory_space<vmem>>, vector<1x64x256xf32>
    %swap3A_134 = vector.shape_cast %swap3A_133 : vector<1x64x256xf32> to vector<64x256xf32>
    %swap3A_135 = vector.shape_cast %slice3A_129 : vector<64x256xf32> to vector<1x64x256xf32>
    tpu.vector_store %arg4[%swap3A_130, %swap3A_131, %swap3A_132], %swap3A_135 {strides = array<i32>} : memref<1x64x8192xf32, #tpu.memory_space<vmem>>, vector<1x64x256xf32>,
    %slice3A_136 = vector.extract_strided_slice %transpose3A_128 {offsets = [64, 0], sizes = [64, 256], strides = [1, 1]} : vector<128x256xf32> to vector<64x256xf32>
    %swap3A_137 = arith.constant 0 : index
    %swap3A_138 = arith.constant 0 : index
    %swap3A_139 = arith.constant 3328 : index
    %swap3A_140 = vector.load %arg4[%swap3A_137, %swap3A_138, %swap3A_139] : memref<1x64x8192xf32, #tpu.memory_space<vmem>>, vector<1x64x256xf32>
    %swap3A_141 = vector.shape_cast %swap3A_140 : vector<1x64x256xf32> to vector<64x256xf32>
    %swap3A_142 = vector.shape_cast %slice3A_136 : vector<64x256xf32> to vector<1x64x256xf32>
    tpu.vector_store %arg4[%swap3A_137, %swap3A_138, %swap3A_139], %swap3A_142 {strides = array<i32>} : memref<1x64x8192xf32, #tpu.memory_space<vmem>>, vector<1x64x256xf32>,
    %get3A_143 = arith.constant 0 : index
    %get3A_144 = arith.constant 7 : index
    %get3A_145 = arith.constant 0 : index
    %get3A_146 = arith.constant 0 : index
    %get3A_147 = vector.load %arg2[%get3A_143, %get3A_144, %get3A_145, %get3A_146] : memref<1x16x256x128xf32, #tpu.memory_space<vmem>>, vector<1x1x256x128xf32>
    %get3A_148 = vector.shape_cast %get3A_147 : vector<1x1x256x128xf32> to vector<256x128xf32>
    %transpose3A_149 = tpu.transpose %get3A_148, [1, 0] : vector<256x128xf32> -> vector<128x256xf32>
    %slice3A_150 = vector.extract_strided_slice %transpose3A_149 {offsets = [0, 0], sizes = [64, 256], strides = [1, 1]} : vector<128x256xf32> to vector<64x256xf32>
    %swap3A_151 = arith.constant 0 : index
    %swap3A_152 = arith.constant 0 : index
    %swap3A_153 = arith.constant 3584 : index
    %swap3A_154 = vector.load %arg4[%swap3A_151, %swap3A_152, %swap3A_153] : memref<1x64x8192xf32, #tpu.memory_space<vmem>>, vector<1x64x256xf32>
    %swap3A_155 = vector.shape_cast %swap3A_154 : vector<1x64x256xf32> to vector<64x256xf32>
    %swap3A_156 = vector.shape_cast %slice3A_150 : vector<64x256xf32> to vector<1x64x256xf32>
    tpu.vector_store %arg4[%swap3A_151, %swap3A_152, %swap3A_153], %swap3A_156 {strides = array<i32>} : memref<1x64x8192xf32, #tpu.memory_space<vmem>>, vector<1x64x256xf32>,
    %slice3A_157 = vector.extract_strided_slice %transpose3A_149 {offsets = [64, 0], sizes = [64, 256], strides = [1, 1]} : vector<128x256xf32> to vector<64x256xf32>
    %swap3A_158 = arith.constant 0 : index
    %swap3A_159 = arith.constant 0 : index
    %swap3A_160 = arith.constant 3840 : index
    %swap3A_161 = vector.load %arg4[%swap3A_158, %swap3A_159, %swap3A_160] : memref<1x64x8192xf32, #tpu.memory_space<vmem>>, vector<1x64x256xf32>
    %swap3A_162 = vector.shape_cast %swap3A_161 : vector<1x64x256xf32> to vector<64x256xf32>
    %swap3A_163 = vector.shape_cast %slice3A_157 : vector<64x256xf32> to vector<1x64x256xf32>
    tpu.vector_store %arg4[%swap3A_158, %swap3A_159, %swap3A_160], %swap3A_163 {strides = array<i32>} : memref<1x64x8192xf32, #tpu.memory_space<vmem>>, vector<1x64x256xf32>,
    %get3A_164 = arith.constant 0 : index
    %get3A_165 = arith.constant 8 : index
    %get3A_166 = arith.constant 0 : index
    %get3A_167 = arith.constant 0 : index
    %get3A_168 = vector.load %arg2[%get3A_164, %get3A_165, %get3A_166, %get3A_167] : memref<1x16x256x128xf32, #tpu.memory_space<vmem>>, vector<1x1x256x128xf32>
    %get3A_169 = vector.shape_cast %get3A_168 : vector<1x1x256x128xf32> to vector<256x128xf32>
    %transpose3A_170 = tpu.transpose %get3A_169, [1, 0] : vector<256x128xf32> -> vector<128x256xf32>
    %slice3A_171 = vector.extract_strided_slice %transpose3A_170 {offsets = [0, 0], sizes = [64, 256], strides = [1, 1]} : vector<128x256xf32> to vector<64x256xf32>
    %swap3A_172 = arith.constant 0 : index
    %swap3A_173 = arith.constant 0 : index
    %swap3A_174 = arith.constant 4096 : index
    %swap3A_175 = vector.load %arg4[%swap3A_172, %swap3A_173, %swap3A_174] : memref<1x64x8192xf32, #tpu.memory_space<vmem>>, vector<1x64x256xf32>
    %swap3A_176 = vector.shape_cast %swap3A_175 : vector<1x64x256xf32> to vector<64x256xf32>
    %swap3A_177 = vector.shape_cast %slice3A_171 : vector<64x256xf32> to vector<1x64x256xf32>
    tpu.vector_store %arg4[%swap3A_172, %swap3A_173, %swap3A_174], %swap3A_177 {strides = array<i32>} : memref<1x64x8192xf32, #tpu.memory_space<vmem>>, vector<1x64x256xf32>,
    %slice3A_178 = vector.extract_strided_slice %transpose3A_170 {offsets = [64, 0], sizes = [64, 256], strides = [1, 1]} : vector<128x256xf32> to vector<64x256xf32>
    %swap3A_179 = arith.constant 0 : index
    %swap3A_180 = arith.constant 0 : index
    %swap3A_181 = arith.constant 4352 : index
    %swap3A_182 = vector.load %arg4[%swap3A_179, %swap3A_180, %swap3A_181] : memref<1x64x8192xf32, #tpu.memory_space<vmem>>, vector<1x64x256xf32>
    %swap3A_183 = vector.shape_cast %swap3A_182 : vector<1x64x256xf32> to vector<64x256xf32>
    %swap3A_184 = vector.shape_cast %slice3A_178 : vector<64x256xf32> to vector<1x64x256xf32>
    tpu.vector_store %arg4[%swap3A_179, %swap3A_180, %swap3A_181], %swap3A_184 {strides = array<i32>} : memref<1x64x8192xf32, #tpu.memory_space<vmem>>, vector<1x64x256xf32>,
    %get3A_185 = arith.constant 0 : index
    %get3A_186 = arith.constant 9 : index
    %get3A_187 = arith.constant 0 : index
    %get3A_188 = arith.constant 0 : index
    %get3A_189 = vector.load %arg2[%get3A_185, %get3A_186, %get3A_187, %get3A_188] : memref<1x16x256x128xf32, #tpu.memory_space<vmem>>, vector<1x1x256x128xf32>
    %get3A_190 = vector.shape_cast %get3A_189 : vector<1x1x256x128xf32> to vector<256x128xf32>
    %transpose3A_191 = tpu.transpose %get3A_190, [1, 0] : vector<256x128xf32> -> vector<128x256xf32>
    %slice3A_192 = vector.extract_strided_slice %transpose3A_191 {offsets = [0, 0], sizes = [64, 256], strides = [1, 1]} : vector<128x256xf32> to vector<64x256xf32>
    %swap3A_193 = arith.constant 0 : index
    %swap3A_194 = arith.constant 0 : index
    %swap3A_195 = arith.constant 4608 : index
    %swap3A_196 = vector.load %arg4[%swap3A_193, %swap3A_194, %swap3A_195] : memref<1x64x8192xf32, #tpu.memory_space<vmem>>, vector<1x64x256xf32>
    %swap3A_197 = vector.shape_cast %swap3A_196 : vector<1x64x256xf32> to vector<64x256xf32>
    %swap3A_198 = vector.shape_cast %slice3A_192 : vector<64x256xf32> to vector<1x64x256xf32>
    tpu.vector_store %arg4[%swap3A_193, %swap3A_194, %swap3A_195], %swap3A_198 {strides = array<i32>} : memref<1x64x8192xf32, #tpu.memory_space<vmem>>, vector<1x64x256xf32>,
    %slice3A_199 = vector.extract_strided_slice %transpose3A_191 {offsets = [64, 0], sizes = [64, 256], strides = [1, 1]} : vector<128x256xf32> to vector<64x256xf32>
    %swap3A_200 = arith.constant 0 : index
    %swap3A_201 = arith.constant 0 : index
    %swap3A_202 = arith.constant 4864 : index
    %swap3A_203 = vector.load %arg4[%swap3A_200, %swap3A_201, %swap3A_202] : memref<1x64x8192xf32, #tpu.memory_space<vmem>>, vector<1x64x256xf32>
    %swap3A_204 = vector.shape_cast %swap3A_203 : vector<1x64x256xf32> to vector<64x256xf32>
    %swap3A_205 = vector.shape_cast %slice3A_199 : vector<64x256xf32> to vector<1x64x256xf32>
    tpu.vector_store %arg4[%swap3A_200, %swap3A_201, %swap3A_202], %swap3A_205 {strides = array<i32>} : memref<1x64x8192xf32, #tpu.memory_space<vmem>>, vector<1x64x256xf32>,
    %get3A_206 = arith.constant 0 : index
    %get3A_207 = arith.constant 10 : index
    %get3A_208 = arith.constant 0 : index
    %get3A_209 = arith.constant 0 : index
    %get3A_210 = vector.load %arg2[%get3A_206, %get3A_207, %get3A_208, %get3A_209] : memref<1x16x256x128xf32, #tpu.memory_space<vmem>>, vector<1x1x256x128xf32>
    %get3A_211 = vector.shape_cast %get3A_210 : vector<1x1x256x128xf32> to vector<256x128xf32>
    %transpose3A_212 = tpu.transpose %get3A_211, [1, 0] : vector<256x128xf32> -> vector<128x256xf32>
    %slice3A_213 = vector.extract_strided_slice %transpose3A_212 {offsets = [0, 0], sizes = [64, 256], strides = [1, 1]} : vector<128x256xf32> to vector<64x256xf32>
    %swap3A_214 = arith.constant 0 : index
    %swap3A_215 = arith.constant 0 : index
    %swap3A_216 = arith.constant 5120 : index
    %swap3A_217 = vector.load %arg4[%swap3A_214, %swap3A_215, %swap3A_216] : memref<1x64x8192xf32, #tpu.memory_space<vmem>>, vector<1x64x256xf32>
    %swap3A_218 = vector.shape_cast %swap3A_217 : vector<1x64x256xf32> to vector<64x256xf32>
    %swap3A_219 = vector.shape_cast %slice3A_213 : vector<64x256xf32> to vector<1x64x256xf32>
    tpu.vector_store %arg4[%swap3A_214, %swap3A_215, %swap3A_216], %swap3A_219 {strides = array<i32>} : memref<1x64x8192xf32, #tpu.memory_space<vmem>>, vector<1x64x256xf32>,
    %slice3A_220 = vector.extract_strided_slice %transpose3A_212 {offsets = [64, 0], sizes = [64, 256], strides = [1, 1]} : vector<128x256xf32> to vector<64x256xf32>
    %swap3A_221 = arith.constant 0 : index
    %swap3A_222 = arith.constant 0 : index
    %swap3A_223 = arith.constant 5376 : index
    %swap3A_224 = vector.load %arg4[%swap3A_221, %swap3A_222, %swap3A_223] : memref<1x64x8192xf32, #tpu.memory_space<vmem>>, vector<1x64x256xf32>
    %swap3A_225 = vector.shape_cast %swap3A_224 : vector<1x64x256xf32> to vector<64x256xf32>
    %swap3A_226 = vector.shape_cast %slice3A_220 : vector<64x256xf32> to vector<1x64x256xf32>
    tpu.vector_store %arg4[%swap3A_221, %swap3A_222, %swap3A_223], %swap3A_226 {strides = array<i32>} : memref<1x64x8192xf32, #tpu.memory_space<vmem>>, vector<1x64x256xf32>,
    %get3A_227 = arith.constant 0 : index
    %get3A_228 = arith.constant 11 : index
    %get3A_229 = arith.constant 0 : index
    %get3A_230 = arith.constant 0 : index
    %get3A_231 = vector.load %arg2[%get3A_227, %get3A_228, %get3A_229, %get3A_230] : memref<1x16x256x128xf32, #tpu.memory_space<vmem>>, vector<1x1x256x128xf32>
    %get3A_232 = vector.shape_cast %get3A_231 : vector<1x1x256x128xf32> to vector<256x128xf32>
    %transpose3A_233 = tpu.transpose %get3A_232, [1, 0] : vector<256x128xf32> -> vector<128x256xf32>
    %slice3A_234 = vector.extract_strided_slice %transpose3A_233 {offsets = [0, 0], sizes = [64, 256], strides = [1, 1]} : vector<128x256xf32> to vector<64x256xf32>
    %swap3A_235 = arith.constant 0 : index
    %swap3A_236 = arith.constant 0 : index
    %swap3A_237 = arith.constant 5632 : index
    %swap3A_238 = vector.load %arg4[%swap3A_235, %swap3A_236, %swap3A_237] : memref<1x64x8192xf32, #tpu.memory_space<vmem>>, vector<1x64x256xf32>
    %swap3A_239 = vector.shape_cast %swap3A_238 : vector<1x64x256xf32> to vector<64x256xf32>
    %swap3A_240 = vector.shape_cast %slice3A_234 : vector<64x256xf32> to vector<1x64x256xf32>
    tpu.vector_store %arg4[%swap3A_235, %swap3A_236, %swap3A_237], %swap3A_240 {strides = array<i32>} : memref<1x64x8192xf32, #tpu.memory_space<vmem>>, vector<1x64x256xf32>,
    %slice3A_241 = vector.extract_strided_slice %transpose3A_233 {offsets = [64, 0], sizes = [64, 256], strides = [1, 1]} : vector<128x256xf32> to vector<64x256xf32>
    %swap3A_242 = arith.constant 0 : index
    %swap3A_243 = arith.constant 0 : index
    %swap3A_244 = arith.constant 5888 : index
    %swap3A_245 = vector.load %arg4[%swap3A_242, %swap3A_243, %swap3A_244] : memref<1x64x8192xf32, #tpu.memory_space<vmem>>, vector<1x64x256xf32>
    %swap3A_246 = vector.shape_cast %swap3A_245 : vector<1x64x256xf32> to vector<64x256xf32>
    %swap3A_247 = vector.shape_cast %slice3A_241 : vector<64x256xf32> to vector<1x64x256xf32>
    tpu.vector_store %arg4[%swap3A_242, %swap3A_243, %swap3A_244], %swap3A_247 {strides = array<i32>} : memref<1x64x8192xf32, #tpu.memory_space<vmem>>, vector<1x64x256xf32>,
    %get3A_248 = arith.constant 0 : index
    %get3A_249 = arith.constant 12 : index
    %get3A_250 = arith.constant 0 : index
    %get3A_251 = arith.constant 0 : index
    %get3A_252 = vector.load %arg2[%get3A_248, %get3A_249, %get3A_250, %get3A_251] : memref<1x16x256x128xf32, #tpu.memory_space<vmem>>, vector<1x1x256x128xf32>
    %get3A_253 = vector.shape_cast %get3A_252 : vector<1x1x256x128xf32> to vector<256x128xf32>
    %transpose3A_254 = tpu.transpose %get3A_253, [1, 0] : vector<256x128xf32> -> vector<128x256xf32>
    %slice3A_255 = vector.extract_strided_slice %transpose3A_254 {offsets = [0, 0], sizes = [64, 256], strides = [1, 1]} : vector<128x256xf32> to vector<64x256xf32>
    %swap3A_256 = arith.constant 0 : index
    %swap3A_257 = arith.constant 0 : index
    %swap3A_258 = arith.constant 6144 : index
    %swap3A_259 = vector.load %arg4[%swap3A_256, %swap3A_257, %swap3A_258] : memref<1x64x8192xf32, #tpu.memory_space<vmem>>, vector<1x64x256xf32>
    %swap3A_260 = vector.shape_cast %swap3A_259 : vector<1x64x256xf32> to vector<64x256xf32>
    %swap3A_261 = vector.shape_cast %slice3A_255 : vector<64x256xf32> to vector<1x64x256xf32>
    tpu.vector_store %arg4[%swap3A_256, %swap3A_257, %swap3A_258], %swap3A_261 {strides = array<i32>} : memref<1x64x8192xf32, #tpu.memory_space<vmem>>, vector<1x64x256xf32>,
    %slice3A_262 = vector.extract_strided_slice %transpose3A_254 {offsets = [64, 0], sizes = [64, 256], strides = [1, 1]} : vector<128x256xf32> to vector<64x256xf32>
    %swap3A_263 = arith.constant 0 : index
    %swap3A_264 = arith.constant 0 : index
    %swap3A_265 = arith.constant 6400 : index
    %swap3A_266 = vector.load %arg4[%swap3A_263, %swap3A_264, %swap3A_265] : memref<1x64x8192xf32, #tpu.memory_space<vmem>>, vector<1x64x256xf32>
    %swap3A_267 = vector.shape_cast %swap3A_266 : vector<1x64x256xf32> to vector<64x256xf32>
    %swap3A_268 = vector.shape_cast %slice3A_262 : vector<64x256xf32> to vector<1x64x256xf32>
    tpu.vector_store %arg4[%swap3A_263, %swap3A_264, %swap3A_265], %swap3A_268 {strides = array<i32>} : memref<1x64x8192xf32, #tpu.memory_space<vmem>>, vector<1x64x256xf32>,
    %get3A_269 = arith.constant 0 : index
    %get3A_270 = arith.constant 13 : index
    %get3A_271 = arith.constant 0 : index
    %get3A_272 = arith.constant 0 : index
    %get3A_273 = vector.load %arg2[%get3A_269, %get3A_270, %get3A_271, %get3A_272] : memref<1x16x256x128xf32, #tpu.memory_space<vmem>>, vector<1x1x256x128xf32>
    %get3A_274 = vector.shape_cast %get3A_273 : vector<1x1x256x128xf32> to vector<256x128xf32>
    %transpose3A_275 = tpu.transpose %get3A_274, [1, 0] : vector<256x128xf32> -> vector<128x256xf32>
    %slice3A_276 = vector.extract_strided_slice %transpose3A_275 {offsets = [0, 0], sizes = [64, 256], strides = [1, 1]} : vector<128x256xf32> to vector<64x256xf32>
    %swap3A_277 = arith.constant 0 : index
    %swap3A_278 = arith.constant 0 : index
    %swap3A_279 = arith.constant 6656 : index
    %swap3A_280 = vector.load %arg4[%swap3A_277, %swap3A_278, %swap3A_279] : memref<1x64x8192xf32, #tpu.memory_space<vmem>>, vector<1x64x256xf32>
    %swap3A_281 = vector.shape_cast %swap3A_280 : vector<1x64x256xf32> to vector<64x256xf32>
    %swap3A_282 = vector.shape_cast %slice3A_276 : vector<64x256xf32> to vector<1x64x256xf32>
    tpu.vector_store %arg4[%swap3A_277, %swap3A_278, %swap3A_279], %swap3A_282 {strides = array<i32>} : memref<1x64x8192xf32, #tpu.memory_space<vmem>>, vector<1x64x256xf32>,
    %slice3A_283 = vector.extract_strided_slice %transpose3A_275 {offsets = [64, 0], sizes = [64, 256], strides = [1, 1]} : vector<128x256xf32> to vector<64x256xf32>
    %swap3A_284 = arith.constant 0 : index
    %swap3A_285 = arith.constant 0 : index
    %swap3A_286 = arith.constant 6912 : index
    %swap3A_287 = vector.load %arg4[%swap3A_284, %swap3A_285, %swap3A_286] : memref<1x64x8192xf32, #tpu.memory_space<vmem>>, vector<1x64x256xf32>
    %swap3A_288 = vector.shape_cast %swap3A_287 : vector<1x64x256xf32> to vector<64x256xf32>
    %swap3A_289 = vector.shape_cast %slice3A_283 : vector<64x256xf32> to vector<1x64x256xf32>
    tpu.vector_store %arg4[%swap3A_284, %swap3A_285, %swap3A_286], %swap3A_289 {strides = array<i32>} : memref<1x64x8192xf32, #tpu.memory_space<vmem>>, vector<1x64x256xf32>,
    %get3A_290 = arith.constant 0 : index
    %get3A_291 = arith.constant 14 : index
    %get3A_292 = arith.constant 0 : index
    %get3A_293 = arith.constant 0 : index
    %get3A_294 = vector.load %arg2[%get3A_290, %get3A_291, %get3A_292, %get3A_293] : memref<1x16x256x128xf32, #tpu.memory_space<vmem>>, vector<1x1x256x128xf32>
    %get3A_295 = vector.shape_cast %get3A_294 : vector<1x1x256x128xf32> to vector<256x128xf32>
    %transpose3A_296 = tpu.transpose %get3A_295, [1, 0] : vector<256x128xf32> -> vector<128x256xf32>
    %slice3A_297 = vector.extract_strided_slice %transpose3A_296 {offsets = [0, 0], sizes = [64, 256], strides = [1, 1]} : vector<128x256xf32> to vector<64x256xf32>
    %swap3A_298 = arith.constant 0 : index
    %swap3A_299 = arith.constant 0 : index
    %swap3A_300 = arith.constant 7168 : index
    %swap3A_301 = vector.load %arg4[%swap3A_298, %swap3A_299, %swap3A_300] : memref<1x64x8192xf32, #tpu.memory_space<vmem>>, vector<1x64x256xf32>
    %swap3A_302 = vector.shape_cast %swap3A_301 : vector<1x64x256xf32> to vector<64x256xf32>
    %swap3A_303 = vector.shape_cast %slice3A_297 : vector<64x256xf32> to vector<1x64x256xf32>
    tpu.vector_store %arg4[%swap3A_298, %swap3A_299, %swap3A_300], %swap3A_303 {strides = array<i32>} : memref<1x64x8192xf32, #tpu.memory_space<vmem>>, vector<1x64x256xf32>,
    %slice3A_304 = vector.extract_strided_slice %transpose3A_296 {offsets = [64, 0], sizes = [64, 256], strides = [1, 1]} : vector<128x256xf32> to vector<64x256xf32>
    %swap3A_305 = arith.constant 0 : index
    %swap3A_306 = arith.constant 0 : index
    %swap3A_307 = arith.constant 7424 : index
    %swap3A_308 = vector.load %arg4[%swap3A_305, %swap3A_306, %swap3A_307] : memref<1x64x8192xf32, #tpu.memory_space<vmem>>, vector<1x64x256xf32>
    %swap3A_309 = vector.shape_cast %swap3A_308 : vector<1x64x256xf32> to vector<64x256xf32>
    %swap3A_310 = vector.shape_cast %slice3A_304 : vector<64x256xf32> to vector<1x64x256xf32>
    tpu.vector_store %arg4[%swap3A_305, %swap3A_306, %swap3A_307], %swap3A_310 {strides = array<i32>} : memref<1x64x8192xf32, #tpu.memory_space<vmem>>, vector<1x64x256xf32>,
    %get3A_311 = arith.constant 0 : index
    %get3A_312 = arith.constant 15 : index
    %get3A_313 = arith.constant 0 : index
    %get3A_314 = arith.constant 0 : index
    %get3A_315 = vector.load %arg2[%get3A_311, %get3A_312, %get3A_313, %get3A_314] : memref<1x16x256x128xf32, #tpu.memory_space<vmem>>, vector<1x1x256x128xf32>
    %get3A_316 = vector.shape_cast %get3A_315 : vector<1x1x256x128xf32> to vector<256x128xf32>
    %transpose3A_317 = tpu.transpose %get3A_316, [1, 0] : vector<256x128xf32> -> vector<128x256xf32>
    %slice3A_318 = vector.extract_strided_slice %transpose3A_317 {offsets = [0, 0], sizes = [64, 256], strides = [1, 1]} : vector<128x256xf32> to vector<64x256xf32>
    %swap3A_319 = arith.constant 0 : index
    %swap3A_320 = arith.constant 0 : index
    %swap3A_321 = arith.constant 7680 : index
    %swap3A_322 = vector.load %arg4[%swap3A_319, %swap3A_320, %swap3A_321] : memref<1x64x8192xf32, #tpu.memory_space<vmem>>, vector<1x64x256xf32>
    %swap3A_323 = vector.shape_cast %swap3A_322 : vector<1x64x256xf32> to vector<64x256xf32>
    %swap3A_324 = vector.shape_cast %slice3A_318 : vector<64x256xf32> to vector<1x64x256xf32>
    tpu.vector_store %arg4[%swap3A_319, %swap3A_320, %swap3A_321], %swap3A_324 {strides = array<i32>} : memref<1x64x8192xf32, #tpu.memory_space<vmem>>, vector<1x64x256xf32>,
    %slice3A_325 = vector.extract_strided_slice %transpose3A_317 {offsets = [64, 0], sizes = [64, 256], strides = [1, 1]} : vector<128x256xf32> to vector<64x256xf32>
    %swap3A_326 = arith.constant 0 : index
    %swap3A_327 = arith.constant 0 : index
    %swap3A_328 = arith.constant 7936 : index
    %swap3A_329 = vector.load %arg4[%swap3A_326, %swap3A_327, %swap3A_328] : memref<1x64x8192xf32, #tpu.memory_space<vmem>>, vector<1x64x256xf32>
    %swap3A_330 = vector.shape_cast %swap3A_329 : vector<1x64x256xf32> to vector<64x256xf32>
    %swap3A_331 = vector.shape_cast %slice3A_325 : vector<64x256xf32> to vector<1x64x256xf32>
    tpu.vector_store %arg4[%swap3A_326, %swap3A_327, %swap3A_328], %swap3A_331 {strides = array<i32>} : memref<1x64x8192xf32, #tpu.memory_space<vmem>>, vector<1x64x256xf32>,
    return
  }
  func.func @transform_0(%arg0: i32, %arg1: i32) -> (i32, i32, i32, i32) {
    %c0_i32 = arith.constant 0 : i32
    %c0_i32_0 = arith.constant 0 : i32
    %c0_i32_1 = arith.constant 0 : i32
    return %arg0, %arg1, %c0_i32, %c0_i32_0 : i32, i32, i32, i32
  }
  func.func @transform_2(%arg0: i32, %arg1: i32) -> (i32, i32, i32) {
    %add3A = arith.constant 26 : i32
    %add3A_0 = arith.addi %add3A, %arg0 : i32
    %c0_i32 = arith.constant 0 : i32
    %c0_i32_1 = arith.constant 0 : i32
    return %add3A_0, %c0_i32, %arg1 : i32, i32, i32
  }
}

module attributes {stable_mosaic.version = 14 : i64} {
  func.func @_format_body_alias(%arg0: i32, %arg1: i32, %arg2: memref<1x16x256x128xf32, #tpu.memory_space<vmem>>, %arg3: memref<50x64x16384xf32, #tpu.memory_space<any>>, %arg4: memref<1x64x8192xf32, #tpu.memory_space<vmem>>) attributes {dimension_semantics = [#tpu.dimension_semantics<arbitrary>, #tpu.dimension_semantics<arbitrary>], iteration_bounds = array<i64: 12, 2>, scalar_prefetch = 0 : i64, scratch_operands = 0 : i64, tpu.core_type = #tpu.core_type<tc>, window_params = [{transform_indices = @transform_0, window_bounds = array<i64: 1, 16, 256, 128>}, {}, {transform_indices = @transform_2, window_bounds = array<i64: 1, 64, 8192>}]} {
    %get3A = arith.constant 0 : index
    %get3A_0 = arith.constant 0 : index
    %get3A_1 = arith.constant 0 : index
    %get3A_2 = arith.constant 0 : index
    %get3A_3 = vector.load %arg2[%get3A, %get3A_0, %get3A_1, %get3A_2] : memref<1x16x256x128xf32, #tpu.memory_space<vmem>>, vector<1x1x256x128xf32>
    %get3A_4 = vector.shape_cast %get3A_3 : vector<1x1x256x128xf32> to vector<256x128xf32>
    %transpose3A = tpu.transpose %get3A_4, [1, 0] : vector<256x128xf32> -> vector<128x256xf32>
    %slice3A = vector.extract_strided_slice %transpose3A {offsets = [0, 0], sizes = [64, 256], strides = [1, 1]} : vector<128x256xf32> to vector<64x256xf32>
    %swap3A = arith.constant 0 : index
    %swap3A_5 = arith.constant 0 : index
    %swap3A_6 = arith.constant 0 : index
    %swap3A_7 = vector.load %arg4[%swap3A, %swap3A_5, %swap3A_6] : memref<1x64x8192xf32, #tpu.memory_space<vmem>>, vector<1x64x256xf32>
    %swap3A_8 = vector.shape_cast %swap3A_7 : vector<1x64x256xf32> to vector<64x256xf32>
    %swap3A_9 = vector.shape_cast %slice3A : vector<64x256xf32> to vector<1x64x256xf32>
    tpu.vector_store %arg4[%swap3A, %swap3A_5, %swap3A_6], %swap3A_9 {strides = array<i32>} : memref<1x64x8192xf32, #tpu.memory_space<vmem>>, vector<1x64x256xf32>,
    %slice3A_10 = vector.extract_strided_slice %transpose3A {offsets = [64, 0], sizes = [64, 256], strides = [1, 1]} : vector<128x256xf32> to vector<64x256xf32>
    %swap3A_11 = arith.constant 0 : index
    %swap3A_12 = arith.constant 0 : index
    %swap3A_13 = arith.constant 256 : index
    %swap3A_14 = vector.load %arg4[%swap3A_11, %swap3A_12, %swap3A_13] : memref<1x64x8192xf32, #tpu.memory_space<vmem>>, vector<1x64x256xf32>
    %swap3A_15 = vector.shape_cast %swap3A_14 : vector<1x64x256xf32> to vector<64x256xf32>
    %swap3A_16 = vector.shape_cast %slice3A_10 : vector<64x256xf32> to vector<1x64x256xf32>
    tpu.vector_store %arg4[%swap3A_11, %swap3A_12, %swap3A_13], %swap3A_16 {strides = array<i32>} : memref<1x64x8192xf32, #tpu.memory_space<vmem>>, vector<1x64x256xf32>,
    %get3A_17 = arith.constant 0 : index
    %get3A_18 = arith.constant 1 : index
    %get3A_19 = arith.constant 0 : index
    %get3A_20 = arith.constant 0 : index
    %get3A_21 = vector.load %arg2[%get3A_17, %get3A_18, %get3A_19, %get3A_20] : memref<1x16x256x128xf32, #tpu.memory_space<vmem>>, vector<1x1x256x128xf32>
    %get3A_22 = vector.shape_cast %get3A_21 : vector<1x1x256x128xf32> to vector<256x128xf32>
    %transpose3A_23 = tpu.transpose %get3A_22, [1, 0] : vector<256x128xf32> -> vector<128x256xf32>
    %slice3A_24 = vector.extract_strided_slice %transpose3A_23 {offsets = [0, 0], sizes = [64, 256], strides = [1, 1]} : vector<128x256xf32> to vector<64x256xf32>
    %swap3A_25 = arith.constant 0 : index
    %swap3A_26 = arith.constant 0 : index
    %swap3A_27 = arith.constant 512 : index
    %swap3A_28 = vector.load %arg4[%swap3A_25, %swap3A_26, %swap3A_27] : memref<1x64x8192xf32, #tpu.memory_space<vmem>>, vector<1x64x256xf32>
    %swap3A_29 = vector.shape_cast %swap3A_28 : vector<1x64x256xf32> to vector<64x256xf32>
    %swap3A_30 = vector.shape_cast %slice3A_24 : vector<64x256xf32> to vector<1x64x256xf32>
    tpu.vector_store %arg4[%swap3A_25, %swap3A_26, %swap3A_27], %swap3A_30 {strides = array<i32>} : memref<1x64x8192xf32, #tpu.memory_space<vmem>>, vector<1x64x256xf32>,
    %slice3A_31 = vector.extract_strided_slice %transpose3A_23 {offsets = [64, 0], sizes = [64, 256], strides = [1, 1]} : vector<128x256xf32> to vector<64x256xf32>
    %swap3A_32 = arith.constant 0 : index
    %swap3A_33 = arith.constant 0 : index
    %swap3A_34 = arith.constant 768 : index
    %swap3A_35 = vector.load %arg4[%swap3A_32, %swap3A_33, %swap3A_34] : memref<1x64x8192xf32, #tpu.memory_space<vmem>>, vector<1x64x256xf32>
    %swap3A_36 = vector.shape_cast %swap3A_35 : vector<1x64x256xf32> to vector<64x256xf32>
    %swap3A_37 = vector.shape_cast %slice3A_31 : vector<64x256xf32> to vector<1x64x256xf32>
    tpu.vector_store %arg4[%swap3A_32, %swap3A_33, %swap3A_34], %swap3A_37 {strides = array<i32>} : memref<1x64x8192xf32, #tpu.memory_space<vmem>>, vector<1x64x256xf32>,
    %get3A_38 = arith.constant 0 : index
    %get3A_39 = arith.constant 2 : index
    %get3A_40 = arith.constant 0 : index
    %get3A_41 = arith.constant 0 : index
    %get3A_42 = vector.load %arg2[%get3A_38, %get3A_39, %get3A_40, %get3A_41] : memref<1x16x256x128xf32, #tpu.memory_space<vmem>>, vector<1x1x256x128xf32>
    %get3A_43 = vector.shape_cast %get3A_42 : vector<1x1x256x128xf32> to vector<256x128xf32>
    %transpose3A_44 = tpu.transpose %get3A_43, [1, 0] : vector<256x128xf32> -> vector<128x256xf32>
    %slice3A_45 = vector.extract_strided_slice %transpose3A_44 {offsets = [0, 0], sizes = [64, 256], strides = [1, 1]} : vector<128x256xf32> to vector<64x256xf32>
    %swap3A_46 = arith.constant 0 : index
    %swap3A_47 = arith.constant 0 : index
    %swap3A_48 = arith.constant 1024 : index
    %swap3A_49 = vector.load %arg4[%swap3A_46, %swap3A_47, %swap3A_48] : memref<1x64x8192xf32, #tpu.memory_space<vmem>>, vector<1x64x256xf32>
    %swap3A_50 = vector.shape_cast %swap3A_49 : vector<1x64x256xf32> to vector<64x256xf32>
    %swap3A_51 = vector.shape_cast %slice3A_45 : vector<64x256xf32> to vector<1x64x256xf32>
    tpu.vector_store %arg4[%swap3A_46, %swap3A_47, %swap3A_48], %swap3A_51 {strides = array<i32>} : memref<1x64x8192xf32, #tpu.memory_space<vmem>>, vector<1x64x256xf32>,
    %slice3A_52 = vector.extract_strided_slice %transpose3A_44 {offsets = [64, 0], sizes = [64, 256], strides = [1, 1]} : vector<128x256xf32> to vector<64x256xf32>
    %swap3A_53 = arith.constant 0 : index
    %swap3A_54 = arith.constant 0 : index
    %swap3A_55 = arith.constant 1280 : index
    %swap3A_56 = vector.load %arg4[%swap3A_53, %swap3A_54, %swap3A_55] : memref<1x64x8192xf32, #tpu.memory_space<vmem>>, vector<1x64x256xf32>
    %swap3A_57 = vector.shape_cast %swap3A_56 : vector<1x64x256xf32> to vector<64x256xf32>
    %swap3A_58 = vector.shape_cast %slice3A_52 : vector<64x256xf32> to vector<1x64x256xf32>
    tpu.vector_store %arg4[%swap3A_53, %swap3A_54, %swap3A_55], %swap3A_58 {strides = array<i32>} : memref<1x64x8192xf32, #tpu.memory_space<vmem>>, vector<1x64x256xf32>,
    %get3A_59 = arith.constant 0 : index
    %get3A_60 = arith.constant 3 : index
    %get3A_61 = arith.constant 0 : index
    %get3A_62 = arith.constant 0 : index
    %get3A_63 = vector.load %arg2[%get3A_59, %get3A_60, %get3A_61, %get3A_62] : memref<1x16x256x128xf32, #tpu.memory_space<vmem>>, vector<1x1x256x128xf32>
    %get3A_64 = vector.shape_cast %get3A_63 : vector<1x1x256x128xf32> to vector<256x128xf32>
    %transpose3A_65 = tpu.transpose %get3A_64, [1, 0] : vector<256x128xf32> -> vector<128x256xf32>
    %slice3A_66 = vector.extract_strided_slice %transpose3A_65 {offsets = [0, 0], sizes = [64, 256], strides = [1, 1]} : vector<128x256xf32> to vector<64x256xf32>
    %swap3A_67 = arith.constant 0 : index
    %swap3A_68 = arith.constant 0 : index
    %swap3A_69 = arith.constant 1536 : index
    %swap3A_70 = vector.load %arg4[%swap3A_67, %swap3A_68, %swap3A_69] : memref<1x64x8192xf32, #tpu.memory_space<vmem>>, vector<1x64x256xf32>
    %swap3A_71 = vector.shape_cast %swap3A_70 : vector<1x64x256xf32> to vector<64x256xf32>
    %swap3A_72 = vector.shape_cast %slice3A_66 : vector<64x256xf32> to vector<1x64x256xf32>
    tpu.vector_store %arg4[%swap3A_67, %swap3A_68, %swap3A_69], %swap3A_72 {strides = array<i32>} : memref<1x64x8192xf32, #tpu.memory_space<vmem>>, vector<1x64x256xf32>,
    %slice3A_73 = vector.extract_strided_slice %transpose3A_65 {offsets = [64, 0], sizes = [64, 256], strides = [1, 1]} : vector<128x256xf32> to vector<64x256xf32>
    %swap3A_74 = arith.constant 0 : index
    %swap3A_75 = arith.constant 0 : index
    %swap3A_76 = arith.constant 1792 : index
    %swap3A_77 = vector.load %arg4[%swap3A_74, %swap3A_75, %swap3A_76] : memref<1x64x8192xf32, #tpu.memory_space<vmem>>, vector<1x64x256xf32>
    %swap3A_78 = vector.shape_cast %swap3A_77 : vector<1x64x256xf32> to vector<64x256xf32>
    %swap3A_79 = vector.shape_cast %slice3A_73 : vector<64x256xf32> to vector<1x64x256xf32>
    tpu.vector_store %arg4[%swap3A_74, %swap3A_75, %swap3A_76], %swap3A_79 {strides = array<i32>} : memref<1x64x8192xf32, #tpu.memory_space<vmem>>, vector<1x64x256xf32>,
    %get3A_80 = arith.constant 0 : index
    %get3A_81 = arith.constant 4 : index
    %get3A_82 = arith.constant 0 : index
    %get3A_83 = arith.constant 0 : index
    %get3A_84 = vector.load %arg2[%get3A_80, %get3A_81, %get3A_82, %get3A_83] : memref<1x16x256x128xf32, #tpu.memory_space<vmem>>, vector<1x1x256x128xf32>
    %get3A_85 = vector.shape_cast %get3A_84 : vector<1x1x256x128xf32> to vector<256x128xf32>
    %transpose3A_86 = tpu.transpose %get3A_85, [1, 0] : vector<256x128xf32> -> vector<128x256xf32>
    %slice3A_87 = vector.extract_strided_slice %transpose3A_86 {offsets = [0, 0], sizes = [64, 256], strides = [1, 1]} : vector<128x256xf32> to vector<64x256xf32>
    %swap3A_88 = arith.constant 0 : index
    %swap3A_89 = arith.constant 0 : index
    %swap3A_90 = arith.constant 2048 : index
    %swap3A_91 = vector.load %arg4[%swap3A_88, %swap3A_89, %swap3A_90] : memref<1x64x8192xf32, #tpu.memory_space<vmem>>, vector<1x64x256xf32>
    %swap3A_92 = vector.shape_cast %swap3A_91 : vector<1x64x256xf32> to vector<64x256xf32>
    %swap3A_93 = vector.shape_cast %slice3A_87 : vector<64x256xf32> to vector<1x64x256xf32>
    tpu.vector_store %arg4[%swap3A_88, %swap3A_89, %swap3A_90], %swap3A_93 {strides = array<i32>} : memref<1x64x8192xf32, #tpu.memory_space<vmem>>, vector<1x64x256xf32>,
    %slice3A_94 = vector.extract_strided_slice %transpose3A_86 {offsets = [64, 0], sizes = [64, 256], strides = [1, 1]} : vector<128x256xf32> to vector<64x256xf32>
    %swap3A_95 = arith.constant 0 : index
    %swap3A_96 = arith.constant 0 : index
    %swap3A_97 = arith.constant 2304 : index
    %swap3A_98 = vector.load %arg4[%swap3A_95, %swap3A_96, %swap3A_97] : memref<1x64x8192xf32, #tpu.memory_space<vmem>>, vector<1x64x256xf32>
    %swap3A_99 = vector.shape_cast %swap3A_98 : vector<1x64x256xf32> to vector<64x256xf32>
    %swap3A_100 = vector.shape_cast %slice3A_94 : vector<64x256xf32> to vector<1x64x256xf32>
    tpu.vector_store %arg4[%swap3A_95, %swap3A_96, %swap3A_97], %swap3A_100 {strides = array<i32>} : memref<1x64x8192xf32, #tpu.memory_space<vmem>>, vector<1x64x256xf32>,
    %get3A_101 = arith.constant 0 : index
    %get3A_102 = arith.constant 5 : index
    %get3A_103 = arith.constant 0 : index
    %get3A_104 = arith.constant 0 : index
    %get3A_105 = vector.load %arg2[%get3A_101, %get3A_102, %get3A_103, %get3A_104] : memref<1x16x256x128xf32, #tpu.memory_space<vmem>>, vector<1x1x256x128xf32>
    %get3A_106 = vector.shape_cast %get3A_105 : vector<1x1x256x128xf32> to vector<256x128xf32>
    %transpose3A_107 = tpu.transpose %get3A_106, [1, 0] : vector<256x128xf32> -> vector<128x256xf32>
    %slice3A_108 = vector.extract_strided_slice %transpose3A_107 {offsets = [0, 0], sizes = [64, 256], strides = [1, 1]} : vector<128x256xf32> to vector<64x256xf32>
    %swap3A_109 = arith.constant 0 : index
    %swap3A_110 = arith.constant 0 : index
    %swap3A_111 = arith.constant 2560 : index
    %swap3A_112 = vector.load %arg4[%swap3A_109, %swap3A_110, %swap3A_111] : memref<1x64x8192xf32, #tpu.memory_space<vmem>>, vector<1x64x256xf32>
    %swap3A_113 = vector.shape_cast %swap3A_112 : vector<1x64x256xf32> to vector<64x256xf32>
    %swap3A_114 = vector.shape_cast %slice3A_108 : vector<64x256xf32> to vector<1x64x256xf32>
    tpu.vector_store %arg4[%swap3A_109, %swap3A_110, %swap3A_111], %swap3A_114 {strides = array<i32>} : memref<1x64x8192xf32, #tpu.memory_space<vmem>>, vector<1x64x256xf32>,
    %slice3A_115 = vector.extract_strided_slice %transpose3A_107 {offsets = [64, 0], sizes = [64, 256], strides = [1, 1]} : vector<128x256xf32> to vector<64x256xf32>
    %swap3A_116 = arith.constant 0 : index
    %swap3A_117 = arith.constant 0 : index
    %swap3A_118 = arith.constant 2816 : index
    %swap3A_119 = vector.load %arg4[%swap3A_116, %swap3A_117, %swap3A_118] : memref<1x64x8192xf32, #tpu.memory_space<vmem>>, vector<1x64x256xf32>
    %swap3A_120 = vector.shape_cast %swap3A_119 : vector<1x64x256xf32> to vector<64x256xf32>
    %swap3A_121 = vector.shape_cast %slice3A_115 : vector<64x256xf32> to vector<1x64x256xf32>
    tpu.vector_store %arg4[%swap3A_116, %swap3A_117, %swap3A_118], %swap3A_121 {strides = array<i32>} : memref<1x64x8192xf32, #tpu.memory_space<vmem>>, vector<1x64x256xf32>,
    %get3A_122 = arith.constant 0 : index
    %get3A_123 = arith.constant 6 : index
    %get3A_124 = arith.constant 0 : index
    %get3A_125 = arith.constant 0 : index
    %get3A_126 = vector.load %arg2[%get3A_122, %get3A_123, %get3A_124, %get3A_125] : memref<1x16x256x128xf32, #tpu.memory_space<vmem>>, vector<1x1x256x128xf32>
    %get3A_127 = vector.shape_cast %get3A_126 : vector<1x1x256x128xf32> to vector<256x128xf32>
    %transpose3A_128 = tpu.transpose %get3A_127, [1, 0] : vector<256x128xf32> -> vector<128x256xf32>
    %slice3A_129 = vector.extract_strided_slice %transpose3A_128 {offsets = [0, 0], sizes = [64, 256], strides = [1, 1]} : vector<128x256xf32> to vector<64x256xf32>
    %swap3A_130 = arith.constant 0 : index
    %swap3A_131 = arith.constant 0 : index
    %swap3A_132 = arith.constant 3072 : index
    %swap3A_133 = vector.load %arg4[%swap3A_130, %swap3A_131, %swap3A_132] : memref<1x64x8192xf32, #tpu.memory_space<vmem>>, vector<1x64x256xf32>
    %swap3A_134 = vector.shape_cast %swap3A_133 : vector<1x64x256xf32> to vector<64x256xf32>
    %swap3A_135 = vector.shape_cast %slice3A_129 : vector<64x256xf32> to vector<1x64x256xf32>
    tpu.vector_store %arg4[%swap3A_130, %swap3A_131, %swap3A_132], %swap3A_135 {strides = array<i32>} : memref<1x64x8192xf32, #tpu.memory_space<vmem>>, vector<1x64x256xf32>,
    %slice3A_136 = vector.extract_strided_slice %transpose3A_128 {offsets = [64, 0], sizes = [64, 256], strides = [1, 1]} : vector<128x256xf32> to vector<64x256xf32>
    %swap3A_137 = arith.constant 0 : index
    %swap3A_138 = arith.constant 0 : index
    %swap3A_139 = arith.constant 3328 : index
    %swap3A_140 = vector.load %arg4[%swap3A_137, %swap3A_138, %swap3A_139] : memref<1x64x8192xf32, #tpu.memory_space<vmem>>, vector<1x64x256xf32>
    %swap3A_141 = vector.shape_cast %swap3A_140 : vector<1x64x256xf32> to vector<64x256xf32>
    %swap3A_142 = vector.shape_cast %slice3A_136 : vector<64x256xf32> to vector<1x64x256xf32>
    tpu.vector_store %arg4[%swap3A_137, %swap3A_138, %swap3A_139], %swap3A_142 {strides = array<i32>} : memref<1x64x8192xf32, #tpu.memory_space<vmem>>, vector<1x64x256xf32>,
    %get3A_143 = arith.constant 0 : index
    %get3A_144 = arith.constant 7 : index
    %get3A_145 = arith.constant 0 : index
    %get3A_146 = arith.constant 0 : index
    %get3A_147 = vector.load %arg2[%get3A_143, %get3A_144, %get3A_145, %get3A_146] : memref<1x16x256x128xf32, #tpu.memory_space<vmem>>, vector<1x1x256x128xf32>
    %get3A_148 = vector.shape_cast %get3A_147 : vector<1x1x256x128xf32> to vector<256x128xf32>
    %transpose3A_149 = tpu.transpose %get3A_148, [1, 0] : vector<256x128xf32> -> vector<128x256xf32>
    %slice3A_150 = vector.extract_strided_slice %transpose3A_149 {offsets = [0, 0], sizes = [64, 256], strides = [1, 1]} : vector<128x256xf32> to vector<64x256xf32>
    %swap3A_151 = arith.constant 0 : index
    %swap3A_152 = arith.constant 0 : index
    %swap3A_153 = arith.constant 3584 : index
    %swap3A_154 = vector.load %arg4[%swap3A_151, %swap3A_152, %swap3A_153] : memref<1x64x8192xf32, #tpu.memory_space<vmem>>, vector<1x64x256xf32>
    %swap3A_155 = vector.shape_cast %swap3A_154 : vector<1x64x256xf32> to vector<64x256xf32>
    %swap3A_156 = vector.shape_cast %slice3A_150 : vector<64x256xf32> to vector<1x64x256xf32>
    tpu.vector_store %arg4[%swap3A_151, %swap3A_152, %swap3A_153], %swap3A_156 {strides = array<i32>} : memref<1x64x8192xf32, #tpu.memory_space<vmem>>, vector<1x64x256xf32>,
    %slice3A_157 = vector.extract_strided_slice %transpose3A_149 {offsets = [64, 0], sizes = [64, 256], strides = [1, 1]} : vector<128x256xf32> to vector<64x256xf32>
    %swap3A_158 = arith.constant 0 : index
    %swap3A_159 = arith.constant 0 : index
    %swap3A_160 = arith.constant 3840 : index
    %swap3A_161 = vector.load %arg4[%swap3A_158, %swap3A_159, %swap3A_160] : memref<1x64x8192xf32, #tpu.memory_space<vmem>>, vector<1x64x256xf32>
    %swap3A_162 = vector.shape_cast %swap3A_161 : vector<1x64x256xf32> to vector<64x256xf32>
    %swap3A_163 = vector.shape_cast %slice3A_157 : vector<64x256xf32> to vector<1x64x256xf32>
    tpu.vector_store %arg4[%swap3A_158, %swap3A_159, %swap3A_160], %swap3A_163 {strides = array<i32>} : memref<1x64x8192xf32, #tpu.memory_space<vmem>>, vector<1x64x256xf32>,
    %get3A_164 = arith.constant 0 : index
    %get3A_165 = arith.constant 8 : index
    %get3A_166 = arith.constant 0 : index
    %get3A_167 = arith.constant 0 : index
    %get3A_168 = vector.load %arg2[%get3A_164, %get3A_165, %get3A_166, %get3A_167] : memref<1x16x256x128xf32, #tpu.memory_space<vmem>>, vector<1x1x256x128xf32>
    %get3A_169 = vector.shape_cast %get3A_168 : vector<1x1x256x128xf32> to vector<256x128xf32>
    %transpose3A_170 = tpu.transpose %get3A_169, [1, 0] : vector<256x128xf32> -> vector<128x256xf32>
    %slice3A_171 = vector.extract_strided_slice %transpose3A_170 {offsets = [0, 0], sizes = [64, 256], strides = [1, 1]} : vector<128x256xf32> to vector<64x256xf32>
    %swap3A_172 = arith.constant 0 : index
    %swap3A_173 = arith.constant 0 : index
    %swap3A_174 = arith.constant 4096 : index
    %swap3A_175 = vector.load %arg4[%swap3A_172, %swap3A_173, %swap3A_174] : memref<1x64x8192xf32, #tpu.memory_space<vmem>>, vector<1x64x256xf32>
    %swap3A_176 = vector.shape_cast %swap3A_175 : vector<1x64x256xf32> to vector<64x256xf32>
    %swap3A_177 = vector.shape_cast %slice3A_171 : vector<64x256xf32> to vector<1x64x256xf32>
    tpu.vector_store %arg4[%swap3A_172, %swap3A_173, %swap3A_174], %swap3A_177 {strides = array<i32>} : memref<1x64x8192xf32, #tpu.memory_space<vmem>>, vector<1x64x256xf32>,
    %slice3A_178 = vector.extract_strided_slice %transpose3A_170 {offsets = [64, 0], sizes = [64, 256], strides = [1, 1]} : vector<128x256xf32> to vector<64x256xf32>
    %swap3A_179 = arith.constant 0 : index
    %swap3A_180 = arith.constant 0 : index
    %swap3A_181 = arith.constant 4352 : index
    %swap3A_182 = vector.load %arg4[%swap3A_179, %swap3A_180, %swap3A_181] : memref<1x64x8192xf32, #tpu.memory_space<vmem>>, vector<1x64x256xf32>
    %swap3A_183 = vector.shape_cast %swap3A_182 : vector<1x64x256xf32> to vector<64x256xf32>
    %swap3A_184 = vector.shape_cast %slice3A_178 : vector<64x256xf32> to vector<1x64x256xf32>
    tpu.vector_store %arg4[%swap3A_179, %swap3A_180, %swap3A_181], %swap3A_184 {strides = array<i32>} : memref<1x64x8192xf32, #tpu.memory_space<vmem>>, vector<1x64x256xf32>,
    %get3A_185 = arith.constant 0 : index
    %get3A_186 = arith.constant 9 : index
    %get3A_187 = arith.constant 0 : index
    %get3A_188 = arith.constant 0 : index
    %get3A_189 = vector.load %arg2[%get3A_185, %get3A_186, %get3A_187, %get3A_188] : memref<1x16x256x128xf32, #tpu.memory_space<vmem>>, vector<1x1x256x128xf32>
    %get3A_190 = vector.shape_cast %get3A_189 : vector<1x1x256x128xf32> to vector<256x128xf32>
    %transpose3A_191 = tpu.transpose %get3A_190, [1, 0] : vector<256x128xf32> -> vector<128x256xf32>
    %slice3A_192 = vector.extract_strided_slice %transpose3A_191 {offsets = [0, 0], sizes = [64, 256], strides = [1, 1]} : vector<128x256xf32> to vector<64x256xf32>
    %swap3A_193 = arith.constant 0 : index
    %swap3A_194 = arith.constant 0 : index
    %swap3A_195 = arith.constant 4608 : index
    %swap3A_196 = vector.load %arg4[%swap3A_193, %swap3A_194, %swap3A_195] : memref<1x64x8192xf32, #tpu.memory_space<vmem>>, vector<1x64x256xf32>
    %swap3A_197 = vector.shape_cast %swap3A_196 : vector<1x64x256xf32> to vector<64x256xf32>
    %swap3A_198 = vector.shape_cast %slice3A_192 : vector<64x256xf32> to vector<1x64x256xf32>
    tpu.vector_store %arg4[%swap3A_193, %swap3A_194, %swap3A_195], %swap3A_198 {strides = array<i32>} : memref<1x64x8192xf32, #tpu.memory_space<vmem>>, vector<1x64x256xf32>,
    %slice3A_199 = vector.extract_strided_slice %transpose3A_191 {offsets = [64, 0], sizes = [64, 256], strides = [1, 1]} : vector<128x256xf32> to vector<64x256xf32>
    %swap3A_200 = arith.constant 0 : index
    %swap3A_201 = arith.constant 0 : index
    %swap3A_202 = arith.constant 4864 : index
    %swap3A_203 = vector.load %arg4[%swap3A_200, %swap3A_201, %swap3A_202] : memref<1x64x8192xf32, #tpu.memory_space<vmem>>, vector<1x64x256xf32>
    %swap3A_204 = vector.shape_cast %swap3A_203 : vector<1x64x256xf32> to vector<64x256xf32>
    %swap3A_205 = vector.shape_cast %slice3A_199 : vector<64x256xf32> to vector<1x64x256xf32>
    tpu.vector_store %arg4[%swap3A_200, %swap3A_201, %swap3A_202], %swap3A_205 {strides = array<i32>} : memref<1x64x8192xf32, #tpu.memory_space<vmem>>, vector<1x64x256xf32>,
    %get3A_206 = arith.constant 0 : index
    %get3A_207 = arith.constant 10 : index
    %get3A_208 = arith.constant 0 : index
    %get3A_209 = arith.constant 0 : index
    %get3A_210 = vector.load %arg2[%get3A_206, %get3A_207, %get3A_208, %get3A_209] : memref<1x16x256x128xf32, #tpu.memory_space<vmem>>, vector<1x1x256x128xf32>
    %get3A_211 = vector.shape_cast %get3A_210 : vector<1x1x256x128xf32> to vector<256x128xf32>
    %transpose3A_212 = tpu.transpose %get3A_211, [1, 0] : vector<256x128xf32> -> vector<128x256xf32>
    %slice3A_213 = vector.extract_strided_slice %transpose3A_212 {offsets = [0, 0], sizes = [64, 256], strides = [1, 1]} : vector<128x256xf32> to vector<64x256xf32>
    %swap3A_214 = arith.constant 0 : index
    %swap3A_215 = arith.constant 0 : index
    %swap3A_216 = arith.constant 5120 : index
    %swap3A_217 = vector.load %arg4[%swap3A_214, %swap3A_215, %swap3A_216] : memref<1x64x8192xf32, #tpu.memory_space<vmem>>, vector<1x64x256xf32>
    %swap3A_218 = vector.shape_cast %swap3A_217 : vector<1x64x256xf32> to vector<64x256xf32>
    %swap3A_219 = vector.shape_cast %slice3A_213 : vector<64x256xf32> to vector<1x64x256xf32>
    tpu.vector_store %arg4[%swap3A_214, %swap3A_215, %swap3A_216], %swap3A_219 {strides = array<i32>} : memref<1x64x8192xf32, #tpu.memory_space<vmem>>, vector<1x64x256xf32>,
    %slice3A_220 = vector.extract_strided_slice %transpose3A_212 {offsets = [64, 0], sizes = [64, 256], strides = [1, 1]} : vector<128x256xf32> to vector<64x256xf32>
    %swap3A_221 = arith.constant 0 : index
    %swap3A_222 = arith.constant 0 : index
    %swap3A_223 = arith.constant 5376 : index
    %swap3A_224 = vector.load %arg4[%swap3A_221, %swap3A_222, %swap3A_223] : memref<1x64x8192xf32, #tpu.memory_space<vmem>>, vector<1x64x256xf32>
    %swap3A_225 = vector.shape_cast %swap3A_224 : vector<1x64x256xf32> to vector<64x256xf32>
    %swap3A_226 = vector.shape_cast %slice3A_220 : vector<64x256xf32> to vector<1x64x256xf32>
    tpu.vector_store %arg4[%swap3A_221, %swap3A_222, %swap3A_223], %swap3A_226 {strides = array<i32>} : memref<1x64x8192xf32, #tpu.memory_space<vmem>>, vector<1x64x256xf32>,
    %get3A_227 = arith.constant 0 : index
    %get3A_228 = arith.constant 11 : index
    %get3A_229 = arith.constant 0 : index
    %get3A_230 = arith.constant 0 : index
    %get3A_231 = vector.load %arg2[%get3A_227, %get3A_228, %get3A_229, %get3A_230] : memref<1x16x256x128xf32, #tpu.memory_space<vmem>>, vector<1x1x256x128xf32>
    %get3A_232 = vector.shape_cast %get3A_231 : vector<1x1x256x128xf32> to vector<256x128xf32>
    %transpose3A_233 = tpu.transpose %get3A_232, [1, 0] : vector<256x128xf32> -> vector<128x256xf32>
    %slice3A_234 = vector.extract_strided_slice %transpose3A_233 {offsets = [0, 0], sizes = [64, 256], strides = [1, 1]} : vector<128x256xf32> to vector<64x256xf32>
    %swap3A_235 = arith.constant 0 : index
    %swap3A_236 = arith.constant 0 : index
    %swap3A_237 = arith.constant 5632 : index
    %swap3A_238 = vector.load %arg4[%swap3A_235, %swap3A_236, %swap3A_237] : memref<1x64x8192xf32, #tpu.memory_space<vmem>>, vector<1x64x256xf32>
    %swap3A_239 = vector.shape_cast %swap3A_238 : vector<1x64x256xf32> to vector<64x256xf32>
    %swap3A_240 = vector.shape_cast %slice3A_234 : vector<64x256xf32> to vector<1x64x256xf32>
    tpu.vector_store %arg4[%swap3A_235, %swap3A_236, %swap3A_237], %swap3A_240 {strides = array<i32>} : memref<1x64x8192xf32, #tpu.memory_space<vmem>>, vector<1x64x256xf32>,
    %slice3A_241 = vector.extract_strided_slice %transpose3A_233 {offsets = [64, 0], sizes = [64, 256], strides = [1, 1]} : vector<128x256xf32> to vector<64x256xf32>
    %swap3A_242 = arith.constant 0 : index
    %swap3A_243 = arith.constant 0 : index
    %swap3A_244 = arith.constant 5888 : index
    %swap3A_245 = vector.load %arg4[%swap3A_242, %swap3A_243, %swap3A_244] : memref<1x64x8192xf32, #tpu.memory_space<vmem>>, vector<1x64x256xf32>
    %swap3A_246 = vector.shape_cast %swap3A_245 : vector<1x64x256xf32> to vector<64x256xf32>
    %swap3A_247 = vector.shape_cast %slice3A_241 : vector<64x256xf32> to vector<1x64x256xf32>
    tpu.vector_store %arg4[%swap3A_242, %swap3A_243, %swap3A_244], %swap3A_247 {strides = array<i32>} : memref<1x64x8192xf32, #tpu.memory_space<vmem>>, vector<1x64x256xf32>,
    %get3A_248 = arith.constant 0 : index
    %get3A_249 = arith.constant 12 : index
    %get3A_250 = arith.constant 0 : index
    %get3A_251 = arith.constant 0 : index
    %get3A_252 = vector.load %arg2[%get3A_248, %get3A_249, %get3A_250, %get3A_251] : memref<1x16x256x128xf32, #tpu.memory_space<vmem>>, vector<1x1x256x128xf32>
    %get3A_253 = vector.shape_cast %get3A_252 : vector<1x1x256x128xf32> to vector<256x128xf32>
    %transpose3A_254 = tpu.transpose %get3A_253, [1, 0] : vector<256x128xf32> -> vector<128x256xf32>
    %slice3A_255 = vector.extract_strided_slice %transpose3A_254 {offsets = [0, 0], sizes = [64, 256], strides = [1, 1]} : vector<128x256xf32> to vector<64x256xf32>
    %swap3A_256 = arith.constant 0 : index
    %swap3A_257 = arith.constant 0 : index
    %swap3A_258 = arith.constant 6144 : index
    %swap3A_259 = vector.load %arg4[%swap3A_256, %swap3A_257, %swap3A_258] : memref<1x64x8192xf32, #tpu.memory_space<vmem>>, vector<1x64x256xf32>
    %swap3A_260 = vector.shape_cast %swap3A_259 : vector<1x64x256xf32> to vector<64x256xf32>
    %swap3A_261 = vector.shape_cast %slice3A_255 : vector<64x256xf32> to vector<1x64x256xf32>
    tpu.vector_store %arg4[%swap3A_256, %swap3A_257, %swap3A_258], %swap3A_261 {strides = array<i32>} : memref<1x64x8192xf32, #tpu.memory_space<vmem>>, vector<1x64x256xf32>,
    %slice3A_262 = vector.extract_strided_slice %transpose3A_254 {offsets = [64, 0], sizes = [64, 256], strides = [1, 1]} : vector<128x256xf32> to vector<64x256xf32>
    %swap3A_263 = arith.constant 0 : index
    %swap3A_264 = arith.constant 0 : index
    %swap3A_265 = arith.constant 6400 : index
    %swap3A_266 = vector.load %arg4[%swap3A_263, %swap3A_264, %swap3A_265] : memref<1x64x8192xf32, #tpu.memory_space<vmem>>, vector<1x64x256xf32>
    %swap3A_267 = vector.shape_cast %swap3A_266 : vector<1x64x256xf32> to vector<64x256xf32>
    %swap3A_268 = vector.shape_cast %slice3A_262 : vector<64x256xf32> to vector<1x64x256xf32>
    tpu.vector_store %arg4[%swap3A_263, %swap3A_264, %swap3A_265], %swap3A_268 {strides = array<i32>} : memref<1x64x8192xf32, #tpu.memory_space<vmem>>, vector<1x64x256xf32>,
    %get3A_269 = arith.constant 0 : index
    %get3A_270 = arith.constant 13 : index
    %get3A_271 = arith.constant 0 : index
    %get3A_272 = arith.constant 0 : index
    %get3A_273 = vector.load %arg2[%get3A_269, %get3A_270, %get3A_271, %get3A_272] : memref<1x16x256x128xf32, #tpu.memory_space<vmem>>, vector<1x1x256x128xf32>
    %get3A_274 = vector.shape_cast %get3A_273 : vector<1x1x256x128xf32> to vector<256x128xf32>
    %transpose3A_275 = tpu.transpose %get3A_274, [1, 0] : vector<256x128xf32> -> vector<128x256xf32>
    %slice3A_276 = vector.extract_strided_slice %transpose3A_275 {offsets = [0, 0], sizes = [64, 256], strides = [1, 1]} : vector<128x256xf32> to vector<64x256xf32>
    %swap3A_277 = arith.constant 0 : index
    %swap3A_278 = arith.constant 0 : index
    %swap3A_279 = arith.constant 6656 : index
    %swap3A_280 = vector.load %arg4[%swap3A_277, %swap3A_278, %swap3A_279] : memref<1x64x8192xf32, #tpu.memory_space<vmem>>, vector<1x64x256xf32>
    %swap3A_281 = vector.shape_cast %swap3A_280 : vector<1x64x256xf32> to vector<64x256xf32>
    %swap3A_282 = vector.shape_cast %slice3A_276 : vector<64x256xf32> to vector<1x64x256xf32>
    tpu.vector_store %arg4[%swap3A_277, %swap3A_278, %swap3A_279], %swap3A_282 {strides = array<i32>} : memref<1x64x8192xf32, #tpu.memory_space<vmem>>, vector<1x64x256xf32>,
    %slice3A_283 = vector.extract_strided_slice %transpose3A_275 {offsets = [64, 0], sizes = [64, 256], strides = [1, 1]} : vector<128x256xf32> to vector<64x256xf32>
    %swap3A_284 = arith.constant 0 : index
    %swap3A_285 = arith.constant 0 : index
    %swap3A_286 = arith.constant 6912 : index
    %swap3A_287 = vector.load %arg4[%swap3A_284, %swap3A_285, %swap3A_286] : memref<1x64x8192xf32, #tpu.memory_space<vmem>>, vector<1x64x256xf32>
    %swap3A_288 = vector.shape_cast %swap3A_287 : vector<1x64x256xf32> to vector<64x256xf32>
    %swap3A_289 = vector.shape_cast %slice3A_283 : vector<64x256xf32> to vector<1x64x256xf32>
    tpu.vector_store %arg4[%swap3A_284, %swap3A_285, %swap3A_286], %swap3A_289 {strides = array<i32>} : memref<1x64x8192xf32, #tpu.memory_space<vmem>>, vector<1x64x256xf32>,
    %get3A_290 = arith.constant 0 : index
    %get3A_291 = arith.constant 14 : index
    %get3A_292 = arith.constant 0 : index
    %get3A_293 = arith.constant 0 : index
    %get3A_294 = vector.load %arg2[%get3A_290, %get3A_291, %get3A_292, %get3A_293] : memref<1x16x256x128xf32, #tpu.memory_space<vmem>>, vector<1x1x256x128xf32>
    %get3A_295 = vector.shape_cast %get3A_294 : vector<1x1x256x128xf32> to vector<256x128xf32>
    %transpose3A_296 = tpu.transpose %get3A_295, [1, 0] : vector<256x128xf32> -> vector<128x256xf32>
    %slice3A_297 = vector.extract_strided_slice %transpose3A_296 {offsets = [0, 0], sizes = [64, 256], strides = [1, 1]} : vector<128x256xf32> to vector<64x256xf32>
    %swap3A_298 = arith.constant 0 : index
    %swap3A_299 = arith.constant 0 : index
    %swap3A_300 = arith.constant 7168 : index
    %swap3A_301 = vector.load %arg4[%swap3A_298, %swap3A_299, %swap3A_300] : memref<1x64x8192xf32, #tpu.memory_space<vmem>>, vector<1x64x256xf32>
    %swap3A_302 = vector.shape_cast %swap3A_301 : vector<1x64x256xf32> to vector<64x256xf32>
    %swap3A_303 = vector.shape_cast %slice3A_297 : vector<64x256xf32> to vector<1x64x256xf32>
    tpu.vector_store %arg4[%swap3A_298, %swap3A_299, %swap3A_300], %swap3A_303 {strides = array<i32>} : memref<1x64x8192xf32, #tpu.memory_space<vmem>>, vector<1x64x256xf32>,
    %slice3A_304 = vector.extract_strided_slice %transpose3A_296 {offsets = [64, 0], sizes = [64, 256], strides = [1, 1]} : vector<128x256xf32> to vector<64x256xf32>
    %swap3A_305 = arith.constant 0 : index
    %swap3A_306 = arith.constant 0 : index
    %swap3A_307 = arith.constant 7424 : index
    %swap3A_308 = vector.load %arg4[%swap3A_305, %swap3A_306, %swap3A_307] : memref<1x64x8192xf32, #tpu.memory_space<vmem>>, vector<1x64x256xf32>
    %swap3A_309 = vector.shape_cast %swap3A_308 : vector<1x64x256xf32> to vector<64x256xf32>
    %swap3A_310 = vector.shape_cast %slice3A_304 : vector<64x256xf32> to vector<1x64x256xf32>
    tpu.vector_store %arg4[%swap3A_305, %swap3A_306, %swap3A_307], %swap3A_310 {strides = array<i32>} : memref<1x64x8192xf32, #tpu.memory_space<vmem>>, vector<1x64x256xf32>,
    %get3A_311 = arith.constant 0 : index
    %get3A_312 = arith.constant 15 : index
    %get3A_313 = arith.constant 0 : index
    %get3A_314 = arith.constant 0 : index
    %get3A_315 = vector.load %arg2[%get3A_311, %get3A_312, %get3A_313, %get3A_314] : memref<1x16x256x128xf32, #tpu.memory_space<vmem>>, vector<1x1x256x128xf32>
    %get3A_316 = vector.shape_cast %get3A_315 : vector<1x1x256x128xf32> to vector<256x128xf32>
    %transpose3A_317 = tpu.transpose %get3A_316, [1, 0] : vector<256x128xf32> -> vector<128x256xf32>
    %slice3A_318 = vector.extract_strided_slice %transpose3A_317 {offsets = [0, 0], sizes = [64, 256], strides = [1, 1]} : vector<128x256xf32> to vector<64x256xf32>
    %swap3A_319 = arith.constant 0 : index
    %swap3A_320 = arith.constant 0 : index
    %swap3A_321 = arith.constant 7680 : index
    %swap3A_322 = vector.load %arg4[%swap3A_319, %swap3A_320, %swap3A_321] : memref<1x64x8192xf32, #tpu.memory_space<vmem>>, vector<1x64x256xf32>
    %swap3A_323 = vector.shape_cast %swap3A_322 : vector<1x64x256xf32> to vector<64x256xf32>
    %swap3A_324 = vector.shape_cast %slice3A_318 : vector<64x256xf32> to vector<1x64x256xf32>
    tpu.vector_store %arg4[%swap3A_319, %swap3A_320, %swap3A_321], %swap3A_324 {strides = array<i32>} : memref<1x64x8192xf32, #tpu.memory_space<vmem>>, vector<1x64x256xf32>,
    %slice3A_325 = vector.extract_strided_slice %transpose3A_317 {offsets = [64, 0], sizes = [64, 256], strides = [1, 1]} : vector<128x256xf32> to vector<64x256xf32>
    %swap3A_326 = arith.constant 0 : index
    %swap3A_327 = arith.constant 0 : index
    %swap3A_328 = arith.constant 7936 : index
    %swap3A_329 = vector.load %arg4[%swap3A_326, %swap3A_327, %swap3A_328] : memref<1x64x8192xf32, #tpu.memory_space<vmem>>, vector<1x64x256xf32>
    %swap3A_330 = vector.shape_cast %swap3A_329 : vector<1x64x256xf32> to vector<64x256xf32>
    %swap3A_331 = vector.shape_cast %slice3A_325 : vector<64x256xf32> to vector<1x64x256xf32>
    tpu.vector_store %arg4[%swap3A_326, %swap3A_327, %swap3A_328], %swap3A_331 {strides = array<i32>} : memref<1x64x8192xf32, #tpu.memory_space<vmem>>, vector<1x64x256xf32>,
    return
  }
  func.func @transform_0(%arg0: i32, %arg1: i32) -> (i32, i32, i32, i32) {
    %c0_i32 = arith.constant 0 : i32
    %c0_i32_0 = arith.constant 0 : i32
    %c0_i32_1 = arith.constant 0 : i32
    return %arg0, %arg1, %c0_i32, %c0_i32_0 : i32, i32, i32, i32
  }
  func.func @transform_2(%arg0: i32, %arg1: i32) -> (i32, i32, i32) {
    %add3A = arith.constant 38 : i32
    %add3A_0 = arith.addi %add3A, %arg0 : i32
    %c0_i32 = arith.constant 0 : i32
    %c0_i32_1 = arith.constant 0 : i32
    return %add3A_0, %c0_i32, %arg1 : i32, i32, i32
  }
}

</mosaic_0001>

<sc_bundles>
// kernel: kernel.11.cloned.1.call-start
scs
__scs_entry_jumppad:
0x0: {  	(pc) =	sbr.rel $0x88, $3  }
0x1: {  	(tag) =	ssettag $0x0;
	lr =	simm.s32 $0x1  }
0x2: {  	[smem:$0x3F9D] =	sst lr;
	_ =	strace $0xD0000000  }
0x3: {  	_ = 	snop  }
0x4: {  	_ = 	snop  }
0x5: {  	_ = 	snop  }
0x6: {  	_ = 	snop  }
0x7: {  	_ = 	snop  }
__scs_overlays_trampoline_lowered:
0x8: {  	[smem:$0x3FAC] =	sst s0  }
0x9: {  	[smem:$0x3FAD] =	sst s1  }
0xa: {  	[smem:$0x3FAE] =	sst s2  }
0xb: {  	[smem:$0x3FAF] =	sst s3  }
0xc: {  	[smem:$0x3FB0] =	sst s4  }
0xd: {  	[smem:$0x3FB1] =	sst s5  }
0xe: {  	[smem:$0x3FB2] =	sst s6  }
0xf: {  	[smem:$0x3FB3] =	sst s7  }
0x10: {  	[smem:$0x3FB4] =	sst s8  }
0x11: {  	[smem:$0x3FB5] =	sst s9;
	s0 =	simm.s32 @!p0 $0x0  }
0x12: {  	s1 =	sld [smem:$0x3F9B];
	s0 =	simm.s32 @p0 $0x1  }
0x13: {  	[smem:$0x3FB6] =	sst s0;
	s0 =	simm.s32 @!p1 $0x0  }
0x14: {  	s2 =	sld [smem:$0x3F9A];
	s0 =	simm.s32 @p1 $0x1  }
0x15: {  	[smem:$0x3FB7] =	sst s0;
	s0 =	simm.s32 @!p2 $0x0  }
0x16: {  	s3 =	sld [smem:$0x3FDB];
	s0 =	simm.s32 @p2 $0x1  }
0x17: {  	s4 =	simm.s32 $0x1BF5;
	[smem:$0x3FB9] =	sst s0  }
0x18: {  	s0 =	sld [smem:$0x3F9C];
	_ =	swait.ge [sflag:s4], $0x0  }
0x19: {  	s7 =	sld [smem:$0x3F9D]  }
0x1a: {  	s8 =	sadd.s32 $0xFFFFE003, lr  }
0x1b: {  	s9 =	sadd.s32 $0xFFFFFEF7, lr;
	s5 =	simm.s32 $0xFFFFFFFF;
	p2 =	slt.u32 s8, $0xFFFFF086  }
0x1c: {  	p1 =	slt.u32 s9, $0xF7A;
	s5 =	simm.s32 @!p2 $0x0  }
0x1d: {  	s5 =	simm.s32 @p1 $0x1;
	p0 =	seq.s32 s7, s2  }
0x1e: {  	s7 =	smul.u32 @!p0 $0xF7A, s2;
	p2 =	seq.s32 @!p0 s5, $0x0  }
0x1f: {  	s9 =	smul.u32 $0xF7A, s1;
	s8 =	simm.s32 @!p0 $0x1BF5;
	p2 =	por !p2, p0  }
0x20: {  	[sflag:s8] =	ssyncset.s32 @!p0 $0xFFFFF086;
	s6 =	sadd.s32 @!p0 s3, s7;
	s7 =	simm.s32 @!p0 $0x108  }
0x21: {  	s3 =	sadd.s32 s3, s9;
	s6 =	sadd.s32 @!p0 $0x88, s6;
	s7 =	simm.s32 @p2 $0x1082  }
0x22: {  	[simem:s7], [sflag:s8] =	dma.local @!p0 [hbm:s6], $0xF7A  }
0x23: {  	s9 =	sor.u32 $0xD0000000, s2;
	s6 =	simm.s32 $0x108;
	_ =	swait.ge @!p0 [sflag:s8], $0x0  }
0x24: {  	s3 =	sadd.s32 $0x88, s3;
	s6 =	simm.s32 @!p1 $0x1082;
	[sflag:s4] =	ssyncset.s32 $0xFFFFF086  }
0x25: {  	[simem:s6], [sflag:s4] =	dma.local [hbm:s3], $0xF7A  }
0x26: {  	[smem:$0x3F9D] =	sst s1;
	(tag) =	ssettag s2;
	_ =	strace s9  }
0x27: {  	s1 =	sld [smem:$0x3FAD]  }
0x28: {  	s2 =	sld [smem:$0x3FAE]  }
0x29: {  	s4 =	sld [smem:$0x3FB0]  }
0x2a: {  	p0 =	seq.s32 s5, $0x0;
	s5 =	sld [smem:$0x3FB1]  }
0x2b: {  	s6 =	sld [smem:$0x3FB2]  }
0x2c: {  	s7 =	sld [smem:$0x3FB3]  }
0x2d: {  	s3 =	simm.s32 $0x108;
	s8 =	sld [smem:$0x3FB4]  }
0x2e: {  	s3 =	simm.s32 @!p0 $0x1082;
	s9 =	sld [smem:$0x3FB5]  }
0x2f: {  	lr =	sadd.s32 s0, s3;
	s0 =	sld [smem:$0x3FAC]  }
0x30: {  	s3 =	sld [smem:$0x3FAF]  }
0x31: {  	[smem:$0x3FB8] =	sst s10  }
0x32: {  	s10 =	sld [smem:$0x3FB6];
	_ =	sdelay $0x3  }
0x33: {  	p0 =	seq.s32 s10, $0x1;
	s10 =	sld [smem:$0x3FB8];
	_ =	sdelay $0x3  }
0x34: {  	[smem:$0x3FB8] =	sst s10  }
0x35: {  	s10 =	sld [smem:$0x3FB7];
	_ =	sdelay $0x3  }
0x36: {  	p1 =	seq.s32 s10, $0x1;
	s10 =	sld [smem:$0x3FB8];
	_ =	sdelay $0x3  }
0x37: {  	[smem:$0x3FB8] =	sst s10  }
0x38: {  	s10 =	sld [smem:$0x3FB9]  }
0x39: {  	_ = 	snop;
	(pc) =	sbr.ind lr, $3  }
0x3a: {  	_ = 	snop  }
0x3b: {  	_ = 	snop  }
0x3c: {  	p2 =	seq.s32 s10, $0x1;
	s10 =	sld [smem:$0x3FB8]  }
0x3d: {  	_ =	shalt  }
0x3e: {  	_ =	shalt  }
0x3f: {  	_ =	shalt  }
0x40: {  	_ =	shalt  }
0x41: {  	_ =	shalt  }
0x42: {  	_ =	shalt  }
0x43: {  	_ =	shalt  }
0x44: {  	_ =	shalt  }
0x45: {  	_ =	shalt  }
0x46: {  	_ =	shalt  }
0x47: {  	_ =	shalt  }
0x48: {  	_ =	shalt  }
0x49: {  	_ =	shalt  }
0x4a: {  	_ =	shalt  }
0x4b: {  	_ =	shalt  }
0x4c: {  	_ =	shalt  }
0x4d: {  	_ =	shalt  }
0x4e: {  	_ =	shalt  }
0x4f: {  	_ =	shalt  }
0x50: {  	_ =	shalt  }
0x51: {  	_ =	shalt  }
0x52: {  	_ =	shalt  }
0x53: {  	_ =	shalt  }
0x54: {  	_ =	shalt  }
0x55: {  	_ =	shalt  }
0x56: {  	_ =	shalt  }
0x57: {  	_ =	shalt  }
0x58: {  	_ =	shalt  }
0x59: {  	_ =	shalt  }
0x5a: {  	_ =	shalt  }
0x5b: {  	_ =	shalt  }
0x5c: {  	_ =	shalt  }
0x5d: {  	_ =	shalt  }
0x5e: {  	_ =	shalt  }
0x5f: {  	_ =	shalt  }
0x60: {  	_ =	shalt  }
0x61: {  	_ =	shalt  }
0x62: {  	_ =	shalt  }
0x63: {  	_ =	shalt  }
0x64: {  	_ =	shalt  }
0x65: {  	_ =	shalt  }
0x66: {  	_ =	shalt  }
0x67: {  	_ =	shalt  }
0x68: {  	_ =	shalt  }
0x69: {  	_ =	shalt  }
0x6a: {  	_ =	shalt  }
0x6b: {  	_ =	shalt  }
0x6c: {  	_ =	shalt  }
0x6d: {  	_ =	shalt  }
0x6e: {  	_ =	shalt  }
0x6f: {  	_ =	shalt  }
0x70: {  	_ =	shalt  }
0x71: {  	_ =	shalt  }
0x72: {  	_ =	shalt  }
0x73: {  	_ =	shalt  }
0x74: {  	_ =	shalt  }
0x75: {  	_ =	shalt  }
0x76: {  	_ =	shalt  }
0x77: {  	_ =	shalt  }
0x78: {  	_ =	shalt  }
0x79: {  	_ =	shalt  }
0x7a: {  	_ =	shalt  }
0x7b: {  	_ =	shalt  }
0x7c: {  	_ =	shalt  }
0x7d: {  	_ =	shalt  }
0x7e: {  	_ =	shalt  }
0x7f: {  	_ =	shalt  }
0x80: {  	_ =	shalt  }
0x81: {  	_ =	shalt  }
0x82: {  	_ =	shalt  }
0x83: {  	_ =	shalt  }
0x84: {  	_ =	shalt  }
0x85: {  	_ =	shalt  }
0x86: {  	_ =	shalt  }
0x87: {  	_ =	shalt  }
.Lfunc_end0:
.L_simem_size_0:
called_computation_lowered:
.L_overlay_start_0:
0x88: {  	s2 =	sld [smem:$0x3FD9]  }
0x89: {  	s3 =	sld [smem:$0x3FFE];
	_ =	sdelay $0x1  }
0x8a: {  	s1 =	srdreg.scid  }
0x8b: {  	s0 =	sand.u32 $0x1, s1  }
0x8c: {  	s16 =	sshll.u32 s0, $0xA;
	s2 =	sadd.s32 s3, s2  }
0x8d: {  	s2 =	sadd.s32 s2, s16  }
0x8e: {  	[smem:$0x3FC4] =	sst s2  }
0x8f: {  	_ = 	snop  }
0x90: {  	(tm) =	ssettm $0x1  }
0x91: {  	s17 =	sld [smem:$0x3FFB];
	_ =	sdelay $0x3  }
0x92: {  	_ =	strace s17  }
0x93: {  	s2 =	sld [smem:$0x3FFC];
	_ =	sdelay $0x3  }
0x94: {  	_ =	strace s2  }
0x95: {  	s2 =	sld [smem:$0x3FFD];
	_ =	sdelay $0x3  }
0x96: {  	_ =	strace s2  }
0x97: {  	_ =	strace $0x8FFFFFFF  }
0x98: {  	s18 =	sld [smem:$0x3FDB];
	_ =	sdelay $0x1  }
0x99: {  	s19 =	simm.s32 $_scs_section_size  }
0x9a: {  	s4 =	simm.s32 $_size__tile_overlayer_lowered;
	s5 =	simm.s32 $_tile_overlayer_lowered  }
0x9b: {  	s22 =	simm.s32 $0x1BFF;
	s21 =	sshll.u32 s5, $0x1;
	s2 =	sadd.s32 s19, s18  }
0x9c: {  	s6 =	simm.s32 $0x0;
	s20 =	sshll.u32 s4, $0x1;
	s4 =	sadd.s32 s21, s2  }
0x9d: {  	[timem:s6], [sflag:s22] =	dma.local [hbm:s4], s20  }
0x9e: {  	_ =	swait.ge [sflag:s22], s20  }
0x9f: {  	s3 =	ssub.s32 $0x0, s20;
	[sflag:s22] =	ssyncset.done $0x0  }
0xa0: {  	[sflag:s22] =	ssyncadd.s32 s3;
	_ =	sdelay $0x1  }
0xa1: {  	s23 =	simm.s32 $0x1B8B  }
0xa2: {  	_ =	swait.ge [sflag:s23], $0x1  }
0xa3: {  	[sflag:s23] =	ssyncset.done $0x0  }
0xa4: {  	s25 =	simm.s32 $0x1B8E;
	s24 =	sld [smem:$0x3FFE];
	[sflag:s23] =	ssyncadd.s32 $0xFFFFFFFF  }
0xa5: {  	s26 =	simm.s32 $execute0_lowered;
	[smem:$0x3FD2] =	sst s25  }
0xa6: {  	s4 =	sshll.u32 s26, $0x1;
	_ =	strace $0x80000046;
	[dreg:$0x1] =	wrdreg $0xFFFFFFFF  }
0xa7: {  	s28 =	simm.s32 $_size_execute0_lowered;
	s2 =	sadd.s32 s2, s4;
	[dreg:$0x0] =	wrdreg $0x0  }
0xa8: {  	s4 =	sshll.u32 s28, $0x1;
	[dreg:$0x2] =	wrdreg s2  }
0xa9: {  	[dreg:$0x3] =	wrdreg s4  }
0xaa: {  	[dreg:$0x4] =	wrdreg $0xC0  }
0xab: {  	_ =	task [dreg:s6], $0x5FFFF  }
0xac: {  	[dreg:$0x1] =	wrdreg $0xFFFFFFFF  }
0xad: {  	[dreg:$0x0] =	wrdreg $0x60  }
0xae: {  	[dreg:$0x2] =	wrdreg s24  }
0xaf: {  	[dreg:$0x3] =	wrdreg $0x9  }
0xb0: {  	_ =	task.clear_ibuf [dreg:s6], $0x4FFFF;
	_ =	strace $0x90000046  }
0xb1: {  	s29 =	simm.s32 $0x9;
	_ =	strace $0x80000048  }
0xb2: {  	_ =	swait.ge [sflag:s29], $0x1  }
0xb3: {  	[sflag:s29] =	ssyncadd.s32 $0xFFFFFFFF  }
0xb4: {  	_ =	strace $0x90000048  }
0xb5: {  	_ =	sfence  }
0xb6: {  	s30 =	sld [smem:$0x0];
	_ =	sdelay $0x2  }
0xb7: {  	s31 =	sshll.u32 s1, $0xD;
	s1 =	sshrl.u32 s1, $0x2  }
0xb8: {  	s3 =	sand.u32 $0x4000, s31;
	s1 =	sadd.s32 s1, s30  }
0xb9: {  	s0 =	sor.u32 s3, s0;
	s1 =	sshll.u32 s1, $0x11  }
0xba: {  	s0 =	sor.u32 s1, s0  }
0xbb: {  	s0 =	sadd.s32 $0x8F2B, s0  }
0xbc: {  	[sflag:s0] =	ssyncadd.remote.s32 $0x1  }
0xbd: {  	_ =	sfence.sel $0xFFFF  }
0xbe: {  	[dreg:$0x0] =	wrdreg $0xFFFFFFFF;
	(pc) =	sbr.abs _section_cstart, $3  }
0xbf: {  	[dreg:$0x1] =	wrdreg $0xFFFFFFFF  }
0xc0: {  	_ =	task.clear_ibuf [dreg:s6], $0x2FFFF;
	_ =	strace $0x9FFFFFFF  }
0xc1: {  	(tm) =	ssettm $0x7FFFFFFF  }
tec
execute0_lowered:
.L_overlay_start_1:
0x0: {  	(tag) =	ssettag $0x1  }
0x1: {  	s4 =	rddreg [dreg:$0x0]  }
0x2: {  	s0 =	rddreg [dreg:$0x1];
	s1 =	simm.s32 $0x0  }
0x3: {  	s5 =	srdreg.scid;
	s2 =	stileid.u32;
	s9 =	simm.s32 $0x200  }
0x4: {  	s10 =	simm.s32 $0x2200;
	s11 =	simm.s32 $0x100;
	s12 =	simm.s32 $0x4200  }
0x5: {  	s13 =	simm.s32 $0x180;
	s14 =	simm.s32 $0x6200;
	s15 =	simm.s32 $0x1  }
0x6: {  	s16 =	simm.s32 $0x0;
	[smem:$0x7FF] =	sst s1;
	s3 =	sadd.s32 $0x1A200, s4  }
0x7: {  	s5 =	sand.u32 $0x1, s5;
	s6 =	sshll.u32 s2, $0x7;
	s7 =	sshll.u32 s2, $0xD  }
0x8: {  	_ =	strace $0x80000047;
	s8 =	ssub.s32 $0x2, s5;
	s6 =	sadd.s32 s6, s4  }
0x9: {  	s7 =	sadd.s32 s7, s4;
	s31 =	sshll.u32 s5, $0xC;
	s5 =	sshll.u32 s5, $0x6  }
0xa: {  	s30 =	sshrl.u32 s8, $0x1;
	s7 =	sadd.s32 s31, s7;
	s6 =	sadd.s32 s5, s6  }
0xb: {  	s4 =	ssub.s32 s8, s30;
	s5 =	sadd.s32 $0x81A200, s7;
	s6 =	sadd.s32 $0x1200, s6  }
0xc: {  	s7 =	simm.s32 $0x2;
	s8 =	simm.s32 $0x80;
	s4 =	smax.u32 s4, $0x1  }
.LBB2_1:
0xd: {  	s17 =	sadd.s32 $0x0, s6  }
0xe: {  	[tilespmem:s1], [sflag:$0x2] =	stream.linear.gather [hbm4b:s17+s1], $0x200, $0x38;
	[tilespmem:$0x8200] =	vst v63  }
0xf: {  	_ =	swait.ge [sflag:s7], $0x200  }
0x10: {  	[sflag:s7] =	ssyncset.done $0x0  }
0x11: {  	[sflag:s7] =	ssyncadd.s32 $0xFFFFFE00  }
0x12: {  	[tilespmem:s9], [sflag:$0x1] =	stream.indirect.gather [hbm4b:s3+s8], $0x40, s1, s8, $0xb8;
	[tilespmem:$0x8200] =	vst v63  }
0x13: {  	_ = 	snop  }
0x14: {  	[tilespmem:s10], [sflag:$0x1] =	stream.indirect.gather [hbm4b:s3+s8], $0x40, s8, s8, $0xb8;
	[tilespmem:$0x8200] =	vst v63  }
0x15: {  	_ = 	snop  }
0x16: {  	[tilespmem:s12], [sflag:$0x1] =	stream.indirect.gather [hbm4b:s3+s8], $0x40, s11, s8, $0xb8;
	[tilespmem:$0x8200] =	vst v63  }
0x17: {  	_ = 	snop  }
0x18: {  	[tilespmem:s14], [sflag:$0x1] =	stream.indirect.gather [hbm4b:s3+s8], $0x40, s13, s8, $0xb8;
	[tilespmem:$0x8200] =	vst v63  }
0x19: {  	_ =	swait.ge [sflag:s15], $0x2000  }
0x1a: {  	[sflag:s15] =	ssyncset.done $0x0  }
0x1b: {  	[sflag:s15] =	ssyncadd.s32 $0xFFFFE000  }
0x1c: {  	_ =	swait.ge [sflag:s15], $0x2000  }
0x1d: {  	[sflag:s15] =	ssyncset.done $0x0  }
0x1e: {  	[sflag:s15] =	ssyncadd.s32 $0xFFFFE000  }
0x1f: {  	_ =	swait.ge [sflag:s15], $0x2000  }
0x20: {  	[sflag:s15] =	ssyncset.done $0x0  }
0x21: {  	[sflag:s15] =	ssyncadd.s32 $0xFFFFE000  }
0x22: {  	_ =	swait.ge [sflag:s15], $0x2000  }
0x23: {  	[sflag:s15] =	ssyncset.done $0x0  }
0x24: {  	[sflag:s15] =	ssyncadd.s32 $0xFFFFE000  }
0x25: {  	[hbm4b:s5+s1] =	stream.linear.scatter [tilespmem:s9], [sflag:$0x2], $0x8000, $0x38;
	[tilespmem:$0x8200] =	vst v63  }
0x26: {  	s18 =	simm.s32 $0x800;
	_ =	swait.ge [sflag:s7], $0x8000  }
0x27: {  	s19 =	simm.s32 $0x1000;
	s17 =	sadd.s32 $0x20000, s5;
	[sflag:s7] =	ssyncset.done $0x0  }
.LBB2_2:
0x28: {  	s20 =	sadd.s32 s18, s6  }
0x29: {  	[sflag:s7] =	ssyncadd.s32 $0xFFFF8000;
	s18 =	smov.u32 s19;
	s21 =	sadd.s32 $0x800, s19  }
0x2a: {  	[tilespmem:s1], [sflag:$0x2] =	stream.linear.gather [hbm4b:s20+s1], $0x200, $0x38;
	[tilespmem:$0x8200] =	vst v63  }
0x2b: {  	p0 =	sne.s32 s19, $0x6000;
	_ =	swait.ge [sflag:s7], $0x200  }
0x2c: {  	[sflag:s7] =	ssyncset.done $0x0  }
0x2d: {  	[sflag:s7] =	ssyncadd.s32 $0xFFFFFE00  }
0x2e: {  	[tilespmem:s9], [sflag:$0x1] =	stream.indirect.gather [hbm4b:s3+s8], $0x40, s1, s8, $0xb8;
	[tilespmem:$0x8200] =	vst v63  }
0x2f: {  	_ = 	snop  }
0x30: {  	[tilespmem:s10], [sflag:$0x1] =	stream.indirect.gather [hbm4b:s3+s8], $0x40, s8, s8, $0xb8;
	[tilespmem:$0x8200] =	vst v63  }
0x31: {  	_ = 	snop  }
0x32: {  	[tilespmem:s12], [sflag:$0x1] =	stream.indirect.gather [hbm4b:s3+s8], $0x40, s11, s8, $0xb8;
	[tilespmem:$0x8200] =	vst v63  }
0x33: {  	_ = 	snop  }
0x34: {  	[tilespmem:s14], [sflag:$0x1] =	stream.indirect.gather [hbm4b:s3+s8], $0x40, s13, s8, $0xb8;
	[tilespmem:$0x8200] =	vst v63  }
0x35: {  	_ =	swait.ge [sflag:s15], $0x2000  }
0x36: {  	[sflag:s15] =	ssyncset.done $0x0  }
0x37: {  	[sflag:s15] =	ssyncadd.s32 $0xFFFFE000  }
0x38: {  	_ =	swait.ge [sflag:s15], $0x2000  }
0x39: {  	[sflag:s15] =	ssyncset.done $0x0  }
0x3a: {  	[sflag:s15] =	ssyncadd.s32 $0xFFFFE000  }
0x3b: {  	_ =	swait.ge [sflag:s15], $0x2000  }
0x3c: {  	[sflag:s15] =	ssyncset.done $0x0  }
0x3d: {  	[sflag:s15] =	ssyncadd.s32 $0xFFFFE000  }
0x3e: {  	_ =	swait.ge [sflag:s15], $0x2000  }
.Ltmp0:
0x3f: {  	[sflag:s15] =	ssyncset.done $0x0;
	(pc) =	sbr.rel @p0 .LBB2_2-.Ltmp0, $4  }
0x40: {  	[sflag:s15] =	ssyncadd.s32 $0xFFFFE000  }
0x41: {  	[hbm4b:s17+s1] =	stream.linear.scatter [tilespmem:s9], [sflag:$0x2], $0x8000, $0x38;
	[tilespmem:$0x8200] =	vst v63  }
0x42: {  	_ =	swait.ge [sflag:s7], $0x8000  }
0x43: {  	s19 =	smov.u32 s21;
	s17 =	sadd.s32 $0x20000, s17;
	[sflag:s7] =	ssyncset.done $0x0  }
0x44: {  	s18 =	sadd.s32 s18, s6;
	[sflag:s7] =	ssyncadd.s32 $0xFFFF8000  }
0x45: {  	[tilespmem:s1], [sflag:$0x2] =	stream.linear.gather [hbm4b:s18+s1], $0x200, $0x38;
	[tilespmem:$0x8200] =	vst v63  }
0x46: {  	_ =	swait.ge [sflag:s7], $0x200  }
0x47: {  	[sflag:s7] =	ssyncset.done $0x0  }
0x48: {  	[sflag:s7] =	ssyncadd.s32 $0xFFFFFE00  }
0x49: {  	[tilespmem:s9], [sflag:$0x1] =	stream.indirect.gather [hbm4b:s3+s8], $0x40, s1, s8, $0xb8;
	[tilespmem:$0x8200] =	vst v63  }
0x4a: {  	_ = 	snop  }
0x4b: {  	[tilespmem:s10], [sflag:$0x1] =	stream.indirect.gather [hbm4b:s3+s8], $0x40, s8, s8, $0xb8;
	[tilespmem:$0x8200] =	vst v63  }
0x4c: {  	_ = 	snop  }
0x4d: {  	[tilespmem:s12], [sflag:$0x1] =	stream.indirect.gather [hbm4b:s3+s8], $0x40, s11, s8, $0xb8;
	[tilespmem:$0x8200] =	vst v63  }
0x4e: {  	_ = 	snop  }
0x4f: {  	[tilespmem:s14], [sflag:$0x1] =	stream.indirect.gather [hbm4b:s3+s8], $0x40, s13, s8, $0xb8;
	[tilespmem:$0x8200] =	vst v63  }
0x50: {  	_ =	swait.ge [sflag:s15], $0x2000  }
0x51: {  	[sflag:s15] =	ssyncset.done $0x0  }
0x52: {  	[sflag:s15] =	ssyncadd.s32 $0xFFFFE000  }
0x53: {  	_ =	swait.ge [sflag:s15], $0x2000  }
0x54: {  	[sflag:s15] =	ssyncset.done $0x0  }
0x55: {  	[sflag:s15] =	ssyncadd.s32 $0xFFFFE000  }
0x56: {  	_ =	swait.ge [sflag:s15], $0x2000  }
0x57: {  	[sflag:s15] =	ssyncset.done $0x0  }
0x58: {  	[sflag:s15] =	ssyncadd.s32 $0xFFFFE000  }
0x59: {  	s16 =	sadd.s32 $0x1, s16;
	_ =	swait.ge [sflag:s15], $0x2000  }
0x5a: {  	p0 =	sne.s32 s16, s4;
	[sflag:s15] =	ssyncset.done $0x0  }
.Ltmp1:
0x5b: {  	[sflag:s15] =	ssyncadd.s32 $0xFFFFE000;
	(pc) =	sbr.rel @p0 .LBB2_1-.Ltmp1, $4  }
0x5c: {  	[hbm4b:s17+s1] =	stream.linear.scatter [tilespmem:s9], [sflag:$0x2], $0x8000, $0x38;
	[tilespmem:$0x8200] =	vst v63  }
0x5d: {  	_ =	swait.ge [sflag:s7], $0x8000  }
0x5e: {  	[sflag:s7] =	ssyncset.done $0x0  }
0x5f: {  	[sflag:s7] =	ssyncadd.s32 $0xFFFF8000  }
0x60: {  	_ =	sfence.sel $0x180000  }
0x61: {  	[bflag:$0x0] =	sbarrier.arrive $0xFFFF  }
0x62: {  	p0 =	sne.s32 s2, $0x0;
	_ =	strace $0x90000047  }
0x63: {  	s0 =	sadd.s32 @!p0 $0x100000, s0;
	[bflag:$0x2] =	sbarrier.arrive $0xFFFF  }
0x64: {  	[sflag:s0] =	ssyncadd.tile.s32 @!p0 $0x1;
	_ =	shalt  }
.Lfunc_end2:
_tile_overlayer_lowered:
.L_overlay_start_2:
0x65: {  	(tag) =	ssettag $0x2  }
0x66: {  	s0 =	rddreg [dreg:$0x0];
	s2 =	stileid.u32  }
0x67: {  	s1 =	rddreg [dreg:$0x1];
	p0 =	sne.s32 s2, $0x0  }
0x68: {  	s3 =	rddreg [dreg:$0x2];
	[bflag:$0x3] =	sbarrier.arrive $0xFFFF;
	s2 =	simm.s32 @!p0 $0x1C02  }
0x69: {  	[timem:s3], [sflag:s2] =	dma.local @!p0 [hbm:s0], s1  }
0x6a: {  	s0 =	simm.s32 @!p0 $0x2  }
0x6b: {  	_ =	swait.ge @!p0 [sflag:s0], s1  }
0x6c: {  	s1 =	ssub.s32 @!p0 $0x0, s1;
	[sflag:s0] =	ssyncset.done @!p0 $0x0  }
0x6d: {  	[sflag:s0] =	ssyncadd.s32 @!p0 s1  }
0x6e: {  	[bflag:$0x3] =	sbarrier.arrive $0xFFFF  }
0x6f: {  	_ =	shalt  }

// kernel: kernel.14.cloned.1.call-start
scs
__scs_entry_jumppad:
0x0: {  	(pc) =	sbr.rel $0x88, $3  }
0x1: {  	(tag) =	ssettag $0x0;
	lr =	simm.s32 $0x1  }
0x2: {  	[smem:$0x3F9D] =	sst lr;
	_ =	strace $0xD0000000  }
0x3: {  	_ = 	snop  }
0x4: {  	_ = 	snop  }
0x5: {  	_ = 	snop  }
0x6: {  	_ = 	snop  }
0x7: {  	_ = 	snop  }
__scs_overlays_trampoline_lowered:
0x8: {  	[smem:$0x3FAC] =	sst s0  }
0x9: {  	[smem:$0x3FAD] =	sst s1  }
0xa: {  	[smem:$0x3FAE] =	sst s2  }
0xb: {  	[smem:$0x3FAF] =	sst s3  }
0xc: {  	[smem:$0x3FB0] =	sst s4  }
0xd: {  	[smem:$0x3FB1] =	sst s5  }
0xe: {  	[smem:$0x3FB2] =	sst s6  }
0xf: {  	[smem:$0x3FB3] =	sst s7  }
0x10: {  	[smem:$0x3FB4] =	sst s8  }
0x11: {  	[smem:$0x3FB5] =	sst s9;
	s0 =	simm.s32 @!p0 $0x0  }
0x12: {  	s1 =	sld [smem:$0x3F9B];
	s0 =	simm.s32 @p0 $0x1  }
0x13: {  	[smem:$0x3FB6] =	sst s0;
	s0 =	simm.s32 @!p1 $0x0  }
0x14: {  	s2 =	sld [smem:$0x3F9A];
	s0 =	simm.s32 @p1 $0x1  }
0x15: {  	[smem:$0x3FB7] =	sst s0;
	s0 =	simm.s32 @!p2 $0x0  }
0x16: {  	s3 =	sld [smem:$0x3FDB];
	s0 =	simm.s32 @p2 $0x1  }
0x17: {  	s4 =	simm.s32 $0x1BF5;
	[smem:$0x3FB9] =	sst s0  }
0x18: {  	s0 =	sld [smem:$0x3F9C];
	_ =	swait.ge [sflag:s4], $0x0  }
0x19: {  	s7 =	sld [smem:$0x3F9D]  }
0x1a: {  	s8 =	sadd.s32 $0xFFFFE003, lr  }
0x1b: {  	s9 =	sadd.s32 $0xFFFFFEF7, lr;
	s5 =	simm.s32 $0xFFFFFFFF;
	p2 =	slt.u32 s8, $0xFFFFF086  }
0x1c: {  	p1 =	slt.u32 s9, $0xF7A;
	s5 =	simm.s32 @!p2 $0x0  }
0x1d: {  	s5 =	simm.s32 @p1 $0x1;
	p0 =	seq.s32 s7, s2  }
0x1e: {  	s7 =	smul.u32 @!p0 $0xF7A, s2;
	p2 =	seq.s32 @!p0 s5, $0x0  }
0x1f: {  	s9 =	smul.u32 $0xF7A, s1;
	s8 =	simm.s32 @!p0 $0x1BF5;
	p2 =	por !p2, p0  }
0x20: {  	[sflag:s8] =	ssyncset.s32 @!p0 $0xFFFFF086;
	s6 =	sadd.s32 @!p0 s3, s7;
	s7 =	simm.s32 @!p0 $0x108  }
0x21: {  	s3 =	sadd.s32 s3, s9;
	s6 =	sadd.s32 @!p0 $0x88, s6;
	s7 =	simm.s32 @p2 $0x1082  }
0x22: {  	[simem:s7], [sflag:s8] =	dma.local @!p0 [hbm:s6], $0xF7A  }
0x23: {  	s9 =	sor.u32 $0xD0000000, s2;
	s6 =	simm.s32 $0x108;
	_ =	swait.ge @!p0 [sflag:s8], $0x0  }
0x24: {  	s3 =	sadd.s32 $0x88, s3;
	s6 =	simm.s32 @!p1 $0x1082;
	[sflag:s4] =	ssyncset.s32 $0xFFFFF086  }
0x25: {  	[simem:s6], [sflag:s4] =	dma.local [hbm:s3], $0xF7A  }
0x26: {  	[smem:$0x3F9D] =	sst s1;
	(tag) =	ssettag s2;
	_ =	strace s9  }
0x27: {  	s1 =	sld [smem:$0x3FAD]  }
0x28: {  	s2 =	sld [smem:$0x3FAE]  }
0x29: {  	s4 =	sld [smem:$0x3FB0]  }
0x2a: {  	p0 =	seq.s32 s5, $0x0;
	s5 =	sld [smem:$0x3FB1]  }
0x2b: {  	s6 =	sld [smem:$0x3FB2]  }
0x2c: {  	s7 =	sld [smem:$0x3FB3]  }
0x2d: {  	s3 =	simm.s32 $0x108;
	s8 =	sld [smem:$0x3FB4]  }
0x2e: {  	s3 =	simm.s32 @!p0 $0x1082;
	s9 =	sld [smem:$0x3FB5]  }
0x2f: {  	lr =	sadd.s32 s0, s3;
	s0 =	sld [smem:$0x3FAC]  }
0x30: {  	s3 =	sld [smem:$0x3FAF]  }
0x31: {  	[smem:$0x3FB8] =	sst s10  }
0x32: {  	s10 =	sld [smem:$0x3FB6];
	_ =	sdelay $0x3  }
0x33: {  	p0 =	seq.s32 s10, $0x1;
	s10 =	sld [smem:$0x3FB8];
	_ =	sdelay $0x3  }
0x34: {  	[smem:$0x3FB8] =	sst s10  }
0x35: {  	s10 =	sld [smem:$0x3FB7];
	_ =	sdelay $0x3  }
0x36: {  	p1 =	seq.s32 s10, $0x1;
	s10 =	sld [smem:$0x3FB8];
	_ =	sdelay $0x3  }
0x37: {  	[smem:$0x3FB8] =	sst s10  }
0x38: {  	s10 =	sld [smem:$0x3FB9]  }
0x39: {  	_ = 	snop;
	(pc) =	sbr.ind lr, $3  }
0x3a: {  	_ = 	snop  }
0x3b: {  	_ = 	snop  }
0x3c: {  	p2 =	seq.s32 s10, $0x1;
	s10 =	sld [smem:$0x3FB8]  }
0x3d: {  	_ =	shalt  }
0x3e: {  	_ =	shalt  }
0x3f: {  	_ =	shalt  }
0x40: {  	_ =	shalt  }
0x41: {  	_ =	shalt  }
0x42: {  	_ =	shalt  }
0x43: {  	_ =	shalt  }
0x44: {  	_ =	shalt  }
0x45: {  	_ =	shalt  }
0x46: {  	_ =	shalt  }
0x47: {  	_ =	shalt  }
0x48: {  	_ =	shalt  }
0x49: {  	_ =	shalt  }
0x4a: {  	_ =	shalt  }
0x4b: {  	_ =	shalt  }
0x4c: {  	_ =	shalt  }
0x4d: {  	_ =	shalt  }
0x4e: {  	_ =	shalt  }
0x4f: {  	_ =	shalt  }
0x50: {  	_ =	shalt  }
0x51: {  	_ =	shalt  }
0x52: {  	_ =	shalt  }
0x53: {  	_ =	shalt  }
0x54: {  	_ =	shalt  }
0x55: {  	_ =	shalt  }
0x56: {  	_ =	shalt  }
0x57: {  	_ =	shalt  }
0x58: {  	_ =	shalt  }
0x59: {  	_ =	shalt  }
0x5a: {  	_ =	shalt  }
0x5b: {  	_ =	shalt  }
0x5c: {  	_ =	shalt  }
0x5d: {  	_ =	shalt  }
0x5e: {  	_ =	shalt  }
0x5f: {  	_ =	shalt  }
0x60: {  	_ =	shalt  }
0x61: {  	_ =	shalt  }
0x62: {  	_ =	shalt  }
0x63: {  	_ =	shalt  }
0x64: {  	_ =	shalt  }
0x65: {  	_ =	shalt  }
0x66: {  	_ =	shalt  }
0x67: {  	_ =	shalt  }
0x68: {  	_ =	shalt  }
0x69: {  	_ =	shalt  }
0x6a: {  	_ =	shalt  }
0x6b: {  	_ =	shalt  }
0x6c: {  	_ =	shalt  }
0x6d: {  	_ =	shalt  }
0x6e: {  	_ =	shalt  }
0x6f: {  	_ =	shalt  }
0x70: {  	_ =	shalt  }
0x71: {  	_ =	shalt  }
0x72: {  	_ =	shalt  }
0x73: {  	_ =	shalt  }
0x74: {  	_ =	shalt  }
0x75: {  	_ =	shalt  }
0x76: {  	_ =	shalt  }
0x77: {  	_ =	shalt  }
0x78: {  	_ =	shalt  }
0x79: {  	_ =	shalt  }
0x7a: {  	_ =	shalt  }
0x7b: {  	_ =	shalt  }
0x7c: {  	_ =	shalt  }
0x7d: {  	_ =	shalt  }
0x7e: {  	_ =	shalt  }
0x7f: {  	_ =	shalt  }
0x80: {  	_ =	shalt  }
0x81: {  	_ =	shalt  }
0x82: {  	_ =	shalt  }
0x83: {  	_ =	shalt  }
0x84: {  	_ =	shalt  }
0x85: {  	_ =	shalt  }
0x86: {  	_ =	shalt  }
0x87: {  	_ =	shalt  }
.Lfunc_end0:
.L_simem_size_0:
called_computation.1_lowered:
.L_overlay_start_0:
0x88: {  	s2 =	sld [smem:$0x3FD9]  }
0x89: {  	s3 =	sld [smem:$0x3FFE];
	_ =	sdelay $0x1  }
0x8a: {  	s1 =	srdreg.scid  }
0x8b: {  	s0 =	sand.u32 $0x1, s1  }
0x8c: {  	s17 =	sshll.u32 s0, $0xA;
	s2 =	sadd.s32 s3, s2  }
0x8d: {  	s2 =	sadd.s32 s2, s17  }
0x8e: {  	[smem:$0x3FC4] =	sst s2  }
0x8f: {  	_ = 	snop  }
0x90: {  	(tm) =	ssettm $0x1  }
0x91: {  	s18 =	sld [smem:$0x3FFB];
	_ =	sdelay $0x3  }
0x92: {  	_ =	strace s18  }
0x93: {  	s2 =	sld [smem:$0x3FFC];
	_ =	sdelay $0x3  }
0x94: {  	_ =	strace s2  }
0x95: {  	s2 =	sld [smem:$0x3FFD];
	_ =	sdelay $0x3  }
0x96: {  	_ =	strace s2  }
0x97: {  	_ =	strace $0x8FFFFFFF  }
0x98: {  	s19 =	sld [smem:$0x3FDB];
	_ =	sdelay $0x1  }
0x99: {  	s20 =	simm.s32 $_scs_section_size  }
0x9a: {  	s4 =	simm.s32 $_size__tile_overlayer_lowered;
	s5 =	simm.s32 $_tile_overlayer_lowered  }
0x9b: {  	s6 =	simm.s32 $0x1BFF;
	s21 =	sshll.u32 s5, $0x1;
	s3 =	sadd.s32 s20, s19  }
0x9c: {  	s22 =	simm.s32 $0x0;
	s4 =	sshll.u32 s4, $0x1;
	s5 =	sadd.s32 s21, s3  }
0x9d: {  	[timem:s22], [sflag:s6] =	dma.local [hbm:s5], s4  }
0x9e: {  	_ =	swait.ge [sflag:s6], s4  }
0x9f: {  	s4 =	ssub.s32 $0x0, s4;
	[sflag:s6] =	ssyncset.done $0x0  }
0xa0: {  	[sflag:s6] =	ssyncadd.s32 s4;
	_ =	sdelay $0x1  }
0xa1: {  	s23 =	simm.s32 $0x1B8B  }
0xa2: {  	_ =	swait.ge [sflag:s23], $0x1  }
0xa3: {  	[sflag:s23] =	ssyncset.done $0x0  }
0xa4: {  	[sflag:s23] =	ssyncadd.s32 $0xFFFFFFFF  }
0xa5: {  	s4 =	sld [smem:$0x0]  }
0xa6: {  	s5 =	sand.u32 $0xFFFFFFFE, s1  }
0xa7: {  	p0 =	sne.s32 s1, s5  }
0xa8: {  	s5 =	sshll.u32 @p0 s5, $0xE  }
0xa9: {  	s5 =	sadd.s32 @p0 $0x11B8D, s5;
	s6 =	sshll.u32 @p0 s4, $0x11  }
0xaa: {  	s5 =	sor.u32 @p0 s6, s5  }
0xab: {  	[sflag:s5] =	ssyncadd.remote.s32 @p0 $0x1;
	_ =	sdelay $0x1  }
0xac: {  	s5 =	simm.s32 @p0 $0x1B8D  }
0xad: {  	_ =	swait.eq @p0 [sflag:s5], $0x1  }
0xae: {  	[sflag:s5] =	ssyncadd.s32 @p0 $0xFFFFFFFF  }
0xaf: {  	s6 =	sshll.u32 @!p0 s1, $0xE  }
0xb0: {  	s6 =	sor.u32 @!p0 $0x4000, s6;
	s5 =	simm.s32 @!p0 $0x1B8D  }
0xb1: {  	s4 =	sshll.u32 @!p0 s4, $0x11;
	s6 =	sadd.s32 @!p0 $0x11B8D, s6;
	_ =	swait.eq @!p0 [sflag:s5], $0x1  }
0xb2: {  	s4 =	sor.u32 @!p0 s4, s6;
	[sflag:s5] =	ssyncadd.s32 @!p0 $0xFFFFFFFF  }
0xb3: {  	s25 =	simm.s32 $0x1B8E;
	s24 =	sld [smem:$0x3FFE];
	[sflag:s4] =	ssyncadd.remote.s32 @!p0 $0x1  }
0xb4: {  	s26 =	simm.s32 $execute0_lowered;
	[smem:$0x3FD2] =	sst s25  }
0xb5: {  	s5 =	sshll.u32 s26, $0x1;
	_ =	strace $0x80000049;
	[dreg:$0x1] =	wrdreg $0xFFFFFFFF  }
0xb6: {  	s28 =	simm.s32 $_size_execute0_lowered;
	s3 =	sadd.s32 s3, s5;
	[dreg:$0x0] =	wrdreg $0x0  }
0xb7: {  	s5 =	sshll.u32 s28, $0x1;
	[dreg:$0x2] =	wrdreg s3  }
0xb8: {  	[dreg:$0x3] =	wrdreg s5  }
0xb9: {  	[dreg:$0x4] =	wrdreg $0xC0  }
0xba: {  	_ =	task [dreg:s22], $0x5FFFF  }
0xbb: {  	[dreg:$0x1] =	wrdreg $0xFFFFFFFF  }
0xbc: {  	[dreg:$0x0] =	wrdreg $0x60  }
0xbd: {  	[dreg:$0x2] =	wrdreg s24  }
0xbe: {  	[dreg:$0x3] =	wrdreg $0xA  }
0xbf: {  	_ =	task.clear_ibuf [dreg:s22], $0x4FFFF;
	_ =	strace $0x90000049  }
0xc0: {  	s29 =	simm.s32 $0xA;
	_ =	strace $0x8000004B  }
0xc1: {  	_ =	swait.ge [sflag:s29], $0x1  }
0xc2: {  	[sflag:s29] =	ssyncadd.s32 $0xFFFFFFFF  }
0xc3: {  	_ =	strace $0x9000004B  }
0xc4: {  	_ =	sfence  }
0xc5: {  	s30 =	sld [smem:$0x0];
	_ =	sdelay $0x2  }
0xc6: {  	s31 =	sshll.u32 s1, $0xD;
	s1 =	sshrl.u32 s1, $0x2  }
0xc7: {  	s4 =	sand.u32 $0x4000, s31;
	s1 =	sadd.s32 s1, s30  }
0xc8: {  	s0 =	sor.u32 s4, s0;
	s1 =	sshll.u32 s1, $0x11  }
0xc9: {  	s0 =	sor.u32 s1, s0  }
0xca: {  	s0 =	sadd.s32 $0x8F2B, s0  }
0xcb: {  	[sflag:s0] =	ssyncadd.remote.s32 $0x1  }
0xcc: {  	_ =	sfence.sel $0xFFFF  }
0xcd: {  	[dreg:$0x0] =	wrdreg $0xFFFFFFFF;
	(pc) =	sbr.abs _section_cstart, $3  }
0xce: {  	[dreg:$0x1] =	wrdreg $0xFFFFFFFF  }
0xcf: {  	_ =	task.clear_ibuf [dreg:s22], $0x2FFFF;
	_ =	strace $0x9FFFFFFF  }
0xd0: {  	(tm) =	ssettm $0x7FFFFFFF  }
0xd1: {  	_ =	shalt  }
tec
execute0_lowered:
.L_overlay_start_1:
0x0: {  	(tag) =	ssettag $0x1  }
0x1: {  	s4 =	rddreg [dreg:$0x0]  }
0x2: {  	s0 =	rddreg [dreg:$0x1];
	s1 =	simm.s32 $0x0  }
0x3: {  	s5 =	srdreg.scid;
	s2 =	stileid.u32;
	s9 =	simm.s32 $0x200  }
0x4: {  	s10 =	simm.s32 $0x2200;
	s11 =	simm.s32 $0x100;
	s12 =	simm.s32 $0x4200  }
0x5: {  	s13 =	simm.s32 $0x180;
	s14 =	simm.s32 $0x6200;
	s15 =	simm.s32 $0x1  }
0x6: {  	s16 =	simm.s32 $0x0;
	[smem:$0x7FF] =	sst s1;
	s3 =	sadd.s32 $0x1A200, s4  }
0x7: {  	s5 =	sand.u32 $0x1, s5;
	s6 =	sshll.u32 s2, $0x7;
	s7 =	sshll.u32 s2, $0xD  }
0x8: {  	_ =	strace $0x8000004A;
	s8 =	ssub.s32 $0x2, s5;
	s6 =	sadd.s32 s6, s4  }
0x9: {  	s7 =	sadd.s32 s7, s4;
	s31 =	sshll.u32 s5, $0x6;
	s5 =	sshll.u32 s5, $0xC  }
0xa: {  	s30 =	sshrl.u32 s8, $0x1;
	s6 =	sadd.s32 s31, s6;
	s7 =	sadd.s32 s5, s7  }
0xb: {  	s4 =	ssub.s32 s8, s30;
	s5 =	sadd.s32 $0x7A00, s6;
	s6 =	sadd.s32 $0x9BA200, s7  }
0xc: {  	s7 =	simm.s32 $0x2;
	s8 =	simm.s32 $0x80;
	s4 =	smax.u32 s4, $0x1  }
.LBB2_1:
0xd: {  	s17 =	sadd.s32 $0x0, s5  }
0xe: {  	[tilespmem:s1], [sflag:$0x2] =	stream.linear.gather [hbm4b:s17+s1], $0x200, $0x38;
	[tilespmem:$0x8200] =	vst v63  }
0xf: {  	_ =	swait.ge [sflag:s7], $0x200  }
0x10: {  	[sflag:s7] =	ssyncset.done $0x0  }
0x11: {  	[sflag:s7] =	ssyncadd.s32 $0xFFFFFE00  }
0x12: {  	[tilespmem:s9], [sflag:$0x1] =	stream.indirect.gather [hbm4b:s3+s8], $0x40, s1, s8, $0xb8;
	[tilespmem:$0x8200] =	vst v63  }
0x13: {  	_ = 	snop  }
0x14: {  	[tilespmem:s10], [sflag:$0x1] =	stream.indirect.gather [hbm4b:s3+s8], $0x40, s8, s8, $0xb8;
	[tilespmem:$0x8200] =	vst v63  }
0x15: {  	_ = 	snop  }
0x16: {  	[tilespmem:s12], [sflag:$0x1] =	stream.indirect.gather [hbm4b:s3+s8], $0x40, s11, s8, $0xb8;
	[tilespmem:$0x8200] =	vst v63  }
0x17: {  	_ = 	snop  }
0x18: {  	[tilespmem:s14], [sflag:$0x1] =	stream.indirect.gather [hbm4b:s3+s8], $0x40, s13, s8, $0xb8;
	[tilespmem:$0x8200] =	vst v63  }
0x19: {  	_ =	swait.ge [sflag:s15], $0x2000  }
0x1a: {  	[sflag:s15] =	ssyncset.done $0x0  }
0x1b: {  	[sflag:s15] =	ssyncadd.s32 $0xFFFFE000  }
0x1c: {  	_ =	swait.ge [sflag:s15], $0x2000  }
0x1d: {  	[sflag:s15] =	ssyncset.done $0x0  }
0x1e: {  	[sflag:s15] =	ssyncadd.s32 $0xFFFFE000  }
0x1f: {  	_ =	swait.ge [sflag:s15], $0x2000  }
0x20: {  	[sflag:s15] =	ssyncset.done $0x0  }
0x21: {  	[sflag:s15] =	ssyncadd.s32 $0xFFFFE000  }
0x22: {  	_ =	swait.ge [sflag:s15], $0x2000  }
0x23: {  	[sflag:s15] =	ssyncset.done $0x0  }
0x24: {  	[sflag:s15] =	ssyncadd.s32 $0xFFFFE000  }
0x25: {  	[hbm4b:s6+s1] =	stream.linear.scatter [tilespmem:s9], [sflag:$0x2], $0x8000, $0x38;
	[tilespmem:$0x8200] =	vst v63  }
0x26: {  	s18 =	simm.s32 $0x800;
	_ =	swait.ge [sflag:s7], $0x8000  }
0x27: {  	s19 =	simm.s32 $0x1000;
	s17 =	sadd.s32 $0x20000, s6;
	[sflag:s7] =	ssyncset.done $0x0  }
.LBB2_2:
0x28: {  	s20 =	sadd.s32 s18, s5  }
0x29: {  	[sflag:s7] =	ssyncadd.s32 $0xFFFF8000;
	s18 =	smov.u32 s19;
	s21 =	sadd.s32 $0x800, s19  }
0x2a: {  	[tilespmem:s1], [sflag:$0x2] =	stream.linear.gather [hbm4b:s20+s1], $0x200, $0x38;
	[tilespmem:$0x8200] =	vst v63  }
0x2b: {  	p0 =	sne.s32 s19, $0x6000;
	_ =	swait.ge [sflag:s7], $0x200  }
0x2c: {  	[sflag:s7] =	ssyncset.done $0x0  }
0x2d: {  	[sflag:s7] =	ssyncadd.s32 $0xFFFFFE00  }
0x2e: {  	[tilespmem:s9], [sflag:$0x1] =	stream.indirect.gather [hbm4b:s3+s8], $0x40, s1, s8, $0xb8;
	[tilespmem:$0x8200] =	vst v63  }
0x2f: {  	_ = 	snop  }
0x30: {  	[tilespmem:s10], [sflag:$0x1] =	stream.indirect.gather [hbm4b:s3+s8], $0x40, s8, s8, $0xb8;
	[tilespmem:$0x8200] =	vst v63  }
0x31: {  	_ = 	snop  }
0x32: {  	[tilespmem:s12], [sflag:$0x1] =	stream.indirect.gather [hbm4b:s3+s8], $0x40, s11, s8, $0xb8;
	[tilespmem:$0x8200] =	vst v63  }
0x33: {  	_ = 	snop  }
0x34: {  	[tilespmem:s14], [sflag:$0x1] =	stream.indirect.gather [hbm4b:s3+s8], $0x40, s13, s8, $0xb8;
	[tilespmem:$0x8200] =	vst v63  }
0x35: {  	_ =	swait.ge [sflag:s15], $0x2000  }
0x36: {  	[sflag:s15] =	ssyncset.done $0x0  }
0x37: {  	[sflag:s15] =	ssyncadd.s32 $0xFFFFE000  }
0x38: {  	_ =	swait.ge [sflag:s15], $0x2000  }
0x39: {  	[sflag:s15] =	ssyncset.done $0x0  }
0x3a: {  	[sflag:s15] =	ssyncadd.s32 $0xFFFFE000  }
0x3b: {  	_ =	swait.ge [sflag:s15], $0x2000  }
0x3c: {  	[sflag:s15] =	ssyncset.done $0x0  }
0x3d: {  	[sflag:s15] =	ssyncadd.s32 $0xFFFFE000  }
0x3e: {  	_ =	swait.ge [sflag:s15], $0x2000  }
.Ltmp0:
0x3f: {  	[sflag:s15] =	ssyncset.done $0x0;
	(pc) =	sbr.rel @p0 .LBB2_2-.Ltmp0, $4  }
0x40: {  	[sflag:s15] =	ssyncadd.s32 $0xFFFFE000  }
0x41: {  	[hbm4b:s17+s1] =	stream.linear.scatter [tilespmem:s9], [sflag:$0x2], $0x8000, $0x38;
	[tilespmem:$0x8200] =	vst v63  }
0x42: {  	_ =	swait.ge [sflag:s7], $0x8000  }
0x43: {  	s19 =	smov.u32 s21;
	s17 =	sadd.s32 $0x20000, s17;
	[sflag:s7] =	ssyncset.done $0x0  }
0x44: {  	s18 =	sadd.s32 s18, s5;
	[sflag:s7] =	ssyncadd.s32 $0xFFFF8000  }
0x45: {  	[tilespmem:s1], [sflag:$0x2] =	stream.linear.gather [hbm4b:s18+s1], $0x200, $0x38;
	[tilespmem:$0x8200] =	vst v63  }
0x46: {  	_ =	swait.ge [sflag:s7], $0x200  }
0x47: {  	[sflag:s7] =	ssyncset.done $0x0  }
0x48: {  	[sflag:s7] =	ssyncadd.s32 $0xFFFFFE00  }
0x49: {  	[tilespmem:s9], [sflag:$0x1] =	stream.indirect.gather [hbm4b:s3+s8], $0x40, s1, s8, $0xb8;
	[tilespmem:$0x8200] =	vst v63  }
0x4a: {  	_ = 	snop  }
0x4b: {  	[tilespmem:s10], [sflag:$0x1] =	stream.indirect.gather [hbm4b:s3+s8], $0x40, s8, s8, $0xb8;
	[tilespmem:$0x8200] =	vst v63  }
0x4c: {  	_ = 	snop  }
0x4d: {  	[tilespmem:s12], [sflag:$0x1] =	stream.indirect.gather [hbm4b:s3+s8], $0x40, s11, s8, $0xb8;
	[tilespmem:$0x8200] =	vst v63  }
0x4e: {  	_ = 	snop  }
0x4f: {  	[tilespmem:s14], [sflag:$0x1] =	stream.indirect.gather [hbm4b:s3+s8], $0x40, s13, s8, $0xb8;
	[tilespmem:$0x8200] =	vst v63  }
0x50: {  	_ =	swait.ge [sflag:s15], $0x2000  }
0x51: {  	[sflag:s15] =	ssyncset.done $0x0  }
0x52: {  	[sflag:s15] =	ssyncadd.s32 $0xFFFFE000  }
0x53: {  	_ =	swait.ge [sflag:s15], $0x2000  }
0x54: {  	[sflag:s15] =	ssyncset.done $0x0  }
0x55: {  	[sflag:s15] =	ssyncadd.s32 $0xFFFFE000  }
0x56: {  	_ =	swait.ge [sflag:s15], $0x2000  }
0x57: {  	[sflag:s15] =	ssyncset.done $0x0  }
0x58: {  	[sflag:s15] =	ssyncadd.s32 $0xFFFFE000  }
0x59: {  	s16 =	sadd.s32 $0x1, s16;
	_ =	swait.ge [sflag:s15], $0x2000  }
0x5a: {  	p0 =	sne.s32 s16, s4;
	[sflag:s15] =	ssyncset.done $0x0  }
.Ltmp1:
0x5b: {  	[sflag:s15] =	ssyncadd.s32 $0xFFFFE000;
	(pc) =	sbr.rel @p0 .LBB2_1-.Ltmp1, $4  }
0x5c: {  	[hbm4b:s17+s1] =	stream.linear.scatter [tilespmem:s9], [sflag:$0x2], $0x8000, $0x38;
	[tilespmem:$0x8200] =	vst v63  }
0x5d: {  	_ =	swait.ge [sflag:s7], $0x8000  }
0x5e: {  	[sflag:s7] =	ssyncset.done $0x0  }
0x5f: {  	[sflag:s7] =	ssyncadd.s32 $0xFFFF8000  }
0x60: {  	_ =	sfence.sel $0x180000  }
0x61: {  	[bflag:$0x0] =	sbarrier.arrive $0xFFFF  }
0x62: {  	p0 =	sne.s32 s2, $0x0;
	_ =	strace $0x9000004A  }
0x63: {  	s0 =	sadd.s32 @!p0 $0x100000, s0;
	[bflag:$0x2] =	sbarrier.arrive $0xFFFF  }
0x64: {  	[sflag:s0] =	ssyncadd.tile.s32 @!p0 $0x1;
	_ =	shalt  }
.Lfunc_end2:
_tile_overlayer_lowered:
.L_overlay_start_2:
0x65: {  	(tag) =	ssettag $0x2  }
0x66: {  	s0 =	rddreg [dreg:$0x0];
	s2 =	stileid.u32  }
0x67: {  	s1 =	rddreg [dreg:$0x1];
	p0 =	sne.s32 s2, $0x0  }
0x68: {  	s3 =	rddreg [dreg:$0x2];
	[bflag:$0x3] =	sbarrier.arrive $0xFFFF;
	s2 =	simm.s32 @!p0 $0x1C02  }
0x69: {  	[timem:s3], [sflag:s2] =	dma.local @!p0 [hbm:s0], s1  }
0x6a: {  	s0 =	simm.s32 @!p0 $0x2  }
0x6b: {  	_ =	swait.ge @!p0 [sflag:s0], s1  }
0x6c: {  	s1 =	ssub.s32 @!p0 $0x0, s1;
	[sflag:s0] =	ssyncset.done @!p0 $0x0  }
0x6d: {  	[sflag:s0] =	ssyncadd.s32 @!p0 s1  }
0x6e: {  	[bflag:$0x3] =	sbarrier.arrive $0xFFFF  }
0x6f: {  	_ =	shalt  }

// kernel: kernel.17.cloned.1.call-start
scs
__scs_entry_jumppad:
0x0: {  	(pc) =	sbr.rel $0x88, $3  }
0x1: {  	(tag) =	ssettag $0x0;
	lr =	simm.s32 $0x1  }
0x2: {  	[smem:$0x3F9D] =	sst lr;
	_ =	strace $0xD0000000  }
0x3: {  	_ = 	snop  }
0x4: {  	_ = 	snop  }
0x5: {  	_ = 	snop  }
0x6: {  	_ = 	snop  }
0x7: {  	_ = 	snop  }
__scs_overlays_trampoline_lowered:
0x8: {  	[smem:$0x3FAC] =	sst s0  }
0x9: {  	[smem:$0x3FAD] =	sst s1  }
0xa: {  	[smem:$0x3FAE] =	sst s2  }
0xb: {  	[smem:$0x3FAF] =	sst s3  }
0xc: {  	[smem:$0x3FB0] =	sst s4  }
0xd: {  	[smem:$0x3FB1] =	sst s5  }
0xe: {  	[smem:$0x3FB2] =	sst s6  }
0xf: {  	[smem:$0x3FB3] =	sst s7  }
0x10: {  	[smem:$0x3FB4] =	sst s8  }
0x11: {  	[smem:$0x3FB5] =	sst s9;
	s0 =	simm.s32 @!p0 $0x0  }
0x12: {  	s1 =	sld [smem:$0x3F9B];
	s0 =	simm.s32 @p0 $0x1  }
0x13: {  	[smem:$0x3FB6] =	sst s0;
	s0 =	simm.s32 @!p1 $0x0  }
0x14: {  	s2 =	sld [smem:$0x3F9A];
	s0 =	simm.s32 @p1 $0x1  }
0x15: {  	[smem:$0x3FB7] =	sst s0;
	s0 =	simm.s32 @!p2 $0x0  }
0x16: {  	s3 =	sld [smem:$0x3FDB];
	s0 =	simm.s32 @p2 $0x1  }
0x17: {  	s4 =	simm.s32 $0x1BF5;
	[smem:$0x3FB9] =	sst s0  }
0x18: {  	s0 =	sld [smem:$0x3F9C];
	_ =	swait.ge [sflag:s4], $0x0  }
0x19: {  	s7 =	sld [smem:$0x3F9D]  }
0x1a: {  	s8 =	sadd.s32 $0xFFFFE003, lr  }
0x1b: {  	s9 =	sadd.s32 $0xFFFFFEF7, lr;
	s5 =	simm.s32 $0xFFFFFFFF;
	p2 =	slt.u32 s8, $0xFFFFF086  }
0x1c: {  	p1 =	slt.u32 s9, $0xF7A;
	s5 =	simm.s32 @!p2 $0x0  }
0x1d: {  	s5 =	simm.s32 @p1 $0x1;
	p0 =	seq.s32 s7, s2  }
0x1e: {  	s7 =	smul.u32 @!p0 $0xF7A, s2;
	p2 =	seq.s32 @!p0 s5, $0x0  }
0x1f: {  	s9 =	smul.u32 $0xF7A, s1;
	s8 =	simm.s32 @!p0 $0x1BF5;
	p2 =	por !p2, p0  }
0x20: {  	[sflag:s8] =	ssyncset.s32 @!p0 $0xFFFFF086;
	s6 =	sadd.s32 @!p0 s3, s7;
	s7 =	simm.s32 @!p0 $0x108  }
0x21: {  	s3 =	sadd.s32 s3, s9;
	s6 =	sadd.s32 @!p0 $0x88, s6;
	s7 =	simm.s32 @p2 $0x1082  }
0x22: {  	[simem:s7], [sflag:s8] =	dma.local @!p0 [hbm:s6], $0xF7A  }
0x23: {  	s9 =	sor.u32 $0xD0000000, s2;
	s6 =	simm.s32 $0x108;
	_ =	swait.ge @!p0 [sflag:s8], $0x0  }
0x24: {  	s3 =	sadd.s32 $0x88, s3;
	s6 =	simm.s32 @!p1 $0x1082;
	[sflag:s4] =	ssyncset.s32 $0xFFFFF086  }
0x25: {  	[simem:s6], [sflag:s4] =	dma.local [hbm:s3], $0xF7A  }
0x26: {  	[smem:$0x3F9D] =	sst s1;
	(tag) =	ssettag s2;
	_ =	strace s9  }
0x27: {  	s1 =	sld [smem:$0x3FAD]  }
0x28: {  	s2 =	sld [smem:$0x3FAE]  }
0x29: {  	s4 =	sld [smem:$0x3FB0]  }
0x2a: {  	p0 =	seq.s32 s5, $0x0;
	s5 =	sld [smem:$0x3FB1]  }
0x2b: {  	s6 =	sld [smem:$0x3FB2]  }
0x2c: {  	s7 =	sld [smem:$0x3FB3]  }
0x2d: {  	s3 =	simm.s32 $0x108;
	s8 =	sld [smem:$0x3FB4]  }
0x2e: {  	s3 =	simm.s32 @!p0 $0x1082;
	s9 =	sld [smem:$0x3FB5]  }
0x2f: {  	lr =	sadd.s32 s0, s3;
	s0 =	sld [smem:$0x3FAC]  }
0x30: {  	s3 =	sld [smem:$0x3FAF]  }
0x31: {  	[smem:$0x3FB8] =	sst s10  }
0x32: {  	s10 =	sld [smem:$0x3FB6];
	_ =	sdelay $0x3  }
0x33: {  	p0 =	seq.s32 s10, $0x1;
	s10 =	sld [smem:$0x3FB8];
	_ =	sdelay $0x3  }
0x34: {  	[smem:$0x3FB8] =	sst s10  }
0x35: {  	s10 =	sld [smem:$0x3FB7];
	_ =	sdelay $0x3  }
0x36: {  	p1 =	seq.s32 s10, $0x1;
	s10 =	sld [smem:$0x3FB8];
	_ =	sdelay $0x3  }
0x37: {  	[smem:$0x3FB8] =	sst s10  }
0x38: {  	s10 =	sld [smem:$0x3FB9]  }
0x39: {  	_ = 	snop;
	(pc) =	sbr.ind lr, $3  }
0x3a: {  	_ = 	snop  }
0x3b: {  	_ = 	snop  }
0x3c: {  	p2 =	seq.s32 s10, $0x1;
	s10 =	sld [smem:$0x3FB8]  }
0x3d: {  	_ =	shalt  }
0x3e: {  	_ =	shalt  }
0x3f: {  	_ =	shalt  }
0x40: {  	_ =	shalt  }
0x41: {  	_ =	shalt  }
0x42: {  	_ =	shalt  }
0x43: {  	_ =	shalt  }
0x44: {  	_ =	shalt  }
0x45: {  	_ =	shalt  }
0x46: {  	_ =	shalt  }
0x47: {  	_ =	shalt  }
0x48: {  	_ =	shalt  }
0x49: {  	_ =	shalt  }
0x4a: {  	_ =	shalt  }
0x4b: {  	_ =	shalt  }
0x4c: {  	_ =	shalt  }
0x4d: {  	_ =	shalt  }
0x4e: {  	_ =	shalt  }
0x4f: {  	_ =	shalt  }
0x50: {  	_ =	shalt  }
0x51: {  	_ =	shalt  }
0x52: {  	_ =	shalt  }
0x53: {  	_ =	shalt  }
0x54: {  	_ =	shalt  }
0x55: {  	_ =	shalt  }
0x56: {  	_ =	shalt  }
0x57: {  	_ =	shalt  }
0x58: {  	_ =	shalt  }
0x59: {  	_ =	shalt  }
0x5a: {  	_ =	shalt  }
0x5b: {  	_ =	shalt  }
0x5c: {  	_ =	shalt  }
0x5d: {  	_ =	shalt  }
0x5e: {  	_ =	shalt  }
0x5f: {  	_ =	shalt  }
0x60: {  	_ =	shalt  }
0x61: {  	_ =	shalt  }
0x62: {  	_ =	shalt  }
0x63: {  	_ =	shalt  }
0x64: {  	_ =	shalt  }
0x65: {  	_ =	shalt  }
0x66: {  	_ =	shalt  }
0x67: {  	_ =	shalt  }
0x68: {  	_ =	shalt  }
0x69: {  	_ =	shalt  }
0x6a: {  	_ =	shalt  }
0x6b: {  	_ =	shalt  }
0x6c: {  	_ =	shalt  }
0x6d: {  	_ =	shalt  }
0x6e: {  	_ =	shalt  }
0x6f: {  	_ =	shalt  }
0x70: {  	_ =	shalt  }
0x71: {  	_ =	shalt  }
0x72: {  	_ =	shalt  }
0x73: {  	_ =	shalt  }
0x74: {  	_ =	shalt  }
0x75: {  	_ =	shalt  }
0x76: {  	_ =	shalt  }
0x77: {  	_ =	shalt  }
0x78: {  	_ =	shalt  }
0x79: {  	_ =	shalt  }
0x7a: {  	_ =	shalt  }
0x7b: {  	_ =	shalt  }
0x7c: {  	_ =	shalt  }
0x7d: {  	_ =	shalt  }
0x7e: {  	_ =	shalt  }
0x7f: {  	_ =	shalt  }
0x80: {  	_ =	shalt  }
0x81: {  	_ =	shalt  }
0x82: {  	_ =	shalt  }
0x83: {  	_ =	shalt  }
0x84: {  	_ =	shalt  }
0x85: {  	_ =	shalt  }
0x86: {  	_ =	shalt  }
0x87: {  	_ =	shalt  }
.Lfunc_end0:
.L_simem_size_0:
called_computation.2_lowered:
.L_overlay_start_0:
0x88: {  	s2 =	sld [smem:$0x3FD9]  }
0x89: {  	s3 =	sld [smem:$0x3FFE];
	_ =	sdelay $0x1  }
0x8a: {  	s1 =	srdreg.scid  }
0x8b: {  	s0 =	sand.u32 $0x1, s1  }
0x8c: {  	s17 =	sshll.u32 s0, $0xA;
	s2 =	sadd.s32 s3, s2  }
0x8d: {  	s2 =	sadd.s32 s2, s17  }
0x8e: {  	[smem:$0x3FC4] =	sst s2  }
0x8f: {  	_ = 	snop  }
0x90: {  	(tm) =	ssettm $0x1  }
0x91: {  	s18 =	sld [smem:$0x3FFB];
	_ =	sdelay $0x3  }
0x92: {  	_ =	strace s18  }
0x93: {  	s2 =	sld [smem:$0x3FFC];
	_ =	sdelay $0x3  }
0x94: {  	_ =	strace s2  }
0x95: {  	s2 =	sld [smem:$0x3FFD];
	_ =	sdelay $0x3  }
0x96: {  	_ =	strace s2  }
0x97: {  	_ =	strace $0x8FFFFFFF  }
0x98: {  	s19 =	sld [smem:$0x3FDB];
	_ =	sdelay $0x1  }
0x99: {  	s20 =	simm.s32 $_scs_section_size  }
0x9a: {  	s4 =	simm.s32 $_size__tile_overlayer_lowered;
	s5 =	simm.s32 $_tile_overlayer_lowered  }
0x9b: {  	s6 =	simm.s32 $0x1BFF;
	s21 =	sshll.u32 s5, $0x1;
	s3 =	sadd.s32 s20, s19  }
0x9c: {  	s22 =	simm.s32 $0x0;
	s4 =	sshll.u32 s4, $0x1;
	s5 =	sadd.s32 s21, s3  }
0x9d: {  	[timem:s22], [sflag:s6] =	dma.local [hbm:s5], s4  }
0x9e: {  	_ =	swait.ge [sflag:s6], s4  }
0x9f: {  	s4 =	ssub.s32 $0x0, s4;
	[sflag:s6] =	ssyncset.done $0x0  }
0xa0: {  	[sflag:s6] =	ssyncadd.s32 s4;
	_ =	sdelay $0x1  }
0xa1: {  	s23 =	simm.s32 $0x1B8B  }
0xa2: {  	_ =	swait.ge [sflag:s23], $0x1  }
0xa3: {  	[sflag:s23] =	ssyncset.done $0x0  }
0xa4: {  	[sflag:s23] =	ssyncadd.s32 $0xFFFFFFFF  }
0xa5: {  	s4 =	sld [smem:$0x0]  }
0xa6: {  	s5 =	sand.u32 $0xFFFFFFFE, s1  }
0xa7: {  	p0 =	sne.s32 s1, s5  }
0xa8: {  	s5 =	sshll.u32 @p0 s5, $0xE  }
0xa9: {  	s5 =	sadd.s32 @p0 $0x11B8D, s5;
	s6 =	sshll.u32 @p0 s4, $0x11  }
0xaa: {  	s5 =	sor.u32 @p0 s6, s5  }
0xab: {  	[sflag:s5] =	ssyncadd.remote.s32 @p0 $0x1;
	_ =	sdelay $0x1  }
0xac: {  	s5 =	simm.s32 @p0 $0x1B8D  }
0xad: {  	_ =	swait.eq @p0 [sflag:s5], $0x1  }
0xae: {  	[sflag:s5] =	ssyncadd.s32 @p0 $0xFFFFFFFF  }
0xaf: {  	s6 =	sshll.u32 @!p0 s1, $0xE  }
0xb0: {  	s6 =	sor.u32 @!p0 $0x4000, s6;
	s5 =	simm.s32 @!p0 $0x1B8D  }
0xb1: {  	s4 =	sshll.u32 @!p0 s4, $0x11;
	s6 =	sadd.s32 @!p0 $0x11B8D, s6;
	_ =	swait.eq @!p0 [sflag:s5], $0x1  }
0xb2: {  	s4 =	sor.u32 @!p0 s4, s6;
	[sflag:s5] =	ssyncadd.s32 @!p0 $0xFFFFFFFF  }
0xb3: {  	s25 =	simm.s32 $0x1B8E;
	s24 =	sld [smem:$0x3FFE];
	[sflag:s4] =	ssyncadd.remote.s32 @!p0 $0x1  }
0xb4: {  	s26 =	simm.s32 $execute0_lowered;
	[smem:$0x3FD2] =	sst s25  }
0xb5: {  	s5 =	sshll.u32 s26, $0x1;
	_ =	strace $0x8000004C;
	[dreg:$0x1] =	wrdreg $0xFFFFFFFF  }
0xb6: {  	s28 =	simm.s32 $_size_execute0_lowered;
	s3 =	sadd.s32 s3, s5;
	[dreg:$0x0] =	wrdreg $0x0  }
0xb7: {  	s5 =	sshll.u32 s28, $0x1;
	[dreg:$0x2] =	wrdreg s3  }
0xb8: {  	[dreg:$0x3] =	wrdreg s5  }
0xb9: {  	[dreg:$0x4] =	wrdreg $0xC0  }
0xba: {  	_ =	task [dreg:s22], $0x5FFFF  }
0xbb: {  	[dreg:$0x1] =	wrdreg $0xFFFFFFFF  }
0xbc: {  	[dreg:$0x0] =	wrdreg $0x60  }
0xbd: {  	[dreg:$0x2] =	wrdreg s24  }
0xbe: {  	[dreg:$0x3] =	wrdreg $0xB  }
0xbf: {  	_ =	task.clear_ibuf [dreg:s22], $0x4FFFF;
	_ =	strace $0x9000004C  }
0xc0: {  	s29 =	simm.s32 $0xB;
	_ =	strace $0x8000004E  }
0xc1: {  	_ =	swait.ge [sflag:s29], $0x1  }
0xc2: {  	[sflag:s29] =	ssyncadd.s32 $0xFFFFFFFF  }
0xc3: {  	_ =	strace $0x9000004E  }
0xc4: {  	_ =	sfence  }
0xc5: {  	s30 =	sld [smem:$0x0];
	_ =	sdelay $0x2  }
0xc6: {  	s31 =	sshll.u32 s1, $0xD;
	s1 =	sshrl.u32 s1, $0x2  }
0xc7: {  	s4 =	sand.u32 $0x4000, s31;
	s1 =	sadd.s32 s1, s30  }
0xc8: {  	s0 =	sor.u32 s4, s0;
	s1 =	sshll.u32 s1, $0x11  }
0xc9: {  	s0 =	sor.u32 s1, s0  }
0xca: {  	s0 =	sadd.s32 $0x8F2B, s0  }
0xcb: {  	[sflag:s0] =	ssyncadd.remote.s32 $0x1  }
0xcc: {  	_ =	sfence.sel $0xFFFF  }
0xcd: {  	[dreg:$0x0] =	wrdreg $0xFFFFFFFF;
	(pc) =	sbr.abs _section_cstart, $3  }
0xce: {  	[dreg:$0x1] =	wrdreg $0xFFFFFFFF  }
0xcf: {  	_ =	task.clear_ibuf [dreg:s22], $0x2FFFF;
	_ =	strace $0x9FFFFFFF  }
0xd0: {  	(tm) =	ssettm $0x7FFFFFFF  }
0xd1: {  	_ =	shalt  }
tec
execute0_lowered:
.L_overlay_start_1:
0x0: {  	(tag) =	ssettag $0x1  }
0x1: {  	s4 =	rddreg [dreg:$0x0]  }
0x2: {  	s0 =	rddreg [dreg:$0x1];
	s1 =	simm.s32 $0x0  }
0x3: {  	s5 =	srdreg.scid;
	s2 =	stileid.u32;
	s9 =	simm.s32 $0x200  }
0x4: {  	s10 =	simm.s32 $0x2200;
	s11 =	simm.s32 $0x100;
	s12 =	simm.s32 $0x4200  }
0x5: {  	s13 =	simm.s32 $0x180;
	s14 =	simm.s32 $0x6200;
	s15 =	simm.s32 $0x1  }
0x6: {  	s16 =	simm.s32 $0x0;
	[smem:$0x7FF] =	sst s1;
	s3 =	sadd.s32 $0x1A200, s4  }
0x7: {  	s5 =	sand.u32 $0x1, s5;
	s6 =	sshll.u32 s2, $0x7;
	s7 =	sshll.u32 s2, $0xD  }
0x8: {  	_ =	strace $0x8000004D;
	s8 =	ssub.s32 $0x2, s5;
	s6 =	sadd.s32 s6, s4  }
0x9: {  	s7 =	sadd.s32 s7, s4;
	s31 =	sshll.u32 s5, $0x6;
	s5 =	sshll.u32 s5, $0xC  }
0xa: {  	s30 =	sshrl.u32 s8, $0x1;
	s6 =	sadd.s32 s31, s6;
	s7 =	sadd.s32 s5, s7  }
0xb: {  	s4 =	ssub.s32 s8, s30;
	s5 =	sadd.s32 $0xE200, s6;
	s6 =	sadd.s32 $0xB5A200, s7  }
0xc: {  	s7 =	simm.s32 $0x2;
	s8 =	simm.s32 $0x80;
	s4 =	smax.u32 s4, $0x1  }
.LBB2_1:
0xd: {  	s17 =	sadd.s32 $0x0, s5  }
0xe: {  	[tilespmem:s1], [sflag:$0x2] =	stream.linear.gather [hbm4b:s17+s1], $0x200, $0x38;
	[tilespmem:$0x8200] =	vst v63  }
0xf: {  	_ =	swait.ge [sflag:s7], $0x200  }
0x10: {  	[sflag:s7] =	ssyncset.done $0x0  }
0x11: {  	[sflag:s7] =	ssyncadd.s32 $0xFFFFFE00  }
0x12: {  	[tilespmem:s9], [sflag:$0x1] =	stream.indirect.gather [hbm4b:s3+s8], $0x40, s1, s8, $0xb8;
	[tilespmem:$0x8200] =	vst v63  }
0x13: {  	_ = 	snop  }
0x14: {  	[tilespmem:s10], [sflag:$0x1] =	stream.indirect.gather [hbm4b:s3+s8], $0x40, s8, s8, $0xb8;
	[tilespmem:$0x8200] =	vst v63  }
0x15: {  	_ = 	snop  }
0x16: {  	[tilespmem:s12], [sflag:$0x1] =	stream.indirect.gather [hbm4b:s3+s8], $0x40, s11, s8, $0xb8;
	[tilespmem:$0x8200] =	vst v63  }
0x17: {  	_ = 	snop  }
0x18: {  	[tilespmem:s14], [sflag:$0x1] =	stream.indirect.gather [hbm4b:s3+s8], $0x40, s13, s8, $0xb8;
	[tilespmem:$0x8200] =	vst v63  }
0x19: {  	_ =	swait.ge [sflag:s15], $0x2000  }
0x1a: {  	[sflag:s15] =	ssyncset.done $0x0  }
0x1b: {  	[sflag:s15] =	ssyncadd.s32 $0xFFFFE000  }
0x1c: {  	_ =	swait.ge [sflag:s15], $0x2000  }
0x1d: {  	[sflag:s15] =	ssyncset.done $0x0  }
0x1e: {  	[sflag:s15] =	ssyncadd.s32 $0xFFFFE000  }
0x1f: {  	_ =	swait.ge [sflag:s15], $0x2000  }
0x20: {  	[sflag:s15] =	ssyncset.done $0x0  }
0x21: {  	[sflag:s15] =	ssyncadd.s32 $0xFFFFE000  }
0x22: {  	_ =	swait.ge [sflag:s15], $0x2000  }
0x23: {  	[sflag:s15] =	ssyncset.done $0x0  }
0x24: {  	[sflag:s15] =	ssyncadd.s32 $0xFFFFE000  }
0x25: {  	[hbm4b:s6+s1] =	stream.linear.scatter [tilespmem:s9], [sflag:$0x2], $0x8000, $0x38;
	[tilespmem:$0x8200] =	vst v63  }
0x26: {  	s18 =	simm.s32 $0x800;
	_ =	swait.ge [sflag:s7], $0x8000  }
0x27: {  	s19 =	simm.s32 $0x1000;
	s17 =	sadd.s32 $0x20000, s6;
	[sflag:s7] =	ssyncset.done $0x0  }
.LBB2_2:
0x28: {  	s20 =	sadd.s32 s18, s5  }
0x29: {  	[sflag:s7] =	ssyncadd.s32 $0xFFFF8000;
	s18 =	smov.u32 s19;
	s21 =	sadd.s32 $0x800, s19  }
0x2a: {  	[tilespmem:s1], [sflag:$0x2] =	stream.linear.gather [hbm4b:s20+s1], $0x200, $0x38;
	[tilespmem:$0x8200] =	vst v63  }
0x2b: {  	p0 =	sne.s32 s19, $0x5800;
	_ =	swait.ge [sflag:s7], $0x200  }
0x2c: {  	[sflag:s7] =	ssyncset.done $0x0  }
0x2d: {  	[sflag:s7] =	ssyncadd.s32 $0xFFFFFE00  }
0x2e: {  	[tilespmem:s9], [sflag:$0x1] =	stream.indirect.gather [hbm4b:s3+s8], $0x40, s1, s8, $0xb8;
	[tilespmem:$0x8200] =	vst v63  }
0x2f: {  	_ = 	snop  }
0x30: {  	[tilespmem:s10], [sflag:$0x1] =	stream.indirect.gather [hbm4b:s3+s8], $0x40, s8, s8, $0xb8;
	[tilespmem:$0x8200] =	vst v63  }
0x31: {  	_ = 	snop  }
0x32: {  	[tilespmem:s12], [sflag:$0x1] =	stream.indirect.gather [hbm4b:s3+s8], $0x40, s11, s8, $0xb8;
	[tilespmem:$0x8200] =	vst v63  }
0x33: {  	_ = 	snop  }
0x34: {  	[tilespmem:s14], [sflag:$0x1] =	stream.indirect.gather [hbm4b:s3+s8], $0x40, s13, s8, $0xb8;
	[tilespmem:$0x8200] =	vst v63  }
0x35: {  	_ =	swait.ge [sflag:s15], $0x2000  }
0x36: {  	[sflag:s15] =	ssyncset.done $0x0  }
0x37: {  	[sflag:s15] =	ssyncadd.s32 $0xFFFFE000  }
0x38: {  	_ =	swait.ge [sflag:s15], $0x2000  }
0x39: {  	[sflag:s15] =	ssyncset.done $0x0  }
0x3a: {  	[sflag:s15] =	ssyncadd.s32 $0xFFFFE000  }
0x3b: {  	_ =	swait.ge [sflag:s15], $0x2000  }
0x3c: {  	[sflag:s15] =	ssyncset.done $0x0  }
0x3d: {  	[sflag:s15] =	ssyncadd.s32 $0xFFFFE000  }
0x3e: {  	_ =	swait.ge [sflag:s15], $0x2000  }
.Ltmp0:
0x3f: {  	[sflag:s15] =	ssyncset.done $0x0;
	(pc) =	sbr.rel @p0 .LBB2_2-.Ltmp0, $4  }
0x40: {  	[sflag:s15] =	ssyncadd.s32 $0xFFFFE000  }
0x41: {  	[hbm4b:s17+s1] =	stream.linear.scatter [tilespmem:s9], [sflag:$0x2], $0x8000, $0x38;
	[tilespmem:$0x8200] =	vst v63  }
0x42: {  	_ =	swait.ge [sflag:s7], $0x8000  }
0x43: {  	s19 =	smov.u32 s21;
	s17 =	sadd.s32 $0x20000, s17;
	[sflag:s7] =	ssyncset.done $0x0  }
0x44: {  	s18 =	sadd.s32 s18, s5;
	[sflag:s7] =	ssyncadd.s32 $0xFFFF8000  }
0x45: {  	[tilespmem:s1], [sflag:$0x2] =	stream.linear.gather [hbm4b:s18+s1], $0x200, $0x38;
	[tilespmem:$0x8200] =	vst v63  }
0x46: {  	_ =	swait.ge [sflag:s7], $0x200  }
0x47: {  	[sflag:s7] =	ssyncset.done $0x0  }
0x48: {  	[sflag:s7] =	ssyncadd.s32 $0xFFFFFE00  }
0x49: {  	[tilespmem:s9], [sflag:$0x1] =	stream.indirect.gather [hbm4b:s3+s8], $0x40, s1, s8, $0xb8;
	[tilespmem:$0x8200] =	vst v63  }
0x4a: {  	_ = 	snop  }
0x4b: {  	[tilespmem:s10], [sflag:$0x1] =	stream.indirect.gather [hbm4b:s3+s8], $0x40, s8, s8, $0xb8;
	[tilespmem:$0x8200] =	vst v63  }
0x4c: {  	_ = 	snop  }
0x4d: {  	[tilespmem:s12], [sflag:$0x1] =	stream.indirect.gather [hbm4b:s3+s8], $0x40, s11, s8, $0xb8;
	[tilespmem:$0x8200] =	vst v63  }
0x4e: {  	_ = 	snop  }
0x4f: {  	[tilespmem:s14], [sflag:$0x1] =	stream.indirect.gather [hbm4b:s3+s8], $0x40, s13, s8, $0xb8;
	[tilespmem:$0x8200] =	vst v63  }
0x50: {  	_ =	swait.ge [sflag:s15], $0x2000  }
0x51: {  	[sflag:s15] =	ssyncset.done $0x0  }
0x52: {  	[sflag:s15] =	ssyncadd.s32 $0xFFFFE000  }
0x53: {  	_ =	swait.ge [sflag:s15], $0x2000  }
0x54: {  	[sflag:s15] =	ssyncset.done $0x0  }
0x55: {  	[sflag:s15] =	ssyncadd.s32 $0xFFFFE000  }
0x56: {  	_ =	swait.ge [sflag:s15], $0x2000  }
0x57: {  	[sflag:s15] =	ssyncset.done $0x0  }
0x58: {  	[sflag:s15] =	ssyncadd.s32 $0xFFFFE000  }
0x59: {  	s16 =	sadd.s32 $0x1, s16;
	_ =	swait.ge [sflag:s15], $0x2000  }
0x5a: {  	p0 =	sne.s32 s16, s4;
	[sflag:s15] =	ssyncset.done $0x0  }
.Ltmp1:
0x5b: {  	[sflag:s15] =	ssyncadd.s32 $0xFFFFE000;
	(pc) =	sbr.rel @p0 .LBB2_1-.Ltmp1, $4  }
0x5c: {  	[hbm4b:s17+s1] =	stream.linear.scatter [tilespmem:s9], [sflag:$0x2], $0x8000, $0x38;
	[tilespmem:$0x8200] =	vst v63  }
0x5d: {  	_ =	swait.ge [sflag:s7], $0x8000  }
0x5e: {  	[sflag:s7] =	ssyncset.done $0x0  }
0x5f: {  	[sflag:s7] =	ssyncadd.s32 $0xFFFF8000  }
0x60: {  	_ =	sfence.sel $0x180000  }
0x61: {  	[bflag:$0x0] =	sbarrier.arrive $0xFFFF  }
0x62: {  	p0 =	sne.s32 s2, $0x0;
	_ =	strace $0x9000004D  }
0x63: {  	s0 =	sadd.s32 @!p0 $0x100000, s0;
	[bflag:$0x2] =	sbarrier.arrive $0xFFFF  }
0x64: {  	[sflag:s0] =	ssyncadd.tile.s32 @!p0 $0x1;
	_ =	shalt  }
.Lfunc_end2:
_tile_overlayer_lowered:
.L_overlay_start_2:
0x65: {  	(tag) =	ssettag $0x2  }
0x66: {  	s0 =	rddreg [dreg:$0x0];
	s2 =	stileid.u32  }
0x67: {  	s1 =	rddreg [dreg:$0x1];
	p0 =	sne.s32 s2, $0x0  }
0x68: {  	s3 =	rddreg [dreg:$0x2];
	[bflag:$0x3] =	sbarrier.arrive $0xFFFF;
	s2 =	simm.s32 @!p0 $0x1C02  }
0x69: {  	[timem:s3], [sflag:s2] =	dma.local @!p0 [hbm:s0], s1  }
0x6a: {  	s0 =	simm.s32 @!p0 $0x2  }
0x6b: {  	_ =	swait.ge @!p0 [sflag:s0], s1  }
0x6c: {  	s1 =	ssub.s32 @!p0 $0x0, s1;
	[sflag:s0] =	ssyncset.done @!p0 $0x0  }
0x6d: {  	[sflag:s0] =	ssyncadd.s32 @!p0 s1  }
0x6e: {  	[bflag:$0x3] =	sbarrier.arrive $0xFFFF  }
0x6f: {  	_ =	shalt  }

// kernel: kernel.20.cloned.1.call-start
scs
__scs_entry_jumppad:
0x0: {  	(pc) =	sbr.rel $0x88, $3  }
0x1: {  	(tag) =	ssettag $0x0;
	lr =	simm.s32 $0x1  }
0x2: {  	[smem:$0x3F9D] =	sst lr;
	_ =	strace $0xD0000000  }
0x3: {  	_ = 	snop  }
0x4: {  	_ = 	snop  }
0x5: {  	_ = 	snop  }
0x6: {  	_ = 	snop  }
0x7: {  	_ = 	snop  }
__scs_overlays_trampoline_lowered:
0x8: {  	[smem:$0x3FAC] =	sst s0  }
0x9: {  	[smem:$0x3FAD] =	sst s1  }
0xa: {  	[smem:$0x3FAE] =	sst s2  }
0xb: {  	[smem:$0x3FAF] =	sst s3  }
0xc: {  	[smem:$0x3FB0] =	sst s4  }
0xd: {  	[smem:$0x3FB1] =	sst s5  }
0xe: {  	[smem:$0x3FB2] =	sst s6  }
0xf: {  	[smem:$0x3FB3] =	sst s7  }
0x10: {  	[smem:$0x3FB4] =	sst s8  }
0x11: {  	[smem:$0x3FB5] =	sst s9;
	s0 =	simm.s32 @!p0 $0x0  }
0x12: {  	s1 =	sld [smem:$0x3F9B];
	s0 =	simm.s32 @p0 $0x1  }
0x13: {  	[smem:$0x3FB6] =	sst s0;
	s0 =	simm.s32 @!p1 $0x0  }
0x14: {  	s2 =	sld [smem:$0x3F9A];
	s0 =	simm.s32 @p1 $0x1  }
0x15: {  	[smem:$0x3FB7] =	sst s0;
	s0 =	simm.s32 @!p2 $0x0  }
0x16: {  	s3 =	sld [smem:$0x3FDB];
	s0 =	simm.s32 @p2 $0x1  }
0x17: {  	s4 =	simm.s32 $0x1BF5;
	[smem:$0x3FB9] =	sst s0  }
0x18: {  	s0 =	sld [smem:$0x3F9C];
	_ =	swait.ge [sflag:s4], $0x0  }
0x19: {  	s7 =	sld [smem:$0x3F9D]  }
0x1a: {  	s8 =	sadd.s32 $0xFFFFE003, lr  }
0x1b: {  	s9 =	sadd.s32 $0xFFFFFEF7, lr;
	s5 =	simm.s32 $0xFFFFFFFF;
	p2 =	slt.u32 s8, $0xFFFFF086  }
0x1c: {  	p1 =	slt.u32 s9, $0xF7A;
	s5 =	simm.s32 @!p2 $0x0  }
0x1d: {  	s5 =	simm.s32 @p1 $0x1;
	p0 =	seq.s32 s7, s2  }
0x1e: {  	s7 =	smul.u32 @!p0 $0xF7A, s2;
	p2 =	seq.s32 @!p0 s5, $0x0  }
0x1f: {  	s9 =	smul.u32 $0xF7A, s1;
	s8 =	simm.s32 @!p0 $0x1BF5;
	p2 =	por !p2, p0  }
0x20: {  	[sflag:s8] =	ssyncset.s32 @!p0 $0xFFFFF086;
	s6 =	sadd.s32 @!p0 s3, s7;
	s7 =	simm.s32 @!p0 $0x108  }
0x21: {  	s3 =	sadd.s32 s3, s9;
	s6 =	sadd.s32 @!p0 $0x88, s6;
	s7 =	simm.s32 @p2 $0x1082  }
0x22: {  	[simem:s7], [sflag:s8] =	dma.local @!p0 [hbm:s6], $0xF7A  }
0x23: {  	s9 =	sor.u32 $0xD0000000, s2;
	s6 =	simm.s32 $0x108;
	_ =	swait.ge @!p0 [sflag:s8], $0x0  }
0x24: {  	s3 =	sadd.s32 $0x88, s3;
	s6 =	simm.s32 @!p1 $0x1082;
	[sflag:s4] =	ssyncset.s32 $0xFFFFF086  }
0x25: {  	[simem:s6], [sflag:s4] =	dma.local [hbm:s3], $0xF7A  }
0x26: {  	[smem:$0x3F9D] =	sst s1;
	(tag) =	ssettag s2;
	_ =	strace s9  }
0x27: {  	s1 =	sld [smem:$0x3FAD]  }
0x28: {  	s2 =	sld [smem:$0x3FAE]  }
0x29: {  	s4 =	sld [smem:$0x3FB0]  }
0x2a: {  	p0 =	seq.s32 s5, $0x0;
	s5 =	sld [smem:$0x3FB1]  }
0x2b: {  	s6 =	sld [smem:$0x3FB2]  }
0x2c: {  	s7 =	sld [smem:$0x3FB3]  }
0x2d: {  	s3 =	simm.s32 $0x108;
	s8 =	sld [smem:$0x3FB4]  }
0x2e: {  	s3 =	simm.s32 @!p0 $0x1082;
	s9 =	sld [smem:$0x3FB5]  }
0x2f: {  	lr =	sadd.s32 s0, s3;
	s0 =	sld [smem:$0x3FAC]  }
0x30: {  	s3 =	sld [smem:$0x3FAF]  }
0x31: {  	[smem:$0x3FB8] =	sst s10  }
0x32: {  	s10 =	sld [smem:$0x3FB6];
	_ =	sdelay $0x3  }
0x33: {  	p0 =	seq.s32 s10, $0x1;
	s10 =	sld [smem:$0x3FB8];
	_ =	sdelay $0x3  }
0x34: {  	[smem:$0x3FB8] =	sst s10  }
0x35: {  	s10 =	sld [smem:$0x3FB7];
	_ =	sdelay $0x3  }
0x36: {  	p1 =	seq.s32 s10, $0x1;
	s10 =	sld [smem:$0x3FB8];
	_ =	sdelay $0x3  }
0x37: {  	[smem:$0x3FB8] =	sst s10  }
0x38: {  	s10 =	sld [smem:$0x3FB9]  }
0x39: {  	_ = 	snop;
	(pc) =	sbr.ind lr, $3  }
0x3a: {  	_ = 	snop  }
0x3b: {  	_ = 	snop  }
0x3c: {  	p2 =	seq.s32 s10, $0x1;
	s10 =	sld [smem:$0x3FB8]  }
0x3d: {  	_ =	shalt  }
0x3e: {  	_ =	shalt  }
0x3f: {  	_ =	shalt  }
0x40: {  	_ =	shalt  }
0x41: {  	_ =	shalt  }
0x42: {  	_ =	shalt  }
0x43: {  	_ =	shalt  }
0x44: {  	_ =	shalt  }
0x45: {  	_ =	shalt  }
0x46: {  	_ =	shalt  }
0x47: {  	_ =	shalt  }
0x48: {  	_ =	shalt  }
0x49: {  	_ =	shalt  }
0x4a: {  	_ =	shalt  }
0x4b: {  	_ =	shalt  }
0x4c: {  	_ =	shalt  }
0x4d: {  	_ =	shalt  }
0x4e: {  	_ =	shalt  }
0x4f: {  	_ =	shalt  }
0x50: {  	_ =	shalt  }
0x51: {  	_ =	shalt  }
0x52: {  	_ =	shalt  }
0x53: {  	_ =	shalt  }
0x54: {  	_ =	shalt  }
0x55: {  	_ =	shalt  }
0x56: {  	_ =	shalt  }
0x57: {  	_ =	shalt  }
0x58: {  	_ =	shalt  }
0x59: {  	_ =	shalt  }
0x5a: {  	_ =	shalt  }
0x5b: {  	_ =	shalt  }
0x5c: {  	_ =	shalt  }
0x5d: {  	_ =	shalt  }
0x5e: {  	_ =	shalt  }
0x5f: {  	_ =	shalt  }
0x60: {  	_ =	shalt  }
0x61: {  	_ =	shalt  }
0x62: {  	_ =	shalt  }
0x63: {  	_ =	shalt  }
0x64: {  	_ =	shalt  }
0x65: {  	_ =	shalt  }
0x66: {  	_ =	shalt  }
0x67: {  	_ =	shalt  }
0x68: {  	_ =	shalt  }
0x69: {  	_ =	shalt  }
0x6a: {  	_ =	shalt  }
0x6b: {  	_ =	shalt  }
0x6c: {  	_ =	shalt  }
0x6d: {  	_ =	shalt  }
0x6e: {  	_ =	shalt  }
0x6f: {  	_ =	shalt  }
0x70: {  	_ =	shalt  }
0x71: {  	_ =	shalt  }
0x72: {  	_ =	shalt  }
0x73: {  	_ =	shalt  }
0x74: {  	_ =	shalt  }
0x75: {  	_ =	shalt  }
0x76: {  	_ =	shalt  }
0x77: {  	_ =	shalt  }
0x78: {  	_ =	shalt  }
0x79: {  	_ =	shalt  }
0x7a: {  	_ =	shalt  }
0x7b: {  	_ =	shalt  }
0x7c: {  	_ =	shalt  }
0x7d: {  	_ =	shalt  }
0x7e: {  	_ =	shalt  }
0x7f: {  	_ =	shalt  }
0x80: {  	_ =	shalt  }
0x81: {  	_ =	shalt  }
0x82: {  	_ =	shalt  }
0x83: {  	_ =	shalt  }
0x84: {  	_ =	shalt  }
0x85: {  	_ =	shalt  }
0x86: {  	_ =	shalt  }
0x87: {  	_ =	shalt  }
.Lfunc_end0:
.L_simem_size_0:
called_computation.3_lowered:
.L_overlay_start_0:
0x88: {  	s2 =	sld [smem:$0x3FD9]  }
0x89: {  	s3 =	sld [smem:$0x3FFE];
	_ =	sdelay $0x1  }
0x8a: {  	s1 =	srdreg.scid  }
0x8b: {  	s0 =	sand.u32 $0x1, s1  }
0x8c: {  	s17 =	sshll.u32 s0, $0xA;
	s2 =	sadd.s32 s3, s2  }
0x8d: {  	s2 =	sadd.s32 s2, s17  }
0x8e: {  	[smem:$0x3FC4] =	sst s2  }
0x8f: {  	_ = 	snop  }
0x90: {  	(tm) =	ssettm $0x1  }
0x91: {  	s18 =	sld [smem:$0x3FFB];
	_ =	sdelay $0x3  }
0x92: {  	_ =	strace s18  }
0x93: {  	s2 =	sld [smem:$0x3FFC];
	_ =	sdelay $0x3  }
0x94: {  	_ =	strace s2  }
0x95: {  	s2 =	sld [smem:$0x3FFD];
	_ =	sdelay $0x3  }
0x96: {  	_ =	strace s2  }
0x97: {  	_ =	strace $0x8FFFFFFF  }
0x98: {  	s19 =	sld [smem:$0x3FDB];
	_ =	sdelay $0x1  }
0x99: {  	s20 =	simm.s32 $_scs_section_size  }
0x9a: {  	s4 =	simm.s32 $_size__tile_overlayer_lowered;
	s5 =	simm.s32 $_tile_overlayer_lowered  }
0x9b: {  	s6 =	simm.s32 $0x1BFF;
	s21 =	sshll.u32 s5, $0x1;
	s3 =	sadd.s32 s20, s19  }
0x9c: {  	s22 =	simm.s32 $0x0;
	s4 =	sshll.u32 s4, $0x1;
	s5 =	sadd.s32 s21, s3  }
0x9d: {  	[timem:s22], [sflag:s6] =	dma.local [hbm:s5], s4  }
0x9e: {  	_ =	swait.ge [sflag:s6], s4  }
0x9f: {  	s4 =	ssub.s32 $0x0, s4;
	[sflag:s6] =	ssyncset.done $0x0  }
0xa0: {  	[sflag:s6] =	ssyncadd.s32 s4;
	_ =	sdelay $0x1  }
0xa1: {  	s23 =	simm.s32 $0x1B8B  }
0xa2: {  	_ =	swait.ge [sflag:s23], $0x1  }
0xa3: {  	[sflag:s23] =	ssyncset.done $0x0  }
0xa4: {  	[sflag:s23] =	ssyncadd.s32 $0xFFFFFFFF  }
0xa5: {  	s4 =	sld [smem:$0x0]  }
0xa6: {  	s5 =	sand.u32 $0xFFFFFFFE, s1  }
0xa7: {  	p0 =	sne.s32 s1, s5  }
0xa8: {  	s5 =	sshll.u32 @p0 s5, $0xE  }
0xa9: {  	s5 =	sadd.s32 @p0 $0x11B8D, s5;
	s6 =	sshll.u32 @p0 s4, $0x11  }
0xaa: {  	s5 =	sor.u32 @p0 s6, s5  }
0xab: {  	[sflag:s5] =	ssyncadd.remote.s32 @p0 $0x1;
	_ =	sdelay $0x1  }
0xac: {  	s5 =	simm.s32 @p0 $0x1B8D  }
0xad: {  	_ =	swait.eq @p0 [sflag:s5], $0x1  }
0xae: {  	[sflag:s5] =	ssyncadd.s32 @p0 $0xFFFFFFFF  }
0xaf: {  	s6 =	sshll.u32 @!p0 s1, $0xE  }
0xb0: {  	s6 =	sor.u32 @!p0 $0x4000, s6;
	s5 =	simm.s32 @!p0 $0x1B8D  }
0xb1: {  	s4 =	sshll.u32 @!p0 s4, $0x11;
	s6 =	sadd.s32 @!p0 $0x11B8D, s6;
	_ =	swait.eq @!p0 [sflag:s5], $0x1  }
0xb2: {  	s4 =	sor.u32 @!p0 s4, s6;
	[sflag:s5] =	ssyncadd.s32 @!p0 $0xFFFFFFFF  }
0xb3: {  	s25 =	simm.s32 $0x1B8E;
	s24 =	sld [smem:$0x3FFE];
	[sflag:s4] =	ssyncadd.remote.s32 @!p0 $0x1  }
0xb4: {  	s26 =	simm.s32 $execute0_lowered;
	[smem:$0x3FD2] =	sst s25  }
0xb5: {  	s5 =	sshll.u32 s26, $0x1;
	_ =	strace $0x8000004F;
	[dreg:$0x1] =	wrdreg $0xFFFFFFFF  }
0xb6: {  	s28 =	simm.s32 $_size_execute0_lowered;
	s3 =	sadd.s32 s3, s5;
	[dreg:$0x0] =	wrdreg $0x0  }
0xb7: {  	s5 =	sshll.u32 s28, $0x1;
	[dreg:$0x2] =	wrdreg s3  }
0xb8: {  	[dreg:$0x3] =	wrdreg s5  }
0xb9: {  	[dreg:$0x4] =	wrdreg $0xC0  }
0xba: {  	_ =	task [dreg:s22], $0x5FFFF  }
0xbb: {  	[dreg:$0x1] =	wrdreg $0xFFFFFFFF  }
0xbc: {  	[dreg:$0x0] =	wrdreg $0x60  }
0xbd: {  	[dreg:$0x2] =	wrdreg s24  }
0xbe: {  	[dreg:$0x3] =	wrdreg $0xC  }
0xbf: {  	_ =	task.clear_ibuf [dreg:s22], $0x4FFFF;
	_ =	strace $0x9000004F  }
0xc0: {  	s29 =	simm.s32 $0xC;
	_ =	strace $0x80000051  }
0xc1: {  	_ =	swait.ge [sflag:s29], $0x1  }
0xc2: {  	[sflag:s29] =	ssyncadd.s32 $0xFFFFFFFF  }
0xc3: {  	_ =	strace $0x90000051  }
0xc4: {  	_ =	sfence  }
0xc5: {  	s30 =	sld [smem:$0x0];
	_ =	sdelay $0x2  }
0xc6: {  	s31 =	sshll.u32 s1, $0xD;
	s1 =	sshrl.u32 s1, $0x2  }
0xc7: {  	s4 =	sand.u32 $0x4000, s31;
	s1 =	sadd.s32 s1, s30  }
0xc8: {  	s0 =	sor.u32 s4, s0;
	s1 =	sshll.u32 s1, $0x11  }
0xc9: {  	s0 =	sor.u32 s1, s0  }
0xca: {  	s0 =	sadd.s32 $0x8F2B, s0  }
0xcb: {  	[sflag:s0] =	ssyncadd.remote.s32 $0x1  }
0xcc: {  	_ =	sfence.sel $0xFFFF  }
0xcd: {  	[dreg:$0x0] =	wrdreg $0xFFFFFFFF;
	(pc) =	sbr.abs _section_cstart, $3  }
0xce: {  	[dreg:$0x1] =	wrdreg $0xFFFFFFFF  }
0xcf: {  	_ =	task.clear_ibuf [dreg:s22], $0x2FFFF;
	_ =	strace $0x9FFFFFFF  }
0xd0: {  	(tm) =	ssettm $0x7FFFFFFF  }
0xd1: {  	_ =	shalt  }
tec
execute0_lowered:
.L_overlay_start_1:
0x0: {  	(tag) =	ssettag $0x1  }
0x1: {  	s4 =	rddreg [dreg:$0x0]  }
0x2: {  	s0 =	rddreg [dreg:$0x1];
	s1 =	simm.s32 $0x0  }
0x3: {  	s5 =	srdreg.scid;
	s2 =	stileid.u32;
	s9 =	simm.s32 $0x200  }
0x4: {  	s10 =	simm.s32 $0x2200;
	s11 =	simm.s32 $0x100;
	s12 =	simm.s32 $0x4200  }
0x5: {  	s13 =	simm.s32 $0x180;
	s14 =	simm.s32 $0x6200;
	s15 =	simm.s32 $0x1  }
0x6: {  	s16 =	simm.s32 $0x0;
	[smem:$0x7FF] =	sst s1;
	s3 =	sadd.s32 $0x1A200, s4  }
0x7: {  	s5 =	sand.u32 $0x1, s5;
	s6 =	sshll.u32 s2, $0x7;
	s7 =	sshll.u32 s2, $0xD  }
0x8: {  	_ =	strace $0x80000050;
	s8 =	ssub.s32 $0x2, s5;
	s6 =	sadd.s32 s6, s4  }
0x9: {  	s7 =	sadd.s32 s7, s4;
	s31 =	sshll.u32 s5, $0x6;
	s5 =	sshll.u32 s5, $0xC  }
0xa: {  	s30 =	sshrl.u32 s8, $0x1;
	s6 =	sadd.s32 s31, s6;
	s7 =	sadd.s32 s5, s7  }
0xb: {  	s4 =	ssub.s32 s8, s30;
	s5 =	sadd.s32 $0x14200, s6;
	s6 =	sadd.s32 $0xCDA200, s7  }
0xc: {  	s7 =	simm.s32 $0x2;
	s8 =	simm.s32 $0x80;
	s4 =	smax.u32 s4, $0x1  }
.LBB2_1:
0xd: {  	s17 =	sadd.s32 $0x0, s5  }
0xe: {  	[tilespmem:s1], [sflag:$0x2] =	stream.linear.gather [hbm4b:s17+s1], $0x200, $0x38;
	[tilespmem:$0x8200] =	vst v63  }
0xf: {  	_ =	swait.ge [sflag:s7], $0x200  }
0x10: {  	[sflag:s7] =	ssyncset.done $0x0  }
0x11: {  	[sflag:s7] =	ssyncadd.s32 $0xFFFFFE00  }
0x12: {  	[tilespmem:s9], [sflag:$0x1] =	stream.indirect.gather [hbm4b:s3+s8], $0x40, s1, s8, $0xb8;
	[tilespmem:$0x8200] =	vst v63  }
0x13: {  	_ = 	snop  }
0x14: {  	[tilespmem:s10], [sflag:$0x1] =	stream.indirect.gather [hbm4b:s3+s8], $0x40, s8, s8, $0xb8;
	[tilespmem:$0x8200] =	vst v63  }
0x15: {  	_ = 	snop  }
0x16: {  	[tilespmem:s12], [sflag:$0x1] =	stream.indirect.gather [hbm4b:s3+s8], $0x40, s11, s8, $0xb8;
	[tilespmem:$0x8200] =	vst v63  }
0x17: {  	_ = 	snop  }
0x18: {  	[tilespmem:s14], [sflag:$0x1] =	stream.indirect.gather [hbm4b:s3+s8], $0x40, s13, s8, $0xb8;
	[tilespmem:$0x8200] =	vst v63  }
0x19: {  	_ =	swait.ge [sflag:s15], $0x2000  }
0x1a: {  	[sflag:s15] =	ssyncset.done $0x0  }
0x1b: {  	[sflag:s15] =	ssyncadd.s32 $0xFFFFE000  }
0x1c: {  	_ =	swait.ge [sflag:s15], $0x2000  }
0x1d: {  	[sflag:s15] =	ssyncset.done $0x0  }
0x1e: {  	[sflag:s15] =	ssyncadd.s32 $0xFFFFE000  }
0x1f: {  	_ =	swait.ge [sflag:s15], $0x2000  }
0x20: {  	[sflag:s15] =	ssyncset.done $0x0  }
0x21: {  	[sflag:s15] =	ssyncadd.s32 $0xFFFFE000  }
0x22: {  	_ =	swait.ge [sflag:s15], $0x2000  }
0x23: {  	[sflag:s15] =	ssyncset.done $0x0  }
0x24: {  	[sflag:s15] =	ssyncadd.s32 $0xFFFFE000  }
0x25: {  	[hbm4b:s6+s1] =	stream.linear.scatter [tilespmem:s9], [sflag:$0x2], $0x8000, $0x38;
	[tilespmem:$0x8200] =	vst v63  }
0x26: {  	s18 =	simm.s32 $0x800;
	_ =	swait.ge [sflag:s7], $0x8000  }
0x27: {  	s19 =	simm.s32 $0x1000;
	s17 =	sadd.s32 $0x20000, s6;
	[sflag:s7] =	ssyncset.done $0x0  }
.LBB2_2:
0x28: {  	s20 =	sadd.s32 s18, s5  }
0x29: {  	[sflag:s7] =	ssyncadd.s32 $0xFFFF8000;
	s18 =	smov.u32 s19;
	s21 =	sadd.s32 $0x800, s19  }
0x2a: {  	[tilespmem:s1], [sflag:$0x2] =	stream.linear.gather [hbm4b:s20+s1], $0x200, $0x38;
	[tilespmem:$0x8200] =	vst v63  }
0x2b: {  	p0 =	sne.s32 s19, $0x5800;
	_ =	swait.ge [sflag:s7], $0x200  }
0x2c: {  	[sflag:s7] =	ssyncset.done $0x0  }
0x2d: {  	[sflag:s7] =	ssyncadd.s32 $0xFFFFFE00  }
0x2e: {  	[tilespmem:s9], [sflag:$0x1] =	stream.indirect.gather [hbm4b:s3+s8], $0x40, s1, s8, $0xb8;
	[tilespmem:$0x8200] =	vst v63  }
0x2f: {  	_ = 	snop  }
0x30: {  	[tilespmem:s10], [sflag:$0x1] =	stream.indirect.gather [hbm4b:s3+s8], $0x40, s8, s8, $0xb8;
	[tilespmem:$0x8200] =	vst v63  }
0x31: {  	_ = 	snop  }
0x32: {  	[tilespmem:s12], [sflag:$0x1] =	stream.indirect.gather [hbm4b:s3+s8], $0x40, s11, s8, $0xb8;
	[tilespmem:$0x8200] =	vst v63  }
0x33: {  	_ = 	snop  }
0x34: {  	[tilespmem:s14], [sflag:$0x1] =	stream.indirect.gather [hbm4b:s3+s8], $0x40, s13, s8, $0xb8;
	[tilespmem:$0x8200] =	vst v63  }
0x35: {  	_ =	swait.ge [sflag:s15], $0x2000  }
0x36: {  	[sflag:s15] =	ssyncset.done $0x0  }
0x37: {  	[sflag:s15] =	ssyncadd.s32 $0xFFFFE000  }
0x38: {  	_ =	swait.ge [sflag:s15], $0x2000  }
0x39: {  	[sflag:s15] =	ssyncset.done $0x0  }
0x3a: {  	[sflag:s15] =	ssyncadd.s32 $0xFFFFE000  }
0x3b: {  	_ =	swait.ge [sflag:s15], $0x2000  }
0x3c: {  	[sflag:s15] =	ssyncset.done $0x0  }
0x3d: {  	[sflag:s15] =	ssyncadd.s32 $0xFFFFE000  }
0x3e: {  	_ =	swait.ge [sflag:s15], $0x2000  }
.Ltmp0:
0x3f: {  	[sflag:s15] =	ssyncset.done $0x0;
	(pc) =	sbr.rel @p0 .LBB2_2-.Ltmp0, $4  }
0x40: {  	[sflag:s15] =	ssyncadd.s32 $0xFFFFE000  }
0x41: {  	[hbm4b:s17+s1] =	stream.linear.scatter [tilespmem:s9], [sflag:$0x2], $0x8000, $0x38;
	[tilespmem:$0x8200] =	vst v63  }
0x42: {  	_ =	swait.ge [sflag:s7], $0x8000  }
0x43: {  	s19 =	smov.u32 s21;
	s17 =	sadd.s32 $0x20000, s17;
	[sflag:s7] =	ssyncset.done $0x0  }
0x44: {  	s18 =	sadd.s32 s18, s5;
	[sflag:s7] =	ssyncadd.s32 $0xFFFF8000  }
0x45: {  	[tilespmem:s1], [sflag:$0x2] =	stream.linear.gather [hbm4b:s18+s1], $0x200, $0x38;
	[tilespmem:$0x8200] =	vst v63  }
0x46: {  	_ =	swait.ge [sflag:s7], $0x200  }
0x47: {  	[sflag:s7] =	ssyncset.done $0x0  }
0x48: {  	[sflag:s7] =	ssyncadd.s32 $0xFFFFFE00  }
0x49: {  	[tilespmem:s9], [sflag:$0x1] =	stream.indirect.gather [hbm4b:s3+s8], $0x40, s1, s8, $0xb8;
	[tilespmem:$0x8200] =	vst v63  }
0x4a: {  	_ = 	snop  }
0x4b: {  	[tilespmem:s10], [sflag:$0x1] =	stream.indirect.gather [hbm4b:s3+s8], $0x40, s8, s8, $0xb8;
	[tilespmem:$0x8200] =	vst v63  }
0x4c: {  	_ = 	snop  }
0x4d: {  	[tilespmem:s12], [sflag:$0x1] =	stream.indirect.gather [hbm4b:s3+s8], $0x40, s11, s8, $0xb8;
	[tilespmem:$0x8200] =	vst v63  }
0x4e: {  	_ = 	snop  }
0x4f: {  	[tilespmem:s14], [sflag:$0x1] =	stream.indirect.gather [hbm4b:s3+s8], $0x40, s13, s8, $0xb8;
	[tilespmem:$0x8200] =	vst v63  }
0x50: {  	_ =	swait.ge [sflag:s15], $0x2000  }
0x51: {  	[sflag:s15] =	ssyncset.done $0x0  }
0x52: {  	[sflag:s15] =	ssyncadd.s32 $0xFFFFE000  }
0x53: {  	_ =	swait.ge [sflag:s15], $0x2000  }
0x54: {  	[sflag:s15] =	ssyncset.done $0x0  }
0x55: {  	[sflag:s15] =	ssyncadd.s32 $0xFFFFE000  }
0x56: {  	_ =	swait.ge [sflag:s15], $0x2000  }
0x57: {  	[sflag:s15] =	ssyncset.done $0x0  }
0x58: {  	[sflag:s15] =	ssyncadd.s32 $0xFFFFE000  }
0x59: {  	s16 =	sadd.s32 $0x1, s16;
	_ =	swait.ge [sflag:s15], $0x2000  }
0x5a: {  	p0 =	sne.s32 s16, s4;
	[sflag:s15] =	ssyncset.done $0x0  }
.Ltmp1:
0x5b: {  	[sflag:s15] =	ssyncadd.s32 $0xFFFFE000;
	(pc) =	sbr.rel @p0 .LBB2_1-.Ltmp1, $4  }
0x5c: {  	[hbm4b:s17+s1] =	stream.linear.scatter [tilespmem:s9], [sflag:$0x2], $0x8000, $0x38;
	[tilespmem:$0x8200] =	vst v63  }
0x5d: {  	_ =	swait.ge [sflag:s7], $0x8000  }
0x5e: {  	[sflag:s7] =	ssyncset.done $0x0  }
0x5f: {  	[sflag:s7] =	ssyncadd.s32 $0xFFFF8000  }
0x60: {  	_ =	sfence.sel $0x180000  }
0x61: {  	[bflag:$0x0] =	sbarrier.arrive $0xFFFF  }
0x62: {  	p0 =	sne.s32 s2, $0x0;
	_ =	strace $0x90000050  }
0x63: {  	s0 =	sadd.s32 @!p0 $0x100000, s0;
	[bflag:$0x2] =	sbarrier.arrive $0xFFFF  }
0x64: {  	[sflag:s0] =	ssyncadd.tile.s32 @!p0 $0x1;
	_ =	shalt  }
.Lfunc_end2:
_tile_overlayer_lowered:
.L_overlay_start_2:
0x65: {  	(tag) =	ssettag $0x2  }
0x66: {  	s0 =	rddreg [dreg:$0x0];
	s2 =	stileid.u32  }
0x67: {  	s1 =	rddreg [dreg:$0x1];
	p0 =	sne.s32 s2, $0x0  }
0x68: {  	s3 =	rddreg [dreg:$0x2];
	[bflag:$0x3] =	sbarrier.arrive $0xFFFF;
	s2 =	simm.s32 @!p0 $0x1C02  }
0x69: {  	[timem:s3], [sflag:s2] =	dma.local @!p0 [hbm:s0], s1  }
0x6a: {  	s0 =	simm.s32 @!p0 $0x2  }
0x6b: {  	_ =	swait.ge @!p0 [sflag:s0], s1  }
0x6c: {  	s1 =	ssub.s32 @!p0 $0x0, s1;
	[sflag:s0] =	ssyncset.done @!p0 $0x0  }
0x6d: {  	[sflag:s0] =	ssyncadd.s32 @!p0 s1  }
0x6e: {  	[bflag:$0x3] =	sbarrier.arrive $0xFFFF  }
0x6f: {  	_ =	shalt  }

</sc_bundles>
